<compile_context>
chip_gen: v7x
topology: tpu7x:2x2x1
jax: 0.10.2.dev20260603
libtpu: 0.0.44.dev20260713+nightly
codegen_flags: <defaults>
</compile_context>

<pallas_src>
import functools

import jax
import jax.numpy as jnp
from jax import lax
from jax.experimental import pallas as pl
from jax.experimental.pallas import tpu as pltpu
from jax.experimental.pallas import tpu_sc as plsc

N = 10000
E = 320000
D = 128
H = 128
C = 2
K_L = 5
K_G = 10

NTILES = 16
NP = 10240
NPT = NP // NTILES
EPT = E // NTILES
TREP = 16 * (K_G + 1)
EDGE_UNROLL = 25


def _rsqrt_newton(d):
    i = plsc.bitcast(d, jnp.int32)
    i = jnp.int32(0x5F3759DF) - lax.shift_right_logical(i, 1)
    y = plsc.bitcast(i, jnp.float32)
    for _ in range(4):
        y = y * (1.5 - 0.5 * d * y * y)
    return y


def _tc_mlp_body(x_ref, w1l_ref, b1l_ref, w2l_ref, b2l_ref,
                 w1g_ref, b1g_ref, w2g_ref, b2g_ref,
                 h1l_ref, h1g_ref, z4_ref):
    x = x_ref[...]
    for b, (w1_ref, b1_ref, w2_ref, b2_ref, h1_ref) in enumerate((
        (w1l_ref, b1l_ref, w2l_ref, b2l_ref, h1l_ref),
        (w1g_ref, b1g_ref, w2g_ref, b2g_ref, h1g_ref),
    )):
        h1 = lax.dot_general(x, w1_ref[...], (((1,), (1,)), ((), ())))
        h1 = jnp.maximum(h1 + b1_ref[...][None, :], 0.0)
        h1_ref[...] = h1
        z = lax.dot_general(w2_ref[...], h1, (((1,), (1,)), ((), ())))
        z = jnp.pad(z + b2_ref[...][:, None], ((0, 0), (0, NP - N)))
        z4_ref[2 * b:2 * b + 2, :] = z


_tc_mlp = pl.pallas_call(
    _tc_mlp_body,
    out_shape=(
        jax.ShapeDtypeStruct((N, H), jnp.float32),
        jax.ShapeDtypeStruct((N, H), jnp.float32),
        jax.ShapeDtypeStruct((4, NP), jnp.float32),
    ),
)


def _tc_lsm_body(h2_ref, pl_ref, pg_ref):
    v = h2_ref[...]
    for b, out_ref in ((0, pl_ref), (1, pg_ref)):
        vb = v[2 * b:2 * b + 2, :]
        m = jnp.max(vb, axis=0, keepdims=True)
        lse = m + jnp.log(jnp.sum(jnp.exp(vb - m), axis=0, keepdims=True))
        out_ref[...] = vb - lse


_tc_lsm = pl.pallas_call(
    _tc_lsm_body,
    out_shape=(
        jax.ShapeDtypeStruct((C, NP), jnp.float32),
        jax.ShapeDtypeStruct((C, NP), jnp.float32),
    ),
)


_sc_mesh = plsc.VectorSubcoreMesh(core_axis_name="c", subcore_axis_name="s")


@functools.partial(
    pl.kernel,
    out_type=jax.ShapeDtypeStruct((4 * NP,), jnp.float32),
    mesh=_sc_mesh,
    compiler_params=pltpu.CompilerParams(needs_layout_passes=False),
    scratch_types=[
        pltpu.VMEM((EPT,), jnp.int32),
        pltpu.VMEM((EPT,), jnp.int32),
        pltpu.VMEM((NP,), jnp.float32),
        pltpu.VMEM((NP,), jnp.float32),
        pltpu.VMEM((NP,), jnp.float32),
        pltpu.VMEM((NP,), jnp.float32),
        pltpu.VMEM((NTILES, NPT), jnp.float32),
        pltpu.VMEM((NTILES, NPT), jnp.float32),
        pltpu.VMEM((NPT,), jnp.float32),
        pltpu.VMEM((NPT,), jnp.float32),
        pltpu.VMEM((NPT,), jnp.float32),
        pltpu.VMEM((NPT,), jnp.float32),
        pltpu.VMEM((NPT,), jnp.float32),
        pltpu.VMEM((NPT,), jnp.float32),
        pltpu.VMEM((TREP,), jnp.float32),
        pltpu.SemaphoreType.DMA,
        pltpu.SemaphoreType.DMA,
        pltpu.SemaphoreType.DMA,
        pltpu.SemaphoreType.DMA,
        pltpu.VMEM_SHARED((2, NTILES, NP), jnp.float32),
        pltpu.VMEM_SHARED((2, NP), jnp.float32),
    ],
)
def _sc_prop(src_hbm, dst_hbm, z_all, temp_rep, out,
             src_v, dst_v, y0_v, y1_v, s0_v, s1_v, part_v, part2_v,
             ysl0_v, ysl1_v, hid0_v, hid1_v, dinv_v, red_v, tsp_v,
             sem0, sem1, sem2, sem3, sh_p, sh_y):
    c = lax.axis_index("c")
    sid = lax.axis_index("s")
    zeros16 = jnp.zeros((16,), jnp.float32)
    ones16 = jnp.ones((16,), jnp.float32)
    n0 = sid * NPT

    pltpu.sync_copy(src_hbm.at[pl.ds(sid * EPT, EPT)], src_v)
    pltpu.sync_copy(dst_hbm.at[pl.ds(sid * EPT, EPT)], dst_v)
    pltpu.sync_copy(temp_rep.at[pl.ds(c * TREP, TREP)], tsp_v)

    def zero_buf(buf):
        @plsc.parallel_loop(0, NP // 16, 1, unroll=8)
        def zero_body(i):
            buf[pl.ds(i * 16, 16)] = zeros16

    def zero_s(_=None):
        zero_buf(s0_v)
        zero_buf(s1_v)

    def sum_slab(slab, dst_buf):
        @plsc.parallel_loop(0, NPT // 16, 1, unroll=4)
        def red_body(i):
            acc = slab[0, pl.ds(i * 16, 16)]
            for t in range(1, NTILES):
                acc = acc + slab[t, pl.ds(i * 16, 16)]
            dst_buf[pl.ds(i * 16, 16)] = acc

    def reduce_partials(ch, dst_buf):
        pltpu.sync_copy(sh_p.at[ch, pl.ds(0, NTILES), pl.ds(n0, NPT)],
                        part_v)
        sum_slab(part_v, dst_buf)

    zero_s()

    @plsc.parallel_loop(0, EPT // 16, 1, unroll=EDGE_UNROLL)
    def deg_body(i):
        d16 = dst_v[pl.ds(i * 16, 16)]
        plsc.addupdate_scatter(s0_v, [d16], ones16)
    pltpu.sync_copy(s0_v, sh_p.at[0, sid])
    plsc.subcore_barrier()

    reduce_partials(0, red_v)

    def dinv_body(i, _):
        d = red_v[pl.ds(i * 16, 16)] + 1.0
        dinv_v[pl.ds(i * 16, 16)] = _rsqrt_newton(d)
        return 0

    lax.fori_loop(0, NPT // 16, dinv_body, 0)

    @plsc.parallel_loop(0, NP // 16, 1, unroll=8)
    def zero_s0_body(i):
        s0_v[pl.ds(i * 16, 16)] = zeros16

    coef0 = tsp_v[pl.ds(0, 16)]
    for ch, (ysl, hid) in enumerate(((ysl0_v, hid0_v), (ysl1_v, hid1_v))):
        pltpu.sync_copy(z_all.at[pl.ds((2 * c + ch) * NP + n0, NPT)], ysl)

        def init_body(i, _, ysl=ysl, hid=hid):
            x0 = ysl[pl.ds(i * 16, 16)]
            hid[pl.ds(i * 16, 16)] = coef0 * x0
            ysl[pl.ds(i * 16, 16)] = dinv_v[pl.ds(i * 16, 16)] * x0
            return 0

        lax.fori_loop(0, NPT // 16, init_body, 0)
        pltpu.sync_copy(ysl, sh_y.at[ch, pl.ds(n0, NPT)])
    plsc.subcore_barrier()
    pltpu.sync_copy(sh_y.at[0], y0_v)
    pltpu.sync_copy(sh_y.at[1], y1_v)

    def step_body(k, _):
        @plsc.parallel_loop(0, EPT // 16, 1, unroll=EDGE_UNROLL)
        def edge_body(i):
            s16 = src_v[pl.ds(i * 16, 16)]
            d16 = dst_v[pl.ds(i * 16, 16)]
            g0 = plsc.load_gather(y0_v, [s16])
            g1 = plsc.load_gather(y1_v, [s16])
            plsc.addupdate_scatter(s0_v, [d16], g0)
            plsc.addupdate_scatter(s1_v, [d16], g1)

        cp0 = pltpu.async_copy(s0_v, sh_p.at[0, sid], sem0)
        cp1 = pltpu.async_copy(s1_v, sh_p.at[1, sid], sem1)
        cp0.wait()
        zero_buf(s0_v)
        cp1.wait()
        zero_buf(s1_v)
        plsc.subcore_barrier()

        coef = tsp_v[pl.ds(16 * (k + 1), 16)]
        sl0 = pltpu.async_copy(sh_p.at[0, pl.ds(0, NTILES), pl.ds(n0, NPT)],
                               part_v, sem0)
        sl1 = pltpu.async_copy(sh_p.at[1, pl.ds(0, NTILES), pl.ds(n0, NPT)],
                               part2_v, sem1)
        pubs = []
        for ch, (ysl, hid, slab, sl) in enumerate((
                (ysl0_v, hid0_v, part_v, sl0),
                (ysl1_v, hid1_v, part2_v, sl1))):
            sl.wait()
            sum_slab(slab, red_v)

            @plsc.parallel_loop(0, NPT // 16, 1, unroll=4)
            def upd_body(i, ysl=ysl, hid=hid, coef=coef):
                dv = dinv_v[pl.ds(i * 16, 16)]
                t = red_v[pl.ds(i * 16, 16)] + ysl[pl.ds(i * 16, 16)]
                xp = dv * t
                hid[pl.ds(i * 16, 16)] = hid[pl.ds(i * 16, 16)] + coef * xp
                ysl[pl.ds(i * 16, 16)] = dv * xp

            pubs.append(pltpu.async_copy(
                ysl, sh_y.at[ch, pl.ds(n0, NPT)], sem2 if ch == 0 else sem3))

        for p in pubs:
            p.wait()
        plsc.subcore_barrier()
        rd0 = pltpu.async_copy(sh_y.at[0], y0_v, sem0)
        rd1 = pltpu.async_copy(sh_y.at[1], y1_v, sem1)
        rd0.wait()
        rd1.wait()
        return 0

    lax.fori_loop(0, K_G, step_body, 0)

    pltpu.sync_copy(hid0_v, out.at[pl.ds(2 * c * NP + n0, NPT)])
    pltpu.sync_copy(hid1_v, out.at[pl.ds((2 * c + 1) * NP + n0, NPT)])


def kernel(x, edge_index, W1_l, b1_l, W2_l, b2_l, temp_l,
           W1_g, b1_g, W2_g, b2_g, temp_g):
    h1_l, h1_g, z4 = _tc_mlp(x, W1_l, b1_l, W2_l, b2_l,
                             W1_g, b1_g, W2_g, b2_g)

    z_all = z4.reshape(-1)
    tl = jnp.pad(temp_l, (0, K_G + 1 - temp_l.shape[0]))
    tg = jnp.pad(temp_g, (0, K_G + 1 - temp_g.shape[0]))
    temp_rep = jnp.concatenate([
        jnp.repeat(tl, 16), jnp.repeat(tg, 16)])

    hid = _sc_prop(edge_index[0], edge_index[1], z_all, temp_rep)
    hid2d = hid.reshape(4, NP)

    plT, pgT = _tc_lsm(hid2d)

    h2_l = hid2d[0:2, :N].T
    h2_g = hid2d[2:4, :N].T
    p_l = plT[:, :N].T
    p_g = pgT[:, :N].T
    return (h1_l, h2_l, p_l, h1_g, h2_g, p_g)

# --- scband reference (transcript-rebuilt; emitter-appended) ---
"""Pipeline reference for scband-less4-fd-20899310862415 (READ-ONLY COPY).

The authoritative reference and input builder live on the scoring server;
editing this copy changes nothing except your own understanding.
"""

import jax, jax.numpy as jnp
import numpy as np

N = 10000
E = 320000
D = 128
H = 128
C = 2
K_L = 5
K_G = 10
ALPHA = 0.1


def ppr_temp(K, alpha):
    t = alpha * (1.0 - alpha) ** np.arange(K + 1)
    t[-1] = (1.0 - alpha) ** K
    return jnp.asarray(t, dtype=jnp.float32)


def setup_inputs(seed: int = 0):
    key = jax.random.key(seed)
    ks = jax.random.split(key, 10)
    x = jax.random.normal(ks[0], (N, D), dtype=jnp.float32)
    edge_index = jax.random.randint(ks[1], (2, E), 0, N, dtype=jnp.int32)
    W1_l = jax.random.normal(ks[2], (H, D), dtype=jnp.float32) * np.sqrt(2.0 / D)
    b1_l = jnp.zeros((H,), dtype=jnp.float32)
    W2_l = jax.random.normal(ks[3], (C, H), dtype=jnp.float32) * np.sqrt(2.0 / H)
    b2_l = jnp.zeros((C,), dtype=jnp.float32)
    temp_l = ppr_temp(K_L, ALPHA)
    W1_g = jax.random.uniform(ks[4], (H, D), dtype=jnp.float32, minval=-0.1, maxval=0.1)
    b1_g = jnp.zeros((H,), dtype=jnp.float32)
    W2_g = jax.random.uniform(ks[5], (C, H), dtype=jnp.float32, minval=-0.1, maxval=0.1)
    b2_g = jnp.zeros((C,), dtype=jnp.float32)
    temp_g = ppr_temp(K_G, ALPHA)
    return {"x": x, "edge_index": edge_index,
            "W1_l": W1_l, "b1_l": b1_l, "W2_l": W2_l, "b2_l": b2_l, "temp_l": temp_l,
            "W1_g": W1_g, "b1_g": b1_g, "W2_g": W2_g, "b2_g": b2_g, "temp_g": temp_g}


def gcn_norm(edge_index, num_nodes):
    # PyG gcn_norm with add_self_loops=True, edge_weight=None
    src = edge_index[0]
    dst = edge_index[1]
    loop = jnp.arange(num_nodes, dtype=src.dtype)
    src = jnp.concatenate([src, loop])
    dst = jnp.concatenate([dst, loop])
    w = jnp.ones(src.shape[0], dtype=jnp.float32)
    deg = jax.ops.segment_sum(w, dst, num_segments=num_nodes)
    dinv = jnp.where(deg > 0, deg ** -0.5, 0.0)
    norm = dinv[src] * w * dinv[dst]
    return src, dst, norm


def gpr_prop(x, src, dst, norm, temp, K):
    hidden = x * temp[0]
    for k in range(K):
        msg = norm[:, None] * x[src]          # gather (message: norm * x_j)
        x = jax.ops.segment_sum(msg, dst, num_segments=x.shape[0])  # scatter-add aggr
        hidden = hidden + temp[k + 1] * x
    return hidden


def gprgnn(x, src, dst, norm, W1, b1, W2, b2, temp, K):
    # eval mode: dropout is identity
    h1 = jax.nn.relu(x @ W1.T + b1)
    h2 = h1 @ W2.T + b2
    h2 = gpr_prop(h2, src, dst, norm, temp, K)
    return h1, h2, jax.nn.log_softmax(h2, axis=1)


def reference(x, edge_index, W1_l, b1_l, W2_l, b2_l, temp_l, W1_g, b1_g, W2_g, b2_g, temp_g):
    src, dst, norm = gcn_norm(edge_index, x.shape[0])
    h1_l, h2_l, p_l = gprgnn(x, src, dst, norm, W1_l, b1_l, W2_l, b2_l, temp_l, K_L)
    h1_g, h2_g, p_g = gprgnn(x, src, dst, norm, W1_g, b1_g, W2_g, b2_g, temp_g, K_G)
    return (h1_l, h2_l, p_l, h1_g, h2_g, p_g)

if __name__ == "__main__":
    import jax
    _d = setup_inputs()
    print(jax.jit(kernel)(*tuple(_d.values())))

</pallas_src>

<mosaic_0001>
#map = affine_map<(d0, d1) -> (0)>
module attributes {stable_mosaic.version = 14 : i64} {
  func.func @_sc_prop(%arg0: i32, %arg1: i32, %arg2: memref<320000xi32, #tpu.memory_space<hbm>>, %arg3: memref<320000xi32, #tpu.memory_space<hbm>>, %arg4: memref<40960xf32, #tpu.memory_space<hbm>>, %arg5: memref<352xf32, #tpu.memory_space<hbm>>, %arg6: memref<40960xf32, #tpu.memory_space<hbm>>, %arg7: memref<20000xi32, #tpu.memory_space<vmem>>, %arg8: memref<20000xi32, #tpu.memory_space<vmem>>, %arg9: memref<10240xf32, #tpu.memory_space<vmem>>, %arg10: memref<10240xf32, #tpu.memory_space<vmem>>, %arg11: memref<10240xf32, #tpu.memory_space<vmem>>, %arg12: memref<10240xf32, #tpu.memory_space<vmem>>, %arg13: memref<16x640xf32, #tpu.memory_space<vmem>>, %arg14: memref<16x640xf32, #tpu.memory_space<vmem>>, %arg15: memref<640xf32, #tpu.memory_space<vmem>>, %arg16: memref<640xf32, #tpu.memory_space<vmem>>, %arg17: memref<640xf32, #tpu.memory_space<vmem>>, %arg18: memref<640xf32, #tpu.memory_space<vmem>>, %arg19: memref<640xf32, #tpu.memory_space<vmem>>, %arg20: memref<640xf32, #tpu.memory_space<vmem>>, %arg21: memref<176xf32, #tpu.memory_space<vmem>>, %arg22: memref<!tpu.dma_semaphore, #tpu.memory_space<semaphore_mem>>, %arg23: memref<!tpu.dma_semaphore, #tpu.memory_space<semaphore_mem>>, %arg24: memref<!tpu.dma_semaphore, #tpu.memory_space<semaphore_mem>>, %arg25: memref<!tpu.dma_semaphore, #tpu.memory_space<semaphore_mem>>, %arg26: memref<2x16x10240xf32, #tpu.memory_space<vmem_shared>>, %arg27: memref<2x10240xf32, #tpu.memory_space<vmem_shared>>) attributes {dimension_semantics = [#tpu.dimension_semantics<core_parallel>, #tpu.dimension_semantics<subcore_parallel>], iteration_bounds = array<i64: 2, 16>, scalar_prefetch = 0 : i64, scratch_operands = 21 : i64, tpu.core_type = #tpu.core_type<sc_vector_subcore>, window_params = [{transform_indices = #map}, {transform_indices = #map}, {transform_indices = #map}, {transform_indices = #map}, {transform_indices = #map}]} {
    %broadcast_in_dim3A = arith.constant 0.000000e+00 : f32
    %broadcast_in_dim3A_0 = vector.broadcast %broadcast_in_dim3A : f32 to vector<16xf32>
    %broadcast_in_dim3A_1 = arith.constant 1.000000e+00 : f32
    %broadcast_in_dim3A_2 = vector.broadcast %broadcast_in_dim3A_1 : f32 to vector<16xf32>
    %mul3A = arith.constant 640 : i32
    %mul3A_3 = arith.muli %arg1, %mul3A : i32
    %mul3A_4 = arith.constant 20000 : i32
    %mul3A_5 = arith.muli %arg1, %mul3A_4 : i32
    "tpu.region"() ({
      %run_scoped3A_83 = tpu.sem_alloc : memref<!tpu.dma_semaphore, #tpu.memory_space<semaphore_mem>>
      %dma_start3A = tpu.memref_slice %arg2[%mul3A_5] : memref<320000xi32, #tpu.memory_space<hbm>> -> memref<20000xi32, #tpu.memory_space<hbm>>
      %dma_start3A_84 = tpu.memref_slice %arg2[%mul3A_5] : memref<320000xi32, #tpu.memory_space<hbm>> -> memref<20000xi32, #tpu.memory_space<hbm>>
      tpu.enqueue_dma source(%dma_start3A_84 : memref<20000xi32, #tpu.memory_space<hbm>>) target(%arg7 : memref<20000xi32, #tpu.memory_space<vmem>>) target_semaphore(%run_scoped3A_83 : memref<!tpu.dma_semaphore, #tpu.memory_space<semaphore_mem>>)
      %dma_wait3A = tpu.memref_slice %arg2[%mul3A_5] : memref<320000xi32, #tpu.memory_space<hbm>> -> memref<20000xi32, #tpu.memory_space<hbm>>
      %dma_wait3A_85 = tpu.memref_slice %arg2[%mul3A_5] : memref<320000xi32, #tpu.memory_space<hbm>> -> memref<20000xi32, #tpu.memory_space<hbm>>
      tpu.wait_dma2 semaphore(%run_scoped3A_83 : memref<!tpu.dma_semaphore, #tpu.memory_space<semaphore_mem>>) src(%dma_wait3A_85 : memref<20000xi32, #tpu.memory_space<hbm>>) dst(%arg7 : memref<20000xi32, #tpu.memory_space<vmem>>)
      tpu.yield
    }) : () -> ()
    %mul3A_6 = arith.constant 20000 : i32
    %mul3A_7 = arith.muli %arg1, %mul3A_6 : i32
    "tpu.region"() ({
      %run_scoped3A_83 = tpu.sem_alloc : memref<!tpu.dma_semaphore, #tpu.memory_space<semaphore_mem>>
      %dma_start3A = tpu.memref_slice %arg3[%mul3A_7] : memref<320000xi32, #tpu.memory_space<hbm>> -> memref<20000xi32, #tpu.memory_space<hbm>>
      %dma_start3A_84 = tpu.memref_slice %arg3[%mul3A_7] : memref<320000xi32, #tpu.memory_space<hbm>> -> memref<20000xi32, #tpu.memory_space<hbm>>
      tpu.enqueue_dma source(%dma_start3A_84 : memref<20000xi32, #tpu.memory_space<hbm>>) target(%arg8 : memref<20000xi32, #tpu.memory_space<vmem>>) target_semaphore(%run_scoped3A_83 : memref<!tpu.dma_semaphore, #tpu.memory_space<semaphore_mem>>)
      %dma_wait3A = tpu.memref_slice %arg3[%mul3A_7] : memref<320000xi32, #tpu.memory_space<hbm>> -> memref<20000xi32, #tpu.memory_space<hbm>>
      %dma_wait3A_85 = tpu.memref_slice %arg3[%mul3A_7] : memref<320000xi32, #tpu.memory_space<hbm>> -> memref<20000xi32, #tpu.memory_space<hbm>>
      tpu.wait_dma2 semaphore(%run_scoped3A_83 : memref<!tpu.dma_semaphore, #tpu.memory_space<semaphore_mem>>) src(%dma_wait3A_85 : memref<20000xi32, #tpu.memory_space<hbm>>) dst(%arg8 : memref<20000xi32, #tpu.memory_space<vmem>>)
      tpu.yield
    }) : () -> ()
    %mul3A_8 = arith.constant 176 : i32
    %mul3A_9 = arith.muli %arg0, %mul3A_8 : i32
    "tpu.region"() ({
      %run_scoped3A_83 = tpu.sem_alloc : memref<!tpu.dma_semaphore, #tpu.memory_space<semaphore_mem>>
      %dma_start3A = tpu.memref_slice %arg5[%mul3A_9] : memref<352xf32, #tpu.memory_space<hbm>> -> memref<176xf32, #tpu.memory_space<hbm>>
      %dma_start3A_84 = tpu.memref_slice %arg5[%mul3A_9] : memref<352xf32, #tpu.memory_space<hbm>> -> memref<176xf32, #tpu.memory_space<hbm>>
      tpu.enqueue_dma source(%dma_start3A_84 : memref<176xf32, #tpu.memory_space<hbm>>) target(%arg21 : memref<176xf32, #tpu.memory_space<vmem>>) target_semaphore(%run_scoped3A_83 : memref<!tpu.dma_semaphore, #tpu.memory_space<semaphore_mem>>)
      %dma_wait3A = tpu.memref_slice %arg5[%mul3A_9] : memref<352xf32, #tpu.memory_space<hbm>> -> memref<176xf32, #tpu.memory_space<hbm>>
      %dma_wait3A_85 = tpu.memref_slice %arg5[%mul3A_9] : memref<352xf32, #tpu.memory_space<hbm>> -> memref<176xf32, #tpu.memory_space<hbm>>
      tpu.wait_dma2 semaphore(%run_scoped3A_83 : memref<!tpu.dma_semaphore, #tpu.memory_space<semaphore_mem>>) src(%dma_wait3A_85 : memref<176xf32, #tpu.memory_space<hbm>>) dst(%arg21 : memref<176xf32, #tpu.memory_space<vmem>>)
      tpu.yield
    }) : () -> ()
    %parallel_loop3A = arith.constant 0 : i32
    %parallel_loop3A_10 = arith.constant 640 : i32
    %parallel_loop3A_11 = arith.constant 1 : i32
    scf.for %parallel_loop3A_83 = %parallel_loop3A to %parallel_loop3A_10 step %parallel_loop3A_11  : i32 {
      %parallel_loop3A_84 = arith.constant 16 : i32
      %parallel_loop3A_85 = arith.muli %parallel_loop3A_83, %parallel_loop3A_84 : i32
      %parallel_loop3A_86 = arith.index_cast %parallel_loop3A_85 : i32 to index
      %parallel_loop3A_87 = tpu.vector_load %arg11[%parallel_loop3A_86] {strides = array<i32>} : memref<10240xf32, #tpu.memory_space<vmem>>, vector<16xf32>,
      tpu.vector_store %arg11[%parallel_loop3A_86], %broadcast_in_dim3A_0 {strides = array<i32>} : memref<10240xf32, #tpu.memory_space<vmem>>, vector<16xf32>,
    } {sc.loop_unroll_factor = 8 : i64, sc.parallel_access}
    %parallel_loop3A_12 = arith.constant 0 : i32
    %parallel_loop3A_13 = arith.constant 640 : i32
    %parallel_loop3A_14 = arith.constant 1 : i32
    scf.for %parallel_loop3A_83 = %parallel_loop3A_12 to %parallel_loop3A_13 step %parallel_loop3A_14  : i32 {
      %parallel_loop3A_84 = arith.constant 16 : i32
      %parallel_loop3A_85 = arith.muli %parallel_loop3A_83, %parallel_loop3A_84 : i32
      %parallel_loop3A_86 = arith.index_cast %parallel_loop3A_85 : i32 to index
      %parallel_loop3A_87 = tpu.vector_load %arg12[%parallel_loop3A_86] {strides = array<i32>} : memref<10240xf32, #tpu.memory_space<vmem>>, vector<16xf32>,
      tpu.vector_store %arg12[%parallel_loop3A_86], %broadcast_in_dim3A_0 {strides = array<i32>} : memref<10240xf32, #tpu.memory_space<vmem>>, vector<16xf32>,
    } {sc.loop_unroll_factor = 8 : i64, sc.parallel_access}
    %parallel_loop3A_15 = arith.constant 0 : i32
    %parallel_loop3A_16 = arith.constant 1250 : i32
    %parallel_loop3A_17 = arith.constant 1 : i32
    scf.for %parallel_loop3A_83 = %parallel_loop3A_15 to %parallel_loop3A_16 step %parallel_loop3A_17  : i32 {
      %parallel_loop3A_84 = arith.constant 16 : i32
      %parallel_loop3A_85 = arith.muli %parallel_loop3A_83, %parallel_loop3A_84 : i32
      %parallel_loop3A_86 = arith.index_cast %parallel_loop3A_85 : i32 to index
      %parallel_loop3A_87 = tpu.vector_load %arg8[%parallel_loop3A_86] {strides = array<i32>} : memref<20000xi32, #tpu.memory_space<vmem>>, vector<16xi32>,
      tpu.vector_store_idx %arg11[%parallel_loop3A_87], %broadcast_in_dim3A_2 {add = true} : memref<10240xf32, #tpu.memory_space<vmem>>[vector<16xi32>], vector<16xf32>,
    } {sc.loop_unroll_factor = 25 : i64, sc.parallel_access}
    %run_scoped3A = arith.constant 0 : i32
    "tpu.region"() ({
      %run_scoped3A_83 = tpu.sem_alloc : memref<!tpu.dma_semaphore, #tpu.memory_space<semaphore_mem>>
      %dma_start3A = arith.constant 0 : i32
      %dma_start3A_84 = tpu.memref_slice %arg26[%run_scoped3A, %arg1, %dma_start3A] : memref<2x16x10240xf32, #tpu.memory_space<vmem_shared>> -> memref<1x1x10240xf32, #tpu.memory_space<vmem_shared>>
      %dma_start3A_85 = tpu.memref_squeeze %dma_start3A_84 : memref<1x1x10240xf32, #tpu.memory_space<vmem_shared>> -> memref<10240xf32, #tpu.memory_space<vmem_shared>>
      %dma_start3A_86 = arith.constant 0 : i32
      %dma_start3A_87 = tpu.memref_slice %arg26[%run_scoped3A, %arg1, %dma_start3A_86] : memref<2x16x10240xf32, #tpu.memory_space<vmem_shared>> -> memref<1x1x10240xf32, #tpu.memory_space<vmem_shared>>
      %dma_start3A_88 = tpu.memref_squeeze %dma_start3A_87 : memref<1x1x10240xf32, #tpu.memory_space<vmem_shared>> -> memref<10240xf32, #tpu.memory_space<vmem_shared>>
      tpu.enqueue_dma source(%arg11 : memref<10240xf32, #tpu.memory_space<vmem>>) target(%dma_start3A_88 : memref<10240xf32, #tpu.memory_space<vmem_shared>>) target_semaphore(%run_scoped3A_83 : memref<!tpu.dma_semaphore, #tpu.memory_space<semaphore_mem>>)
      %dma_wait3A = arith.constant 0 : i32
      %dma_wait3A_89 = tpu.memref_slice %arg26[%run_scoped3A, %arg1, %dma_wait3A] : memref<2x16x10240xf32, #tpu.memory_space<vmem_shared>> -> memref<1x1x10240xf32, #tpu.memory_space<vmem_shared>>
      %dma_wait3A_90 = tpu.memref_squeeze %dma_wait3A_89 : memref<1x1x10240xf32, #tpu.memory_space<vmem_shared>> -> memref<10240xf32, #tpu.memory_space<vmem_shared>>
      %dma_wait3A_91 = arith.constant 0 : i32
      %dma_wait3A_92 = tpu.memref_slice %arg26[%run_scoped3A, %arg1, %dma_wait3A_91] : memref<2x16x10240xf32, #tpu.memory_space<vmem_shared>> -> memref<1x1x10240xf32, #tpu.memory_space<vmem_shared>>
      %dma_wait3A_93 = tpu.memref_squeeze %dma_wait3A_92 : memref<1x1x10240xf32, #tpu.memory_space<vmem_shared>> -> memref<10240xf32, #tpu.memory_space<vmem_shared>>
      tpu.wait_dma2 semaphore(%run_scoped3A_83 : memref<!tpu.dma_semaphore, #tpu.memory_space<semaphore_mem>>) src(%arg11 : memref<10240xf32, #tpu.memory_space<vmem>>) dst(%dma_wait3A_93 : memref<10240xf32, #tpu.memory_space<vmem_shared>>)
      tpu.yield
    }) : () -> ()
    %barrier3A = arith.constant 0 : index
    tpu.barrier barrier_id(%barrier3A)
    %run_scoped3A_18 = arith.constant 0 : i32
    "tpu.region"() ({
      %run_scoped3A_83 = tpu.sem_alloc : memref<!tpu.dma_semaphore, #tpu.memory_space<semaphore_mem>>
      %dma_start3A = arith.constant 0 : i32
      %dma_start3A_84 = tpu.memref_slice %arg26[%run_scoped3A_18, %dma_start3A, %mul3A_3] : memref<2x16x10240xf32, #tpu.memory_space<vmem_shared>> -> memref<1x16x640xf32, #tpu.memory_space<vmem_shared>>
      %dma_start3A_85 = tpu.memref_squeeze %dma_start3A_84 : memref<1x16x640xf32, #tpu.memory_space<vmem_shared>> -> memref<16x640xf32, #tpu.memory_space<vmem_shared>>
      %dma_start3A_86 = arith.constant 0 : i32
      %dma_start3A_87 = tpu.memref_slice %arg26[%run_scoped3A_18, %dma_start3A_86, %mul3A_3] : memref<2x16x10240xf32, #tpu.memory_space<vmem_shared>> -> memref<1x16x640xf32, #tpu.memory_space<vmem_shared>>
      %dma_start3A_88 = tpu.memref_squeeze %dma_start3A_87 : memref<1x16x640xf32, #tpu.memory_space<vmem_shared>> -> memref<16x640xf32, #tpu.memory_space<vmem_shared>>
      tpu.enqueue_dma source(%dma_start3A_88 : memref<16x640xf32, #tpu.memory_space<vmem_shared>>) target(%arg13 : memref<16x640xf32, #tpu.memory_space<vmem>>) target_semaphore(%run_scoped3A_83 : memref<!tpu.dma_semaphore, #tpu.memory_space<semaphore_mem>>)
      %dma_wait3A = arith.constant 0 : i32
      %dma_wait3A_89 = tpu.memref_slice %arg26[%run_scoped3A_18, %dma_wait3A, %mul3A_3] : memref<2x16x10240xf32, #tpu.memory_space<vmem_shared>> -> memref<1x16x640xf32, #tpu.memory_space<vmem_shared>>
      %dma_wait3A_90 = tpu.memref_squeeze %dma_wait3A_89 : memref<1x16x640xf32, #tpu.memory_space<vmem_shared>> -> memref<16x640xf32, #tpu.memory_space<vmem_shared>>
      %dma_wait3A_91 = arith.constant 0 : i32
      %dma_wait3A_92 = tpu.memref_slice %arg26[%run_scoped3A_18, %dma_wait3A_91, %mul3A_3] : memref<2x16x10240xf32, #tpu.memory_space<vmem_shared>> -> memref<1x16x640xf32, #tpu.memory_space<vmem_shared>>
      %dma_wait3A_93 = tpu.memref_squeeze %dma_wait3A_92 : memref<1x16x640xf32, #tpu.memory_space<vmem_shared>> -> memref<16x640xf32, #tpu.memory_space<vmem_shared>>
      tpu.wait_dma2 semaphore(%run_scoped3A_83 : memref<!tpu.dma_semaphore, #tpu.memory_space<semaphore_mem>>) src(%dma_wait3A_93 : memref<16x640xf32, #tpu.memory_space<vmem_shared>>) dst(%arg13 : memref<16x640xf32, #tpu.memory_space<vmem>>)
      tpu.yield
    }) : () -> ()
    %parallel_loop3A_19 = arith.constant 0 : i32
    %parallel_loop3A_20 = arith.constant 40 : i32
    %parallel_loop3A_21 = arith.constant 1 : i32
    scf.for %parallel_loop3A_83 = %parallel_loop3A_19 to %parallel_loop3A_20 step %parallel_loop3A_21  : i32 {
      %parallel_loop3A_84 = arith.constant 16 : i32
      %parallel_loop3A_85 = arith.muli %parallel_loop3A_83, %parallel_loop3A_84 : i32
      %parallel_loop3A_86 = arith.constant 0 : i32
      %parallel_loop3A_87 = arith.index_cast %parallel_loop3A_86 : i32 to index
      %parallel_loop3A_88 = arith.index_cast %parallel_loop3A_85 : i32 to index
      %parallel_loop3A_89 = tpu.vector_load %arg13[%parallel_loop3A_87, %parallel_loop3A_88] {strides = array<i32>} : memref<16x640xf32, #tpu.memory_space<vmem>>, vector<16xf32>,
      %parallel_loop3A_90 = arith.constant 16 : i32
      %parallel_loop3A_91 = arith.muli %parallel_loop3A_83, %parallel_loop3A_90 : i32
      %parallel_loop3A_92 = arith.constant 1 : i32
      %parallel_loop3A_93 = arith.index_cast %parallel_loop3A_92 : i32 to index
      %parallel_loop3A_94 = arith.index_cast %parallel_loop3A_91 : i32 to index
      %parallel_loop3A_95 = tpu.vector_load %arg13[%parallel_loop3A_93, %parallel_loop3A_94] {strides = array<i32>} : memref<16x640xf32, #tpu.memory_space<vmem>>, vector<16xf32>,
      %parallel_loop3A_96 = arith.addf %parallel_loop3A_89, %parallel_loop3A_95 : vector<16xf32>
      %parallel_loop3A_97 = arith.constant 16 : i32
      %parallel_loop3A_98 = arith.muli %parallel_loop3A_83, %parallel_loop3A_97 : i32
      %parallel_loop3A_99 = arith.constant 2 : i32
      %parallel_loop3A_100 = arith.index_cast %parallel_loop3A_99 : i32 to index
      %parallel_loop3A_101 = arith.index_cast %parallel_loop3A_98 : i32 to index
      %parallel_loop3A_102 = tpu.vector_load %arg13[%parallel_loop3A_100, %parallel_loop3A_101] {strides = array<i32>} : memref<16x640xf32, #tpu.memory_space<vmem>>, vector<16xf32>,
      %parallel_loop3A_103 = arith.addf %parallel_loop3A_96, %parallel_loop3A_102 : vector<16xf32>
      %parallel_loop3A_104 = arith.constant 16 : i32
      %parallel_loop3A_105 = arith.muli %parallel_loop3A_83, %parallel_loop3A_104 : i32
      %parallel_loop3A_106 = arith.constant 3 : i32
      %parallel_loop3A_107 = arith.index_cast %parallel_loop3A_106 : i32 to index
      %parallel_loop3A_108 = arith.index_cast %parallel_loop3A_105 : i32 to index
      %parallel_loop3A_109 = tpu.vector_load %arg13[%parallel_loop3A_107, %parallel_loop3A_108] {strides = array<i32>} : memref<16x640xf32, #tpu.memory_space<vmem>>, vector<16xf32>,
      %parallel_loop3A_110 = arith.addf %parallel_loop3A_103, %parallel_loop3A_109 : vector<16xf32>
      %parallel_loop3A_111 = arith.constant 16 : i32
      %parallel_loop3A_112 = arith.muli %parallel_loop3A_83, %parallel_loop3A_111 : i32
      %parallel_loop3A_113 = arith.constant 4 : i32
      %parallel_loop3A_114 = arith.index_cast %parallel_loop3A_113 : i32 to index
      %parallel_loop3A_115 = arith.index_cast %parallel_loop3A_112 : i32 to index
      %parallel_loop3A_116 = tpu.vector_load %arg13[%parallel_loop3A_114, %parallel_loop3A_115] {strides = array<i32>} : memref<16x640xf32, #tpu.memory_space<vmem>>, vector<16xf32>,
      %parallel_loop3A_117 = arith.addf %parallel_loop3A_110, %parallel_loop3A_116 : vector<16xf32>
      %parallel_loop3A_118 = arith.constant 16 : i32
      %parallel_loop3A_119 = arith.muli %parallel_loop3A_83, %parallel_loop3A_118 : i32
      %parallel_loop3A_120 = arith.constant 5 : i32
      %parallel_loop3A_121 = arith.index_cast %parallel_loop3A_120 : i32 to index
      %parallel_loop3A_122 = arith.index_cast %parallel_loop3A_119 : i32 to index
      %parallel_loop3A_123 = tpu.vector_load %arg13[%parallel_loop3A_121, %parallel_loop3A_122] {strides = array<i32>} : memref<16x640xf32, #tpu.memory_space<vmem>>, vector<16xf32>,
      %parallel_loop3A_124 = arith.addf %parallel_loop3A_117, %parallel_loop3A_123 : vector<16xf32>
      %parallel_loop3A_125 = arith.constant 16 : i32
      %parallel_loop3A_126 = arith.muli %parallel_loop3A_83, %parallel_loop3A_125 : i32
      %parallel_loop3A_127 = arith.constant 6 : i32
      %parallel_loop3A_128 = arith.index_cast %parallel_loop3A_127 : i32 to index
      %parallel_loop3A_129 = arith.index_cast %parallel_loop3A_126 : i32 to index
      %parallel_loop3A_130 = tpu.vector_load %arg13[%parallel_loop3A_128, %parallel_loop3A_129] {strides = array<i32>} : memref<16x640xf32, #tpu.memory_space<vmem>>, vector<16xf32>,
      %parallel_loop3A_131 = arith.addf %parallel_loop3A_124, %parallel_loop3A_130 : vector<16xf32>
      %parallel_loop3A_132 = arith.constant 16 : i32
      %parallel_loop3A_133 = arith.muli %parallel_loop3A_83, %parallel_loop3A_132 : i32
      %parallel_loop3A_134 = arith.constant 7 : i32
      %parallel_loop3A_135 = arith.index_cast %parallel_loop3A_134 : i32 to index
      %parallel_loop3A_136 = arith.index_cast %parallel_loop3A_133 : i32 to index
      %parallel_loop3A_137 = tpu.vector_load %arg13[%parallel_loop3A_135, %parallel_loop3A_136] {strides = array<i32>} : memref<16x640xf32, #tpu.memory_space<vmem>>, vector<16xf32>,
      %parallel_loop3A_138 = arith.addf %parallel_loop3A_131, %parallel_loop3A_137 : vector<16xf32>
      %parallel_loop3A_139 = arith.constant 16 : i32
      %parallel_loop3A_140 = arith.muli %parallel_loop3A_83, %parallel_loop3A_139 : i32
      %parallel_loop3A_141 = arith.constant 8 : i32
      %parallel_loop3A_142 = arith.index_cast %parallel_loop3A_141 : i32 to index
      %parallel_loop3A_143 = arith.index_cast %parallel_loop3A_140 : i32 to index
      %parallel_loop3A_144 = tpu.vector_load %arg13[%parallel_loop3A_142, %parallel_loop3A_143] {strides = array<i32>} : memref<16x640xf32, #tpu.memory_space<vmem>>, vector<16xf32>,
      %parallel_loop3A_145 = arith.addf %parallel_loop3A_138, %parallel_loop3A_144 : vector<16xf32>
      %parallel_loop3A_146 = arith.constant 16 : i32
      %parallel_loop3A_147 = arith.muli %parallel_loop3A_83, %parallel_loop3A_146 : i32
      %parallel_loop3A_148 = arith.constant 9 : i32
      %parallel_loop3A_149 = arith.index_cast %parallel_loop3A_148 : i32 to index
      %parallel_loop3A_150 = arith.index_cast %parallel_loop3A_147 : i32 to index
      %parallel_loop3A_151 = tpu.vector_load %arg13[%parallel_loop3A_149, %parallel_loop3A_150] {strides = array<i32>} : memref<16x640xf32, #tpu.memory_space<vmem>>, vector<16xf32>,
      %parallel_loop3A_152 = arith.addf %parallel_loop3A_145, %parallel_loop3A_151 : vector<16xf32>
      %parallel_loop3A_153 = arith.constant 16 : i32
      %parallel_loop3A_154 = arith.muli %parallel_loop3A_83, %parallel_loop3A_153 : i32
      %parallel_loop3A_155 = arith.constant 10 : i32
      %parallel_loop3A_156 = arith.index_cast %parallel_loop3A_155 : i32 to index
      %parallel_loop3A_157 = arith.index_cast %parallel_loop3A_154 : i32 to index
      %parallel_loop3A_158 = tpu.vector_load %arg13[%parallel_loop3A_156, %parallel_loop3A_157] {strides = array<i32>} : memref<16x640xf32, #tpu.memory_space<vmem>>, vector<16xf32>,
      %parallel_loop3A_159 = arith.addf %parallel_loop3A_152, %parallel_loop3A_158 : vector<16xf32>
      %parallel_loop3A_160 = arith.constant 16 : i32
      %parallel_loop3A_161 = arith.muli %parallel_loop3A_83, %parallel_loop3A_160 : i32
      %parallel_loop3A_162 = arith.constant 11 : i32
      %parallel_loop3A_163 = arith.index_cast %parallel_loop3A_162 : i32 to index
      %parallel_loop3A_164 = arith.index_cast %parallel_loop3A_161 : i32 to index
      %parallel_loop3A_165 = tpu.vector_load %arg13[%parallel_loop3A_163, %parallel_loop3A_164] {strides = array<i32>} : memref<16x640xf32, #tpu.memory_space<vmem>>, vector<16xf32>,
      %parallel_loop3A_166 = arith.addf %parallel_loop3A_159, %parallel_loop3A_165 : vector<16xf32>
      %parallel_loop3A_167 = arith.constant 16 : i32
      %parallel_loop3A_168 = arith.muli %parallel_loop3A_83, %parallel_loop3A_167 : i32
      %parallel_loop3A_169 = arith.constant 12 : i32
      %parallel_loop3A_170 = arith.index_cast %parallel_loop3A_169 : i32 to index
      %parallel_loop3A_171 = arith.index_cast %parallel_loop3A_168 : i32 to index
      %parallel_loop3A_172 = tpu.vector_load %arg13[%parallel_loop3A_170, %parallel_loop3A_171] {strides = array<i32>} : memref<16x640xf32, #tpu.memory_space<vmem>>, vector<16xf32>,
      %parallel_loop3A_173 = arith.addf %parallel_loop3A_166, %parallel_loop3A_172 : vector<16xf32>
      %parallel_loop3A_174 = arith.constant 16 : i32
      %parallel_loop3A_175 = arith.muli %parallel_loop3A_83, %parallel_loop3A_174 : i32
      %parallel_loop3A_176 = arith.constant 13 : i32
      %parallel_loop3A_177 = arith.index_cast %parallel_loop3A_176 : i32 to index
      %parallel_loop3A_178 = arith.index_cast %parallel_loop3A_175 : i32 to index
      %parallel_loop3A_179 = tpu.vector_load %arg13[%parallel_loop3A_177, %parallel_loop3A_178] {strides = array<i32>} : memref<16x640xf32, #tpu.memory_space<vmem>>, vector<16xf32>,
      %parallel_loop3A_180 = arith.addf %parallel_loop3A_173, %parallel_loop3A_179 : vector<16xf32>
      %parallel_loop3A_181 = arith.constant 16 : i32
      %parallel_loop3A_182 = arith.muli %parallel_loop3A_83, %parallel_loop3A_181 : i32
      %parallel_loop3A_183 = arith.constant 14 : i32
      %parallel_loop3A_184 = arith.index_cast %parallel_loop3A_183 : i32 to index
      %parallel_loop3A_185 = arith.index_cast %parallel_loop3A_182 : i32 to index
      %parallel_loop3A_186 = tpu.vector_load %arg13[%parallel_loop3A_184, %parallel_loop3A_185] {strides = array<i32>} : memref<16x640xf32, #tpu.memory_space<vmem>>, vector<16xf32>,
      %parallel_loop3A_187 = arith.addf %parallel_loop3A_180, %parallel_loop3A_186 : vector<16xf32>
      %parallel_loop3A_188 = arith.constant 16 : i32
      %parallel_loop3A_189 = arith.muli %parallel_loop3A_83, %parallel_loop3A_188 : i32
      %parallel_loop3A_190 = arith.constant 15 : i32
      %parallel_loop3A_191 = arith.index_cast %parallel_loop3A_190 : i32 to index
      %parallel_loop3A_192 = arith.index_cast %parallel_loop3A_189 : i32 to index
      %parallel_loop3A_193 = tpu.vector_load %arg13[%parallel_loop3A_191, %parallel_loop3A_192] {strides = array<i32>} : memref<16x640xf32, #tpu.memory_space<vmem>>, vector<16xf32>,
      %parallel_loop3A_194 = arith.addf %parallel_loop3A_187, %parallel_loop3A_193 : vector<16xf32>
      %parallel_loop3A_195 = arith.constant 16 : i32
      %parallel_loop3A_196 = arith.muli %parallel_loop3A_83, %parallel_loop3A_195 : i32
      %parallel_loop3A_197 = arith.index_cast %parallel_loop3A_196 : i32 to index
      %parallel_loop3A_198 = tpu.vector_load %arg20[%parallel_loop3A_197] {strides = array<i32>} : memref<640xf32, #tpu.memory_space<vmem>>, vector<16xf32>,
      tpu.vector_store %arg20[%parallel_loop3A_197], %parallel_loop3A_194 {strides = array<i32>} : memref<640xf32, #tpu.memory_space<vmem>>, vector<16xf32>,
    } {sc.loop_unroll_factor = 4 : i64, sc.parallel_access}
    %scan3A = arith.constant 0 : i32
    %scan3A_22 = arith.constant 0 : i32
    %scan3A_23 = arith.constant 40 : i32
    %scan3A_24 = arith.addi %scan3A_22, %scan3A_23 : i32
    %scan3A_25 = arith.constant 1 : i32
    %scan3A_26 = scf.for %scan3A_83 = %scan3A_22 to %scan3A_24 step %scan3A_25 iter_args(%scan3A_84 = %scan3A) -> (i32)  : i32 {
      %mul3A_85 = arith.constant 16 : i32
      %mul3A_86 = arith.muli %scan3A_83, %mul3A_85 : i32
      %get3A_87 = arith.index_cast %mul3A_86 : i32 to index
      %get3A_88 = tpu.vector_load %arg20[%get3A_87] {strides = array<i32>} : memref<640xf32, #tpu.memory_space<vmem>>, vector<16xf32>,
      %add3A_89 = arith.constant 1.000000e+00 : f32
      %add3A_90 = vector.broadcast %add3A_89 : f32 to vector<16xf32>
      %add3A_91 = arith.addf %get3A_88, %add3A_90 : vector<16xf32>
      %bitcast3A = vector.bitcast %add3A_91 : vector<16xf32> to vector<16xi32>
      %shift_right_logical3A = arith.constant 1 : i32
      %shift_right_logical3A_92 = vector.broadcast %shift_right_logical3A : i32 to vector<16xi32>
      %shift_right_logical3A_93 = arith.shrui %bitcast3A, %shift_right_logical3A_92 : vector<16xi32>
      %sub3A = arith.constant 1597463007 : i32
      %sub3A_94 = vector.broadcast %sub3A : i32 to vector<16xi32>
      %sub3A_95 = arith.subi %sub3A_94, %shift_right_logical3A_93 : vector<16xi32>
      %bitcast3A_96 = vector.bitcast %sub3A_95 : vector<16xi32> to vector<16xf32>
      %mul3A_97 = arith.constant 5.000000e-01 : f32
      %mul3A_98 = vector.broadcast %mul3A_97 : f32 to vector<16xf32>
      %mul3A_99 = arith.mulf %mul3A_98, %add3A_91 : vector<16xf32>
      %mul3A_100 = arith.mulf %mul3A_99, %bitcast3A_96 : vector<16xf32>
      %mul3A_101 = arith.mulf %mul3A_100, %bitcast3A_96 : vector<16xf32>
      %sub3A_102 = arith.constant 1.500000e+00 : f32
      %sub3A_103 = vector.broadcast %sub3A_102 : f32 to vector<16xf32>
      %sub3A_104 = arith.subf %sub3A_103, %mul3A_101 : vector<16xf32>
      %mul3A_105 = arith.mulf %bitcast3A_96, %sub3A_104 : vector<16xf32>
      %mul3A_106 = arith.constant 5.000000e-01 : f32
      %mul3A_107 = vector.broadcast %mul3A_106 : f32 to vector<16xf32>
      %mul3A_108 = arith.mulf %mul3A_107, %add3A_91 : vector<16xf32>
      %mul3A_109 = arith.mulf %mul3A_108, %mul3A_105 : vector<16xf32>
      %mul3A_110 = arith.mulf %mul3A_109, %mul3A_105 : vector<16xf32>
      %sub3A_111 = arith.constant 1.500000e+00 : f32
      %sub3A_112 = vector.broadcast %sub3A_111 : f32 to vector<16xf32>
      %sub3A_113 = arith.subf %sub3A_112, %mul3A_110 : vector<16xf32>
      %mul3A_114 = arith.mulf %mul3A_105, %sub3A_113 : vector<16xf32>
      %mul3A_115 = arith.constant 5.000000e-01 : f32
      %mul3A_116 = vector.broadcast %mul3A_115 : f32 to vector<16xf32>
      %mul3A_117 = arith.mulf %mul3A_116, %add3A_91 : vector<16xf32>
      %mul3A_118 = arith.mulf %mul3A_117, %mul3A_114 : vector<16xf32>
      %mul3A_119 = arith.mulf %mul3A_118, %mul3A_114 : vector<16xf32>
      %sub3A_120 = arith.constant 1.500000e+00 : f32
      %sub3A_121 = vector.broadcast %sub3A_120 : f32 to vector<16xf32>
      %sub3A_122 = arith.subf %sub3A_121, %mul3A_119 : vector<16xf32>
      %mul3A_123 = arith.mulf %mul3A_114, %sub3A_122 : vector<16xf32>
      %mul3A_124 = arith.constant 5.000000e-01 : f32
      %mul3A_125 = vector.broadcast %mul3A_124 : f32 to vector<16xf32>
      %mul3A_126 = arith.mulf %mul3A_125, %add3A_91 : vector<16xf32>
      %mul3A_127 = arith.mulf %mul3A_126, %mul3A_123 : vector<16xf32>
      %mul3A_128 = arith.mulf %mul3A_127, %mul3A_123 : vector<16xf32>
      %sub3A_129 = arith.constant 1.500000e+00 : f32
      %sub3A_130 = vector.broadcast %sub3A_129 : f32 to vector<16xf32>
      %sub3A_131 = arith.subf %sub3A_130, %mul3A_128 : vector<16xf32>
      %mul3A_132 = arith.mulf %mul3A_123, %sub3A_131 : vector<16xf32>
      %mul3A_133 = arith.constant 16 : i32
      %mul3A_134 = arith.muli %scan3A_83, %mul3A_133 : i32
      %swap3A = arith.index_cast %mul3A_134 : i32 to index
      %swap3A_135 = tpu.vector_load %arg19[%swap3A] {strides = array<i32>} : memref<640xf32, #tpu.memory_space<vmem>>, vector<16xf32>,
      tpu.vector_store %arg19[%swap3A], %mul3A_132 {strides = array<i32>} : memref<640xf32, #tpu.memory_space<vmem>>, vector<16xf32>,
      %scan3A_136 = arith.constant 0 : i32
      scf.yield %scan3A_136 : i32
    }
    %scan3A_27 = arith.constant 40 : i32
    %parallel_loop3A_28 = arith.constant 0 : i32
    %parallel_loop3A_29 = arith.constant 640 : i32
    %parallel_loop3A_30 = arith.constant 1 : i32
    scf.for %parallel_loop3A_83 = %parallel_loop3A_28 to %parallel_loop3A_29 step %parallel_loop3A_30  : i32 {
      %parallel_loop3A_84 = arith.constant 16 : i32
      %parallel_loop3A_85 = arith.muli %parallel_loop3A_83, %parallel_loop3A_84 : i32
      %parallel_loop3A_86 = arith.index_cast %parallel_loop3A_85 : i32 to index
      %parallel_loop3A_87 = tpu.vector_load %arg11[%parallel_loop3A_86] {strides = array<i32>} : memref<10240xf32, #tpu.memory_space<vmem>>, vector<16xf32>,
      tpu.vector_store %arg11[%parallel_loop3A_86], %broadcast_in_dim3A_0 {strides = array<i32>} : memref<10240xf32, #tpu.memory_space<vmem>>, vector<16xf32>,
    } {sc.loop_unroll_factor = 8 : i64, sc.parallel_access}
    %get3A = arith.constant 0 : index
    %get3A_31 = tpu.vector_load %arg21[%get3A] {strides = array<i32>} : memref<176xf32, #tpu.memory_space<vmem>>, vector<16xf32>,
    %mul3A_32 = arith.constant 2 : i32
    %mul3A_33 = arith.muli %mul3A_32, %arg0 : i32
    %add3A = arith.constant 0 : i32
    %add3A_34 = arith.addi %mul3A_33, %add3A : i32
    %mul3A_35 = arith.constant 10240 : i32
    %mul3A_36 = arith.muli %add3A_34, %mul3A_35 : i32
    %add3A_37 = arith.addi %mul3A_36, %mul3A_3 : i32
    "tpu.region"() ({
      %run_scoped3A_83 = tpu.sem_alloc : memref<!tpu.dma_semaphore, #tpu.memory_space<semaphore_mem>>
      %dma_start3A = tpu.memref_slice %arg4[%add3A_37] : memref<40960xf32, #tpu.memory_space<hbm>> -> memref<640xf32, #tpu.memory_space<hbm>>
      %dma_start3A_84 = tpu.memref_slice %arg4[%add3A_37] : memref<40960xf32, #tpu.memory_space<hbm>> -> memref<640xf32, #tpu.memory_space<hbm>>
      tpu.enqueue_dma source(%dma_start3A_84 : memref<640xf32, #tpu.memory_space<hbm>>) target(%arg15 : memref<640xf32, #tpu.memory_space<vmem>>) target_semaphore(%run_scoped3A_83 : memref<!tpu.dma_semaphore, #tpu.memory_space<semaphore_mem>>)
      %dma_wait3A = tpu.memref_slice %arg4[%add3A_37] : memref<40960xf32, #tpu.memory_space<hbm>> -> memref<640xf32, #tpu.memory_space<hbm>>
      %dma_wait3A_85 = tpu.memref_slice %arg4[%add3A_37] : memref<40960xf32, #tpu.memory_space<hbm>> -> memref<640xf32, #tpu.memory_space<hbm>>
      tpu.wait_dma2 semaphore(%run_scoped3A_83 : memref<!tpu.dma_semaphore, #tpu.memory_space<semaphore_mem>>) src(%dma_wait3A_85 : memref<640xf32, #tpu.memory_space<hbm>>) dst(%arg15 : memref<640xf32, #tpu.memory_space<vmem>>)
      tpu.yield
    }) : () -> ()
    %scan3A_38 = arith.constant 0 : i32
    %scan3A_39 = arith.constant 0 : i32
    %scan3A_40 = arith.constant 40 : i32
    %scan3A_41 = arith.addi %scan3A_39, %scan3A_40 : i32
    %scan3A_42 = arith.constant 1 : i32
    %scan3A_43 = scf.for %scan3A_83 = %scan3A_39 to %scan3A_41 step %scan3A_42 iter_args(%scan3A_84 = %scan3A_38) -> (i32)  : i32 {
      %mul3A_85 = arith.constant 16 : i32
      %mul3A_86 = arith.muli %scan3A_83, %mul3A_85 : i32
      %get3A_87 = arith.index_cast %mul3A_86 : i32 to index
      %get3A_88 = tpu.vector_load %arg15[%get3A_87] {strides = array<i32>} : memref<640xf32, #tpu.memory_space<vmem>>, vector<16xf32>,
      %mul3A_89 = arith.mulf %get3A_31, %get3A_88 : vector<16xf32>
      %mul3A_90 = arith.constant 16 : i32
      %mul3A_91 = arith.muli %scan3A_83, %mul3A_90 : i32
      %swap3A = arith.index_cast %mul3A_91 : i32 to index
      %swap3A_92 = tpu.vector_load %arg17[%swap3A] {strides = array<i32>} : memref<640xf32, #tpu.memory_space<vmem>>, vector<16xf32>,
      tpu.vector_store %arg17[%swap3A], %mul3A_89 {strides = array<i32>} : memref<640xf32, #tpu.memory_space<vmem>>, vector<16xf32>,
      %mul3A_93 = arith.constant 16 : i32
      %mul3A_94 = arith.muli %scan3A_83, %mul3A_93 : i32
      %get3A_95 = arith.index_cast %mul3A_94 : i32 to index
      %get3A_96 = tpu.vector_load %arg19[%get3A_95] {strides = array<i32>} : memref<640xf32, #tpu.memory_space<vmem>>, vector<16xf32>,
      %mul3A_97 = arith.mulf %get3A_96, %get3A_88 : vector<16xf32>
      %mul3A_98 = arith.constant 16 : i32
      %mul3A_99 = arith.muli %scan3A_83, %mul3A_98 : i32
      %swap3A_100 = arith.index_cast %mul3A_99 : i32 to index
      %swap3A_101 = tpu.vector_load %arg15[%swap3A_100] {strides = array<i32>} : memref<640xf32, #tpu.memory_space<vmem>>, vector<16xf32>,
      tpu.vector_store %arg15[%swap3A_100], %mul3A_97 {strides = array<i32>} : memref<640xf32, #tpu.memory_space<vmem>>, vector<16xf32>,
      %scan3A_102 = arith.constant 0 : i32
      scf.yield %scan3A_102 : i32
    }
    %scan3A_44 = arith.constant 40 : i32
    %run_scoped3A_45 = arith.constant 0 : i32
    "tpu.region"() ({
      %run_scoped3A_83 = tpu.sem_alloc : memref<!tpu.dma_semaphore, #tpu.memory_space<semaphore_mem>>
      %dma_start3A = tpu.memref_slice %arg27[%run_scoped3A_45, %mul3A_3] : memref<2x10240xf32, #tpu.memory_space<vmem_shared>> -> memref<1x640xf32, #tpu.memory_space<vmem_shared>>
      %dma_start3A_84 = tpu.memref_squeeze %dma_start3A : memref<1x640xf32, #tpu.memory_space<vmem_shared>> -> memref<640xf32, #tpu.memory_space<vmem_shared>>
      %dma_start3A_85 = tpu.memref_slice %arg27[%run_scoped3A_45, %mul3A_3] : memref<2x10240xf32, #tpu.memory_space<vmem_shared>> -> memref<1x640xf32, #tpu.memory_space<vmem_shared>>
      %dma_start3A_86 = tpu.memref_squeeze %dma_start3A_85 : memref<1x640xf32, #tpu.memory_space<vmem_shared>> -> memref<640xf32, #tpu.memory_space<vmem_shared>>
      tpu.enqueue_dma source(%arg15 : memref<640xf32, #tpu.memory_space<vmem>>) target(%dma_start3A_86 : memref<640xf32, #tpu.memory_space<vmem_shared>>) target_semaphore(%run_scoped3A_83 : memref<!tpu.dma_semaphore, #tpu.memory_space<semaphore_mem>>)
      %dma_wait3A = tpu.memref_slice %arg27[%run_scoped3A_45, %mul3A_3] : memref<2x10240xf32, #tpu.memory_space<vmem_shared>> -> memref<1x640xf32, #tpu.memory_space<vmem_shared>>
      %dma_wait3A_87 = tpu.memref_squeeze %dma_wait3A : memref<1x640xf32, #tpu.memory_space<vmem_shared>> -> memref<640xf32, #tpu.memory_space<vmem_shared>>
      %dma_wait3A_88 = tpu.memref_slice %arg27[%run_scoped3A_45, %mul3A_3] : memref<2x10240xf32, #tpu.memory_space<vmem_shared>> -> memref<1x640xf32, #tpu.memory_space<vmem_shared>>
      %dma_wait3A_89 = tpu.memref_squeeze %dma_wait3A_88 : memref<1x640xf32, #tpu.memory_space<vmem_shared>> -> memref<640xf32, #tpu.memory_space<vmem_shared>>
      tpu.wait_dma2 semaphore(%run_scoped3A_83 : memref<!tpu.dma_semaphore, #tpu.memory_space<semaphore_mem>>) src(%arg15 : memref<640xf32, #tpu.memory_space<vmem>>) dst(%dma_wait3A_89 : memref<640xf32, #tpu.memory_space<vmem_shared>>)
      tpu.yield
    }) : () -> ()
    %mul3A_46 = arith.constant 2 : i32
    %mul3A_47 = arith.muli %mul3A_46, %arg0 : i32
    %add3A_48 = arith.constant 1 : i32
    %add3A_49 = arith.addi %mul3A_47, %add3A_48 : i32
    %mul3A_50 = arith.constant 10240 : i32
    %mul3A_51 = arith.muli %add3A_49, %mul3A_50 : i32
    %add3A_52 = arith.addi %mul3A_51, %mul3A_3 : i32
    "tpu.region"() ({
      %run_scoped3A_83 = tpu.sem_alloc : memref<!tpu.dma_semaphore, #tpu.memory_space<semaphore_mem>>
      %dma_start3A = tpu.memref_slice %arg4[%add3A_52] : memref<40960xf32, #tpu.memory_space<hbm>> -> memref<640xf32, #tpu.memory_space<hbm>>
      %dma_start3A_84 = tpu.memref_slice %arg4[%add3A_52] : memref<40960xf32, #tpu.memory_space<hbm>> -> memref<640xf32, #tpu.memory_space<hbm>>
      tpu.enqueue_dma source(%dma_start3A_84 : memref<640xf32, #tpu.memory_space<hbm>>) target(%arg16 : memref<640xf32, #tpu.memory_space<vmem>>) target_semaphore(%run_scoped3A_83 : memref<!tpu.dma_semaphore, #tpu.memory_space<semaphore_mem>>)
      %dma_wait3A = tpu.memref_slice %arg4[%add3A_52] : memref<40960xf32, #tpu.memory_space<hbm>> -> memref<640xf32, #tpu.memory_space<hbm>>
      %dma_wait3A_85 = tpu.memref_slice %arg4[%add3A_52] : memref<40960xf32, #tpu.memory_space<hbm>> -> memref<640xf32, #tpu.memory_space<hbm>>
      tpu.wait_dma2 semaphore(%run_scoped3A_83 : memref<!tpu.dma_semaphore, #tpu.memory_space<semaphore_mem>>) src(%dma_wait3A_85 : memref<640xf32, #tpu.memory_space<hbm>>) dst(%arg16 : memref<640xf32, #tpu.memory_space<vmem>>)
      tpu.yield
    }) : () -> ()
    %scan3A_53 = arith.constant 0 : i32
    %scan3A_54 = arith.constant 0 : i32
    %scan3A_55 = arith.constant 40 : i32
    %scan3A_56 = arith.addi %scan3A_54, %scan3A_55 : i32
    %scan3A_57 = arith.constant 1 : i32
    %scan3A_58 = scf.for %scan3A_83 = %scan3A_54 to %scan3A_56 step %scan3A_57 iter_args(%scan3A_84 = %scan3A_53) -> (i32)  : i32 {
      %mul3A_85 = arith.constant 16 : i32
      %mul3A_86 = arith.muli %scan3A_83, %mul3A_85 : i32
      %get3A_87 = arith.index_cast %mul3A_86 : i32 to index
      %get3A_88 = tpu.vector_load %arg16[%get3A_87] {strides = array<i32>} : memref<640xf32, #tpu.memory_space<vmem>>, vector<16xf32>,
      %mul3A_89 = arith.mulf %get3A_31, %get3A_88 : vector<16xf32>
      %mul3A_90 = arith.constant 16 : i32
      %mul3A_91 = arith.muli %scan3A_83, %mul3A_90 : i32
      %swap3A = arith.index_cast %mul3A_91 : i32 to index
      %swap3A_92 = tpu.vector_load %arg18[%swap3A] {strides = array<i32>} : memref<640xf32, #tpu.memory_space<vmem>>, vector<16xf32>,
      tpu.vector_store %arg18[%swap3A], %mul3A_89 {strides = array<i32>} : memref<640xf32, #tpu.memory_space<vmem>>, vector<16xf32>,
      %mul3A_93 = arith.constant 16 : i32
      %mul3A_94 = arith.muli %scan3A_83, %mul3A_93 : i32
      %get3A_95 = arith.index_cast %mul3A_94 : i32 to index
      %get3A_96 = tpu.vector_load %arg19[%get3A_95] {strides = array<i32>} : memref<640xf32, #tpu.memory_space<vmem>>, vector<16xf32>,
      %mul3A_97 = arith.mulf %get3A_96, %get3A_88 : vector<16xf32>
      %mul3A_98 = arith.constant 16 : i32
      %mul3A_99 = arith.muli %scan3A_83, %mul3A_98 : i32
      %swap3A_100 = arith.index_cast %mul3A_99 : i32 to index
      %swap3A_101 = tpu.vector_load %arg16[%swap3A_100] {strides = array<i32>} : memref<640xf32, #tpu.memory_space<vmem>>, vector<16xf32>,
      tpu.vector_store %arg16[%swap3A_100], %mul3A_97 {strides = array<i32>} : memref<640xf32, #tpu.memory_space<vmem>>, vector<16xf32>,
      %scan3A_102 = arith.constant 0 : i32
      scf.yield %scan3A_102 : i32
    }
    %scan3A_59 = arith.constant 40 : i32
    %run_scoped3A_60 = arith.constant 1 : i32
    "tpu.region"() ({
      %run_scoped3A_83 = tpu.sem_alloc : memref<!tpu.dma_semaphore, #tpu.memory_space<semaphore_mem>>
      %dma_start3A = tpu.memref_slice %arg27[%run_scoped3A_60, %mul3A_3] : memref<2x10240xf32, #tpu.memory_space<vmem_shared>> -> memref<1x640xf32, #tpu.memory_space<vmem_shared>>
      %dma_start3A_84 = tpu.memref_squeeze %dma_start3A : memref<1x640xf32, #tpu.memory_space<vmem_shared>> -> memref<640xf32, #tpu.memory_space<vmem_shared>>
      %dma_start3A_85 = tpu.memref_slice %arg27[%run_scoped3A_60, %mul3A_3] : memref<2x10240xf32, #tpu.memory_space<vmem_shared>> -> memref<1x640xf32, #tpu.memory_space<vmem_shared>>
      %dma_start3A_86 = tpu.memref_squeeze %dma_start3A_85 : memref<1x640xf32, #tpu.memory_space<vmem_shared>> -> memref<640xf32, #tpu.memory_space<vmem_shared>>
      tpu.enqueue_dma source(%arg16 : memref<640xf32, #tpu.memory_space<vmem>>) target(%dma_start3A_86 : memref<640xf32, #tpu.memory_space<vmem_shared>>) target_semaphore(%run_scoped3A_83 : memref<!tpu.dma_semaphore, #tpu.memory_space<semaphore_mem>>)
      %dma_wait3A = tpu.memref_slice %arg27[%run_scoped3A_60, %mul3A_3] : memref<2x10240xf32, #tpu.memory_space<vmem_shared>> -> memref<1x640xf32, #tpu.memory_space<vmem_shared>>
      %dma_wait3A_87 = tpu.memref_squeeze %dma_wait3A : memref<1x640xf32, #tpu.memory_space<vmem_shared>> -> memref<640xf32, #tpu.memory_space<vmem_shared>>
      %dma_wait3A_88 = tpu.memref_slice %arg27[%run_scoped3A_60, %mul3A_3] : memref<2x10240xf32, #tpu.memory_space<vmem_shared>> -> memref<1x640xf32, #tpu.memory_space<vmem_shared>>
      %dma_wait3A_89 = tpu.memref_squeeze %dma_wait3A_88 : memref<1x640xf32, #tpu.memory_space<vmem_shared>> -> memref<640xf32, #tpu.memory_space<vmem_shared>>
      tpu.wait_dma2 semaphore(%run_scoped3A_83 : memref<!tpu.dma_semaphore, #tpu.memory_space<semaphore_mem>>) src(%arg16 : memref<640xf32, #tpu.memory_space<vmem>>) dst(%dma_wait3A_89 : memref<640xf32, #tpu.memory_space<vmem_shared>>)
      tpu.yield
    }) : () -> ()
    %barrier3A_61 = arith.constant 0 : index
    tpu.barrier barrier_id(%barrier3A_61)
    %run_scoped3A_62 = arith.constant 0 : i32
    "tpu.region"() ({
      %run_scoped3A_83 = tpu.sem_alloc : memref<!tpu.dma_semaphore, #tpu.memory_space<semaphore_mem>>
      %dma_start3A = arith.constant 0 : i32
      %dma_start3A_84 = tpu.memref_slice %arg27[%run_scoped3A_62, %dma_start3A] : memref<2x10240xf32, #tpu.memory_space<vmem_shared>> -> memref<1x10240xf32, #tpu.memory_space<vmem_shared>>
      %dma_start3A_85 = tpu.memref_squeeze %dma_start3A_84 : memref<1x10240xf32, #tpu.memory_space<vmem_shared>> -> memref<10240xf32, #tpu.memory_space<vmem_shared>>
      %dma_start3A_86 = arith.constant 0 : i32
      %dma_start3A_87 = tpu.memref_slice %arg27[%run_scoped3A_62, %dma_start3A_86] : memref<2x10240xf32, #tpu.memory_space<vmem_shared>> -> memref<1x10240xf32, #tpu.memory_space<vmem_shared>>
      %dma_start3A_88 = tpu.memref_squeeze %dma_start3A_87 : memref<1x10240xf32, #tpu.memory_space<vmem_shared>> -> memref<10240xf32, #tpu.memory_space<vmem_shared>>
      tpu.enqueue_dma source(%dma_start3A_88 : memref<10240xf32, #tpu.memory_space<vmem_shared>>) target(%arg9 : memref<10240xf32, #tpu.memory_space<vmem>>) target_semaphore(%run_scoped3A_83 : memref<!tpu.dma_semaphore, #tpu.memory_space<semaphore_mem>>)
      %dma_wait3A = arith.constant 0 : i32
      %dma_wait3A_89 = tpu.memref_slice %arg27[%run_scoped3A_62, %dma_wait3A] : memref<2x10240xf32, #tpu.memory_space<vmem_shared>> -> memref<1x10240xf32, #tpu.memory_space<vmem_shared>>
      %dma_wait3A_90 = tpu.memref_squeeze %dma_wait3A_89 : memref<1x10240xf32, #tpu.memory_space<vmem_shared>> -> memref<10240xf32, #tpu.memory_space<vmem_shared>>
      %dma_wait3A_91 = arith.constant 0 : i32
      %dma_wait3A_92 = tpu.memref_slice %arg27[%run_scoped3A_62, %dma_wait3A_91] : memref<2x10240xf32, #tpu.memory_space<vmem_shared>> -> memref<1x10240xf32, #tpu.memory_space<vmem_shared>>
      %dma_wait3A_93 = tpu.memref_squeeze %dma_wait3A_92 : memref<1x10240xf32, #tpu.memory_space<vmem_shared>> -> memref<10240xf32, #tpu.memory_space<vmem_shared>>
      tpu.wait_dma2 semaphore(%run_scoped3A_83 : memref<!tpu.dma_semaphore, #tpu.memory_space<semaphore_mem>>) src(%dma_wait3A_93 : memref<10240xf32, #tpu.memory_space<vmem_shared>>) dst(%arg9 : memref<10240xf32, #tpu.memory_space<vmem>>)
      tpu.yield
    }) : () -> ()
    %run_scoped3A_63 = arith.constant 1 : i32
    "tpu.region"() ({
      %run_scoped3A_83 = tpu.sem_alloc : memref<!tpu.dma_semaphore, #tpu.memory_space<semaphore_mem>>
      %dma_start3A = arith.constant 0 : i32
      %dma_start3A_84 = tpu.memref_slice %arg27[%run_scoped3A_63, %dma_start3A] : memref<2x10240xf32, #tpu.memory_space<vmem_shared>> -> memref<1x10240xf32, #tpu.memory_space<vmem_shared>>
      %dma_start3A_85 = tpu.memref_squeeze %dma_start3A_84 : memref<1x10240xf32, #tpu.memory_space<vmem_shared>> -> memref<10240xf32, #tpu.memory_space<vmem_shared>>
      %dma_start3A_86 = arith.constant 0 : i32
      %dma_start3A_87 = tpu.memref_slice %arg27[%run_scoped3A_63, %dma_start3A_86] : memref<2x10240xf32, #tpu.memory_space<vmem_shared>> -> memref<1x10240xf32, #tpu.memory_space<vmem_shared>>
      %dma_start3A_88 = tpu.memref_squeeze %dma_start3A_87 : memref<1x10240xf32, #tpu.memory_space<vmem_shared>> -> memref<10240xf32, #tpu.memory_space<vmem_shared>>
      tpu.enqueue_dma source(%dma_start3A_88 : memref<10240xf32, #tpu.memory_space<vmem_shared>>) target(%arg10 : memref<10240xf32, #tpu.memory_space<vmem>>) target_semaphore(%run_scoped3A_83 : memref<!tpu.dma_semaphore, #tpu.memory_space<semaphore_mem>>)
      %dma_wait3A = arith.constant 0 : i32
      %dma_wait3A_89 = tpu.memref_slice %arg27[%run_scoped3A_63, %dma_wait3A] : memref<2x10240xf32, #tpu.memory_space<vmem_shared>> -> memref<1x10240xf32, #tpu.memory_space<vmem_shared>>
      %dma_wait3A_90 = tpu.memref_squeeze %dma_wait3A_89 : memref<1x10240xf32, #tpu.memory_space<vmem_shared>> -> memref<10240xf32, #tpu.memory_space<vmem_shared>>
      %dma_wait3A_91 = arith.constant 0 : i32
      %dma_wait3A_92 = tpu.memref_slice %arg27[%run_scoped3A_63, %dma_wait3A_91] : memref<2x10240xf32, #tpu.memory_space<vmem_shared>> -> memref<1x10240xf32, #tpu.memory_space<vmem_shared>>
      %dma_wait3A_93 = tpu.memref_squeeze %dma_wait3A_92 : memref<1x10240xf32, #tpu.memory_space<vmem_shared>> -> memref<10240xf32, #tpu.memory_space<vmem_shared>>
      tpu.wait_dma2 semaphore(%run_scoped3A_83 : memref<!tpu.dma_semaphore, #tpu.memory_space<semaphore_mem>>) src(%dma_wait3A_93 : memref<10240xf32, #tpu.memory_space<vmem_shared>>) dst(%arg10 : memref<10240xf32, #tpu.memory_space<vmem>>)
      tpu.yield
    }) : () -> ()
    %scan3A_64 = arith.constant 0 : i32
    %scan3A_65 = arith.constant 0 : i32
    %scan3A_66 = arith.constant 10 : i32
    %scan3A_67 = arith.addi %scan3A_65, %scan3A_66 : i32
    %scan3A_68 = arith.constant 1 : i32
    %scan3A_69 = scf.for %scan3A_83 = %scan3A_65 to %scan3A_67 step %scan3A_68 iter_args(%scan3A_84 = %scan3A_64) -> (i32)  : i32 {
      %parallel_loop3A_85 = arith.constant 0 : i32
      %parallel_loop3A_86 = arith.constant 1250 : i32
      %parallel_loop3A_87 = arith.constant 1 : i32
      scf.for %parallel_loop3A_217 = %parallel_loop3A_85 to %parallel_loop3A_86 step %parallel_loop3A_87  : i32 {
        %parallel_loop3A_218 = arith.constant 16 : i32
        %parallel_loop3A_219 = arith.muli %parallel_loop3A_217, %parallel_loop3A_218 : i32
        %parallel_loop3A_220 = arith.index_cast %parallel_loop3A_219 : i32 to index
        %parallel_loop3A_221 = tpu.vector_load %arg7[%parallel_loop3A_220] {strides = array<i32>} : memref<20000xi32, #tpu.memory_space<vmem>>, vector<16xi32>,
        %parallel_loop3A_222 = arith.constant 16 : i32
        %parallel_loop3A_223 = arith.muli %parallel_loop3A_217, %parallel_loop3A_222 : i32
        %parallel_loop3A_224 = arith.index_cast %parallel_loop3A_223 : i32 to index
        %parallel_loop3A_225 = tpu.vector_load %arg8[%parallel_loop3A_224] {strides = array<i32>} : memref<20000xi32, #tpu.memory_space<vmem>>, vector<16xi32>,
        %parallel_loop3A_226 = tpu.vector_load_idx %arg9[%parallel_loop3A_221] : memref<10240xf32, #tpu.memory_space<vmem>>[vector<16xi32>], vector<16xf32>,
        %parallel_loop3A_227 = tpu.vector_load_idx %arg10[%parallel_loop3A_221] : memref<10240xf32, #tpu.memory_space<vmem>>[vector<16xi32>], vector<16xf32>,
        tpu.vector_store_idx %arg11[%parallel_loop3A_225], %parallel_loop3A_226 {add = true} : memref<10240xf32, #tpu.memory_space<vmem>>[vector<16xi32>], vector<16xf32>,
        tpu.vector_store_idx %arg12[%parallel_loop3A_225], %parallel_loop3A_227 {add = true} : memref<10240xf32, #tpu.memory_space<vmem>>[vector<16xi32>], vector<16xf32>,
      } {sc.loop_unroll_factor = 25 : i64, sc.parallel_access}
      %dma_start3A = arith.constant 0 : i32
      %dma_start3A_88 = arith.constant 0 : i32
      %dma_start3A_89 = tpu.memref_slice %arg26[%dma_start3A, %arg1, %dma_start3A_88] : memref<2x16x10240xf32, #tpu.memory_space<vmem_shared>> -> memref<1x1x10240xf32, #tpu.memory_space<vmem_shared>>
      %dma_start3A_90 = tpu.memref_squeeze %dma_start3A_89 : memref<1x1x10240xf32, #tpu.memory_space<vmem_shared>> -> memref<10240xf32, #tpu.memory_space<vmem_shared>>
      %dma_start3A_91 = arith.constant 0 : i32
      %dma_start3A_92 = tpu.memref_slice %arg26[%dma_start3A, %arg1, %dma_start3A_91] : memref<2x16x10240xf32, #tpu.memory_space<vmem_shared>> -> memref<1x1x10240xf32, #tpu.memory_space<vmem_shared>>
      %dma_start3A_93 = tpu.memref_squeeze %dma_start3A_92 : memref<1x1x10240xf32, #tpu.memory_space<vmem_shared>> -> memref<10240xf32, #tpu.memory_space<vmem_shared>>
      tpu.enqueue_dma source(%arg11 : memref<10240xf32, #tpu.memory_space<vmem>>) target(%dma_start3A_93 : memref<10240xf32, #tpu.memory_space<vmem_shared>>) target_semaphore(%arg22 : memref<!tpu.dma_semaphore, #tpu.memory_space<semaphore_mem>>)
      %dma_start3A_94 = arith.constant 1 : i32
      %dma_start3A_95 = arith.constant 0 : i32
      %dma_start3A_96 = tpu.memref_slice %arg26[%dma_start3A_94, %arg1, %dma_start3A_95] : memref<2x16x10240xf32, #tpu.memory_space<vmem_shared>> -> memref<1x1x10240xf32, #tpu.memory_space<vmem_shared>>
      %dma_start3A_97 = tpu.memref_squeeze %dma_start3A_96 : memref<1x1x10240xf32, #tpu.memory_space<vmem_shared>> -> memref<10240xf32, #tpu.memory_space<vmem_shared>>
      %dma_start3A_98 = arith.constant 0 : i32
      %dma_start3A_99 = tpu.memref_slice %arg26[%dma_start3A_94, %arg1, %dma_start3A_98] : memref<2x16x10240xf32, #tpu.memory_space<vmem_shared>> -> memref<1x1x10240xf32, #tpu.memory_space<vmem_shared>>
      %dma_start3A_100 = tpu.memref_squeeze %dma_start3A_99 : memref<1x1x10240xf32, #tpu.memory_space<vmem_shared>> -> memref<10240xf32, #tpu.memory_space<vmem_shared>>
      tpu.enqueue_dma source(%arg12 : memref<10240xf32, #tpu.memory_space<vmem>>) target(%dma_start3A_100 : memref<10240xf32, #tpu.memory_space<vmem_shared>>) target_semaphore(%arg23 : memref<!tpu.dma_semaphore, #tpu.memory_space<semaphore_mem>>)
      %dma_wait3A = arith.constant 0 : i32
      %dma_wait3A_101 = arith.constant 0 : i32
      %dma_wait3A_102 = tpu.memref_slice %arg26[%dma_wait3A, %arg1, %dma_wait3A_101] : memref<2x16x10240xf32, #tpu.memory_space<vmem_shared>> -> memref<1x1x10240xf32, #tpu.memory_space<vmem_shared>>
      %dma_wait3A_103 = tpu.memref_squeeze %dma_wait3A_102 : memref<1x1x10240xf32, #tpu.memory_space<vmem_shared>> -> memref<10240xf32, #tpu.memory_space<vmem_shared>>
      %dma_wait3A_104 = arith.constant 0 : i32
      %dma_wait3A_105 = tpu.memref_slice %arg26[%dma_wait3A, %arg1, %dma_wait3A_104] : memref<2x16x10240xf32, #tpu.memory_space<vmem_shared>> -> memref<1x1x10240xf32, #tpu.memory_space<vmem_shared>>
      %dma_wait3A_106 = tpu.memref_squeeze %dma_wait3A_105 : memref<1x1x10240xf32, #tpu.memory_space<vmem_shared>> -> memref<10240xf32, #tpu.memory_space<vmem_shared>>
      tpu.wait_dma2 semaphore(%arg22 : memref<!tpu.dma_semaphore, #tpu.memory_space<semaphore_mem>>) src(%arg11 : memref<10240xf32, #tpu.memory_space<vmem>>) dst(%dma_wait3A_106 : memref<10240xf32, #tpu.memory_space<vmem_shared>>)
      %parallel_loop3A_107 = arith.constant 0 : i32
      %parallel_loop3A_108 = arith.constant 640 : i32
      %parallel_loop3A_109 = arith.constant 1 : i32
      scf.for %parallel_loop3A_217 = %parallel_loop3A_107 to %parallel_loop3A_108 step %parallel_loop3A_109  : i32 {
        %parallel_loop3A_218 = arith.constant 16 : i32
        %parallel_loop3A_219 = arith.muli %parallel_loop3A_217, %parallel_loop3A_218 : i32
        %parallel_loop3A_220 = arith.index_cast %parallel_loop3A_219 : i32 to index
        %parallel_loop3A_221 = tpu.vector_load %arg11[%parallel_loop3A_220] {strides = array<i32>} : memref<10240xf32, #tpu.memory_space<vmem>>, vector<16xf32>,
        tpu.vector_store %arg11[%parallel_loop3A_220], %broadcast_in_dim3A_0 {strides = array<i32>} : memref<10240xf32, #tpu.memory_space<vmem>>, vector<16xf32>,
      } {sc.loop_unroll_factor = 8 : i64, sc.parallel_access}
      %dma_wait3A_110 = arith.constant 1 : i32
      %dma_wait3A_111 = arith.constant 0 : i32
      %dma_wait3A_112 = tpu.memref_slice %arg26[%dma_wait3A_110, %arg1, %dma_wait3A_111] : memref<2x16x10240xf32, #tpu.memory_space<vmem_shared>> -> memref<1x1x10240xf32, #tpu.memory_space<vmem_shared>>
      %dma_wait3A_113 = tpu.memref_squeeze %dma_wait3A_112 : memref<1x1x10240xf32, #tpu.memory_space<vmem_shared>> -> memref<10240xf32, #tpu.memory_space<vmem_shared>>
      %dma_wait3A_114 = arith.constant 0 : i32
      %dma_wait3A_115 = tpu.memref_slice %arg26[%dma_wait3A_110, %arg1, %dma_wait3A_114] : memref<2x16x10240xf32, #tpu.memory_space<vmem_shared>> -> memref<1x1x10240xf32, #tpu.memory_space<vmem_shared>>
      %dma_wait3A_116 = tpu.memref_squeeze %dma_wait3A_115 : memref<1x1x10240xf32, #tpu.memory_space<vmem_shared>> -> memref<10240xf32, #tpu.memory_space<vmem_shared>>
      tpu.wait_dma2 semaphore(%arg23 : memref<!tpu.dma_semaphore, #tpu.memory_space<semaphore_mem>>) src(%arg12 : memref<10240xf32, #tpu.memory_space<vmem>>) dst(%dma_wait3A_116 : memref<10240xf32, #tpu.memory_space<vmem_shared>>)
      %parallel_loop3A_117 = arith.constant 0 : i32
      %parallel_loop3A_118 = arith.constant 640 : i32
      %parallel_loop3A_119 = arith.constant 1 : i32
      scf.for %parallel_loop3A_217 = %parallel_loop3A_117 to %parallel_loop3A_118 step %parallel_loop3A_119  : i32 {
        %parallel_loop3A_218 = arith.constant 16 : i32
        %parallel_loop3A_219 = arith.muli %parallel_loop3A_217, %parallel_loop3A_218 : i32
        %parallel_loop3A_220 = arith.index_cast %parallel_loop3A_219 : i32 to index
        %parallel_loop3A_221 = tpu.vector_load %arg12[%parallel_loop3A_220] {strides = array<i32>} : memref<10240xf32, #tpu.memory_space<vmem>>, vector<16xf32>,
        tpu.vector_store %arg12[%parallel_loop3A_220], %broadcast_in_dim3A_0 {strides = array<i32>} : memref<10240xf32, #tpu.memory_space<vmem>>, vector<16xf32>,
      } {sc.loop_unroll_factor = 8 : i64, sc.parallel_access}
      %barrier3A_120 = arith.constant 0 : index
      tpu.barrier barrier_id(%barrier3A_120)
      %add3A_121 = arith.constant 1 : i32
      %add3A_122 = arith.addi %scan3A_83, %add3A_121 : i32
      %mul3A_123 = arith.constant 16 : i32
      %mul3A_124 = arith.muli %mul3A_123, %add3A_122 : i32
      %get3A_125 = arith.index_cast %mul3A_124 : i32 to index
      %get3A_126 = tpu.vector_load %arg21[%get3A_125] {strides = array<i32>} : memref<176xf32, #tpu.memory_space<vmem>>, vector<16xf32>,
      %dma_start3A_127 = arith.constant 0 : i32
      %dma_start3A_128 = arith.constant 0 : i32
      %dma_start3A_129 = tpu.memref_slice %arg26[%dma_start3A_127, %dma_start3A_128, %mul3A_3] : memref<2x16x10240xf32, #tpu.memory_space<vmem_shared>> -> memref<1x16x640xf32, #tpu.memory_space<vmem_shared>>
      %dma_start3A_130 = tpu.memref_squeeze %dma_start3A_129 : memref<1x16x640xf32, #tpu.memory_space<vmem_shared>> -> memref<16x640xf32, #tpu.memory_space<vmem_shared>>
      %dma_start3A_131 = arith.constant 0 : i32
      %dma_start3A_132 = tpu.memref_slice %arg26[%dma_start3A_127, %dma_start3A_131, %mul3A_3] : memref<2x16x10240xf32, #tpu.memory_space<vmem_shared>> -> memref<1x16x640xf32, #tpu.memory_space<vmem_shared>>
      %dma_start3A_133 = tpu.memref_squeeze %dma_start3A_132 : memref<1x16x640xf32, #tpu.memory_space<vmem_shared>> -> memref<16x640xf32, #tpu.memory_space<vmem_shared>>
      tpu.enqueue_dma source(%dma_start3A_133 : memref<16x640xf32, #tpu.memory_space<vmem_shared>>) target(%arg13 : memref<16x640xf32, #tpu.memory_space<vmem>>) target_semaphore(%arg22 : memref<!tpu.dma_semaphore, #tpu.memory_space<semaphore_mem>>)
      %dma_start3A_134 = arith.constant 1 : i32
      %dma_start3A_135 = arith.constant 0 : i32
      %dma_start3A_136 = tpu.memref_slice %arg26[%dma_start3A_134, %dma_start3A_135, %mul3A_3] : memref<2x16x10240xf32, #tpu.memory_space<vmem_shared>> -> memref<1x16x640xf32, #tpu.memory_space<vmem_shared>>
      %dma_start3A_137 = tpu.memref_squeeze %dma_start3A_136 : memref<1x16x640xf32, #tpu.memory_space<vmem_shared>> -> memref<16x640xf32, #tpu.memory_space<vmem_shared>>
      %dma_start3A_138 = arith.constant 0 : i32
      %dma_start3A_139 = tpu.memref_slice %arg26[%dma_start3A_134, %dma_start3A_138, %mul3A_3] : memref<2x16x10240xf32, #tpu.memory_space<vmem_shared>> -> memref<1x16x640xf32, #tpu.memory_space<vmem_shared>>
      %dma_start3A_140 = tpu.memref_squeeze %dma_start3A_139 : memref<1x16x640xf32, #tpu.memory_space<vmem_shared>> -> memref<16x640xf32, #tpu.memory_space<vmem_shared>>
      tpu.enqueue_dma source(%dma_start3A_140 : memref<16x640xf32, #tpu.memory_space<vmem_shared>>) target(%arg14 : memref<16x640xf32, #tpu.memory_space<vmem>>) target_semaphore(%arg23 : memref<!tpu.dma_semaphore, #tpu.memory_space<semaphore_mem>>)
      %dma_wait3A_141 = arith.constant 0 : i32
      %dma_wait3A_142 = arith.constant 0 : i32
      %dma_wait3A_143 = tpu.memref_slice %arg26[%dma_wait3A_141, %dma_wait3A_142, %mul3A_3] : memref<2x16x10240xf32, #tpu.memory_space<vmem_shared>> -> memref<1x16x640xf32, #tpu.memory_space<vmem_shared>>
      %dma_wait3A_144 = tpu.memref_squeeze %dma_wait3A_143 : memref<1x16x640xf32, #tpu.memory_space<vmem_shared>> -> memref<16x640xf32, #tpu.memory_space<vmem_shared>>
      %dma_wait3A_145 = arith.constant 0 : i32
      %dma_wait3A_146 = tpu.memref_slice %arg26[%dma_wait3A_141, %dma_wait3A_145, %mul3A_3] : memref<2x16x10240xf32, #tpu.memory_space<vmem_shared>> -> memref<1x16x640xf32, #tpu.memory_space<vmem_shared>>
      %dma_wait3A_147 = tpu.memref_squeeze %dma_wait3A_146 : memref<1x16x640xf32, #tpu.memory_space<vmem_shared>> -> memref<16x640xf32, #tpu.memory_space<vmem_shared>>
      tpu.wait_dma2 semaphore(%arg22 : memref<!tpu.dma_semaphore, #tpu.memory_space<semaphore_mem>>) src(%dma_wait3A_147 : memref<16x640xf32, #tpu.memory_space<vmem_shared>>) dst(%arg13 : memref<16x640xf32, #tpu.memory_space<vmem>>)
      %parallel_loop3A_148 = arith.constant 0 : i32
      %parallel_loop3A_149 = arith.constant 40 : i32
      %parallel_loop3A_150 = arith.constant 1 : i32
      scf.for %parallel_loop3A_217 = %parallel_loop3A_148 to %parallel_loop3A_149 step %parallel_loop3A_150  : i32 {
        %parallel_loop3A_218 = arith.constant 16 : i32
        %parallel_loop3A_219 = arith.muli %parallel_loop3A_217, %parallel_loop3A_218 : i32
        %parallel_loop3A_220 = arith.constant 0 : i32
        %parallel_loop3A_221 = arith.index_cast %parallel_loop3A_220 : i32 to index
        %parallel_loop3A_222 = arith.index_cast %parallel_loop3A_219 : i32 to index
        %parallel_loop3A_223 = tpu.vector_load %arg13[%parallel_loop3A_221, %parallel_loop3A_222] {strides = array<i32>} : memref<16x640xf32, #tpu.memory_space<vmem>>, vector<16xf32>,
        %parallel_loop3A_224 = arith.constant 16 : i32
        %parallel_loop3A_225 = arith.muli %parallel_loop3A_217, %parallel_loop3A_224 : i32
        %parallel_loop3A_226 = arith.constant 1 : i32
        %parallel_loop3A_227 = arith.index_cast %parallel_loop3A_226 : i32 to index
        %parallel_loop3A_228 = arith.index_cast %parallel_loop3A_225 : i32 to index
        %parallel_loop3A_229 = tpu.vector_load %arg13[%parallel_loop3A_227, %parallel_loop3A_228] {strides = array<i32>} : memref<16x640xf32, #tpu.memory_space<vmem>>, vector<16xf32>,
        %parallel_loop3A_230 = arith.addf %parallel_loop3A_223, %parallel_loop3A_229 : vector<16xf32>
        %parallel_loop3A_231 = arith.constant 16 : i32
        %parallel_loop3A_232 = arith.muli %parallel_loop3A_217, %parallel_loop3A_231 : i32
        %parallel_loop3A_233 = arith.constant 2 : i32
        %parallel_loop3A_234 = arith.index_cast %parallel_loop3A_233 : i32 to index
        %parallel_loop3A_235 = arith.index_cast %parallel_loop3A_232 : i32 to index
        %parallel_loop3A_236 = tpu.vector_load %arg13[%parallel_loop3A_234, %parallel_loop3A_235] {strides = array<i32>} : memref<16x640xf32, #tpu.memory_space<vmem>>, vector<16xf32>,
        %parallel_loop3A_237 = arith.addf %parallel_loop3A_230, %parallel_loop3A_236 : vector<16xf32>
        %parallel_loop3A_238 = arith.constant 16 : i32
        %parallel_loop3A_239 = arith.muli %parallel_loop3A_217, %parallel_loop3A_238 : i32
        %parallel_loop3A_240 = arith.constant 3 : i32
        %parallel_loop3A_241 = arith.index_cast %parallel_loop3A_240 : i32 to index
        %parallel_loop3A_242 = arith.index_cast %parallel_loop3A_239 : i32 to index
        %parallel_loop3A_243 = tpu.vector_load %arg13[%parallel_loop3A_241, %parallel_loop3A_242] {strides = array<i32>} : memref<16x640xf32, #tpu.memory_space<vmem>>, vector<16xf32>,
        %parallel_loop3A_244 = arith.addf %parallel_loop3A_237, %parallel_loop3A_243 : vector<16xf32>
        %parallel_loop3A_245 = arith.constant 16 : i32
        %parallel_loop3A_246 = arith.muli %parallel_loop3A_217, %parallel_loop3A_245 : i32
        %parallel_loop3A_247 = arith.constant 4 : i32
        %parallel_loop3A_248 = arith.index_cast %parallel_loop3A_247 : i32 to index
        %parallel_loop3A_249 = arith.index_cast %parallel_loop3A_246 : i32 to index
        %parallel_loop3A_250 = tpu.vector_load %arg13[%parallel_loop3A_248, %parallel_loop3A_249] {strides = array<i32>} : memref<16x640xf32, #tpu.memory_space<vmem>>, vector<16xf32>,
        %parallel_loop3A_251 = arith.addf %parallel_loop3A_244, %parallel_loop3A_250 : vector<16xf32>
        %parallel_loop3A_252 = arith.constant 16 : i32
        %parallel_loop3A_253 = arith.muli %parallel_loop3A_217, %parallel_loop3A_252 : i32
        %parallel_loop3A_254 = arith.constant 5 : i32
        %parallel_loop3A_255 = arith.index_cast %parallel_loop3A_254 : i32 to index
        %parallel_loop3A_256 = arith.index_cast %parallel_loop3A_253 : i32 to index
        %parallel_loop3A_257 = tpu.vector_load %arg13[%parallel_loop3A_255, %parallel_loop3A_256] {strides = array<i32>} : memref<16x640xf32, #tpu.memory_space<vmem>>, vector<16xf32>,
        %parallel_loop3A_258 = arith.addf %parallel_loop3A_251, %parallel_loop3A_257 : vector<16xf32>
        %parallel_loop3A_259 = arith.constant 16 : i32
        %parallel_loop3A_260 = arith.muli %parallel_loop3A_217, %parallel_loop3A_259 : i32
        %parallel_loop3A_261 = arith.constant 6 : i32
        %parallel_loop3A_262 = arith.index_cast %parallel_loop3A_261 : i32 to index
        %parallel_loop3A_263 = arith.index_cast %parallel_loop3A_260 : i32 to index
        %parallel_loop3A_264 = tpu.vector_load %arg13[%parallel_loop3A_262, %parallel_loop3A_263] {strides = array<i32>} : memref<16x640xf32, #tpu.memory_space<vmem>>, vector<16xf32>,
        %parallel_loop3A_265 = arith.addf %parallel_loop3A_258, %parallel_loop3A_264 : vector<16xf32>
        %parallel_loop3A_266 = arith.constant 16 : i32
        %parallel_loop3A_267 = arith.muli %parallel_loop3A_217, %parallel_loop3A_266 : i32
        %parallel_loop3A_268 = arith.constant 7 : i32
        %parallel_loop3A_269 = arith.index_cast %parallel_loop3A_268 : i32 to index
        %parallel_loop3A_270 = arith.index_cast %parallel_loop3A_267 : i32 to index
        %parallel_loop3A_271 = tpu.vector_load %arg13[%parallel_loop3A_269, %parallel_loop3A_270] {strides = array<i32>} : memref<16x640xf32, #tpu.memory_space<vmem>>, vector<16xf32>,
        %parallel_loop3A_272 = arith.addf %parallel_loop3A_265, %parallel_loop3A_271 : vector<16xf32>
        %parallel_loop3A_273 = arith.constant 16 : i32
        %parallel_loop3A_274 = arith.muli %parallel_loop3A_217, %parallel_loop3A_273 : i32
        %parallel_loop3A_275 = arith.constant 8 : i32
        %parallel_loop3A_276 = arith.index_cast %parallel_loop3A_275 : i32 to index
        %parallel_loop3A_277 = arith.index_cast %parallel_loop3A_274 : i32 to index
        %parallel_loop3A_278 = tpu.vector_load %arg13[%parallel_loop3A_276, %parallel_loop3A_277] {strides = array<i32>} : memref<16x640xf32, #tpu.memory_space<vmem>>, vector<16xf32>,
        %parallel_loop3A_279 = arith.addf %parallel_loop3A_272, %parallel_loop3A_278 : vector<16xf32>
        %parallel_loop3A_280 = arith.constant 16 : i32
        %parallel_loop3A_281 = arith.muli %parallel_loop3A_217, %parallel_loop3A_280 : i32
        %parallel_loop3A_282 = arith.constant 9 : i32
        %parallel_loop3A_283 = arith.index_cast %parallel_loop3A_282 : i32 to index
        %parallel_loop3A_284 = arith.index_cast %parallel_loop3A_281 : i32 to index
        %parallel_loop3A_285 = tpu.vector_load %arg13[%parallel_loop3A_283, %parallel_loop3A_284] {strides = array<i32>} : memref<16x640xf32, #tpu.memory_space<vmem>>, vector<16xf32>,
        %parallel_loop3A_286 = arith.addf %parallel_loop3A_279, %parallel_loop3A_285 : vector<16xf32>
        %parallel_loop3A_287 = arith.constant 16 : i32
        %parallel_loop3A_288 = arith.muli %parallel_loop3A_217, %parallel_loop3A_287 : i32
        %parallel_loop3A_289 = arith.constant 10 : i32
        %parallel_loop3A_290 = arith.index_cast %parallel_loop3A_289 : i32 to index
        %parallel_loop3A_291 = arith.index_cast %parallel_loop3A_288 : i32 to index
        %parallel_loop3A_292 = tpu.vector_load %arg13[%parallel_loop3A_290, %parallel_loop3A_291] {strides = array<i32>} : memref<16x640xf32, #tpu.memory_space<vmem>>, vector<16xf32>,
        %parallel_loop3A_293 = arith.addf %parallel_loop3A_286, %parallel_loop3A_292 : vector<16xf32>
        %parallel_loop3A_294 = arith.constant 16 : i32
        %parallel_loop3A_295 = arith.muli %parallel_loop3A_217, %parallel_loop3A_294 : i32
        %parallel_loop3A_296 = arith.constant 11 : i32
        %parallel_loop3A_297 = arith.index_cast %parallel_loop3A_296 : i32 to index
        %parallel_loop3A_298 = arith.index_cast %parallel_loop3A_295 : i32 to index
        %parallel_loop3A_299 = tpu.vector_load %arg13[%parallel_loop3A_297, %parallel_loop3A_298] {strides = array<i32>} : memref<16x640xf32, #tpu.memory_space<vmem>>, vector<16xf32>,
        %parallel_loop3A_300 = arith.addf %parallel_loop3A_293, %parallel_loop3A_299 : vector<16xf32>
        %parallel_loop3A_301 = arith.constant 16 : i32
        %parallel_loop3A_302 = arith.muli %parallel_loop3A_217, %parallel_loop3A_301 : i32
        %parallel_loop3A_303 = arith.constant 12 : i32
        %parallel_loop3A_304 = arith.index_cast %parallel_loop3A_303 : i32 to index
        %parallel_loop3A_305 = arith.index_cast %parallel_loop3A_302 : i32 to index
        %parallel_loop3A_306 = tpu.vector_load %arg13[%parallel_loop3A_304, %parallel_loop3A_305] {strides = array<i32>} : memref<16x640xf32, #tpu.memory_space<vmem>>, vector<16xf32>,
        %parallel_loop3A_307 = arith.addf %parallel_loop3A_300, %parallel_loop3A_306 : vector<16xf32>
        %parallel_loop3A_308 = arith.constant 16 : i32
        %parallel_loop3A_309 = arith.muli %parallel_loop3A_217, %parallel_loop3A_308 : i32
        %parallel_loop3A_310 = arith.constant 13 : i32
        %parallel_loop3A_311 = arith.index_cast %parallel_loop3A_310 : i32 to index
        %parallel_loop3A_312 = arith.index_cast %parallel_loop3A_309 : i32 to index
        %parallel_loop3A_313 = tpu.vector_load %arg13[%parallel_loop3A_311, %parallel_loop3A_312] {strides = array<i32>} : memref<16x640xf32, #tpu.memory_space<vmem>>, vector<16xf32>,
        %parallel_loop3A_314 = arith.addf %parallel_loop3A_307, %parallel_loop3A_313 : vector<16xf32>
        %parallel_loop3A_315 = arith.constant 16 : i32
        %parallel_loop3A_316 = arith.muli %parallel_loop3A_217, %parallel_loop3A_315 : i32
        %parallel_loop3A_317 = arith.constant 14 : i32
        %parallel_loop3A_318 = arith.index_cast %parallel_loop3A_317 : i32 to index
        %parallel_loop3A_319 = arith.index_cast %parallel_loop3A_316 : i32 to index
        %parallel_loop3A_320 = tpu.vector_load %arg13[%parallel_loop3A_318, %parallel_loop3A_319] {strides = array<i32>} : memref<16x640xf32, #tpu.memory_space<vmem>>, vector<16xf32>,
        %parallel_loop3A_321 = arith.addf %parallel_loop3A_314, %parallel_loop3A_320 : vector<16xf32>
        %parallel_loop3A_322 = arith.constant 16 : i32
        %parallel_loop3A_323 = arith.muli %parallel_loop3A_217, %parallel_loop3A_322 : i32
        %parallel_loop3A_324 = arith.constant 15 : i32
        %parallel_loop3A_325 = arith.index_cast %parallel_loop3A_324 : i32 to index
        %parallel_loop3A_326 = arith.index_cast %parallel_loop3A_323 : i32 to index
        %parallel_loop3A_327 = tpu.vector_load %arg13[%parallel_loop3A_325, %parallel_loop3A_326] {strides = array<i32>} : memref<16x640xf32, #tpu.memory_space<vmem>>, vector<16xf32>,
        %parallel_loop3A_328 = arith.addf %parallel_loop3A_321, %parallel_loop3A_327 : vector<16xf32>
        %parallel_loop3A_329 = arith.constant 16 : i32
        %parallel_loop3A_330 = arith.muli %parallel_loop3A_217, %parallel_loop3A_329 : i32
        %parallel_loop3A_331 = arith.index_cast %parallel_loop3A_330 : i32 to index
        %parallel_loop3A_332 = tpu.vector_load %arg20[%parallel_loop3A_331] {strides = array<i32>} : memref<640xf32, #tpu.memory_space<vmem>>, vector<16xf32>,
        tpu.vector_store %arg20[%parallel_loop3A_331], %parallel_loop3A_328 {strides = array<i32>} : memref<640xf32, #tpu.memory_space<vmem>>, vector<16xf32>,
      } {sc.loop_unroll_factor = 4 : i64, sc.parallel_access}
      %parallel_loop3A_151 = arith.constant 0 : i32
      %parallel_loop3A_152 = arith.constant 40 : i32
      %parallel_loop3A_153 = arith.constant 1 : i32
      scf.for %parallel_loop3A_217 = %parallel_loop3A_151 to %parallel_loop3A_152 step %parallel_loop3A_153  : i32 {
        %parallel_loop3A_218 = arith.constant 16 : i32
        %parallel_loop3A_219 = arith.muli %parallel_loop3A_217, %parallel_loop3A_218 : i32
        %parallel_loop3A_220 = arith.index_cast %parallel_loop3A_219 : i32 to index
        %parallel_loop3A_221 = tpu.vector_load %arg19[%parallel_loop3A_220] {strides = array<i32>} : memref<640xf32, #tpu.memory_space<vmem>>, vector<16xf32>,
        %parallel_loop3A_222 = arith.constant 16 : i32
        %parallel_loop3A_223 = arith.muli %parallel_loop3A_217, %parallel_loop3A_222 : i32
        %parallel_loop3A_224 = arith.index_cast %parallel_loop3A_223 : i32 to index
        %parallel_loop3A_225 = tpu.vector_load %arg20[%parallel_loop3A_224] {strides = array<i32>} : memref<640xf32, #tpu.memory_space<vmem>>, vector<16xf32>,
        %parallel_loop3A_226 = arith.constant 16 : i32
        %parallel_loop3A_227 = arith.muli %parallel_loop3A_217, %parallel_loop3A_226 : i32
        %parallel_loop3A_228 = arith.index_cast %parallel_loop3A_227 : i32 to index
        %parallel_loop3A_229 = tpu.vector_load %arg15[%parallel_loop3A_228] {strides = array<i32>} : memref<640xf32, #tpu.memory_space<vmem>>, vector<16xf32>,
        %parallel_loop3A_230 = arith.addf %parallel_loop3A_225, %parallel_loop3A_229 : vector<16xf32>
        %parallel_loop3A_231 = arith.mulf %parallel_loop3A_221, %parallel_loop3A_230 : vector<16xf32>
        %parallel_loop3A_232 = arith.constant 16 : i32
        %parallel_loop3A_233 = arith.muli %parallel_loop3A_217, %parallel_loop3A_232 : i32
        %parallel_loop3A_234 = arith.index_cast %parallel_loop3A_233 : i32 to index
        %parallel_loop3A_235 = tpu.vector_load %arg17[%parallel_loop3A_234] {strides = array<i32>} : memref<640xf32, #tpu.memory_space<vmem>>, vector<16xf32>,
        %parallel_loop3A_236 = arith.mulf %get3A_126, %parallel_loop3A_231 : vector<16xf32>
        %parallel_loop3A_237 = arith.addf %parallel_loop3A_235, %parallel_loop3A_236 : vector<16xf32>
        %parallel_loop3A_238 = arith.constant 16 : i32
        %parallel_loop3A_239 = arith.muli %parallel_loop3A_217, %parallel_loop3A_238 : i32
        %parallel_loop3A_240 = arith.index_cast %parallel_loop3A_239 : i32 to index
        %parallel_loop3A_241 = tpu.vector_load %arg17[%parallel_loop3A_240] {strides = array<i32>} : memref<640xf32, #tpu.memory_space<vmem>>, vector<16xf32>,
        tpu.vector_store %arg17[%parallel_loop3A_240], %parallel_loop3A_237 {strides = array<i32>} : memref<640xf32, #tpu.memory_space<vmem>>, vector<16xf32>,
        %parallel_loop3A_242 = arith.mulf %parallel_loop3A_221, %parallel_loop3A_231 : vector<16xf32>
        %parallel_loop3A_243 = arith.constant 16 : i32
        %parallel_loop3A_244 = arith.muli %parallel_loop3A_217, %parallel_loop3A_243 : i32
        %parallel_loop3A_245 = arith.index_cast %parallel_loop3A_244 : i32 to index
        %parallel_loop3A_246 = tpu.vector_load %arg15[%parallel_loop3A_245] {strides = array<i32>} : memref<640xf32, #tpu.memory_space<vmem>>, vector<16xf32>,
        tpu.vector_store %arg15[%parallel_loop3A_245], %parallel_loop3A_242 {strides = array<i32>} : memref<640xf32, #tpu.memory_space<vmem>>, vector<16xf32>,
      } {sc.loop_unroll_factor = 4 : i64, sc.parallel_access}
      %dma_start3A_154 = arith.constant 0 : i32
      %dma_start3A_155 = tpu.memref_slice %arg27[%dma_start3A_154, %mul3A_3] : memref<2x10240xf32, #tpu.memory_space<vmem_shared>> -> memref<1x640xf32, #tpu.memory_space<vmem_shared>>
      %dma_start3A_156 = tpu.memref_squeeze %dma_start3A_155 : memref<1x640xf32, #tpu.memory_space<vmem_shared>> -> memref<640xf32, #tpu.memory_space<vmem_shared>>
      %dma_start3A_157 = tpu.memref_slice %arg27[%dma_start3A_154, %mul3A_3] : memref<2x10240xf32, #tpu.memory_space<vmem_shared>> -> memref<1x640xf32, #tpu.memory_space<vmem_shared>>
      %dma_start3A_158 = tpu.memref_squeeze %dma_start3A_157 : memref<1x640xf32, #tpu.memory_space<vmem_shared>> -> memref<640xf32, #tpu.memory_space<vmem_shared>>
      tpu.enqueue_dma source(%arg15 : memref<640xf32, #tpu.memory_space<vmem>>) target(%dma_start3A_158 : memref<640xf32, #tpu.memory_space<vmem_shared>>) target_semaphore(%arg24 : memref<!tpu.dma_semaphore, #tpu.memory_space<semaphore_mem>>)
      %dma_wait3A_159 = arith.constant 1 : i32
      %dma_wait3A_160 = arith.constant 0 : i32
      %dma_wait3A_161 = tpu.memref_slice %arg26[%dma_wait3A_159, %dma_wait3A_160, %mul3A_3] : memref<2x16x10240xf32, #tpu.memory_space<vmem_shared>> -> memref<1x16x640xf32, #tpu.memory_space<vmem_shared>>
      %dma_wait3A_162 = tpu.memref_squeeze %dma_wait3A_161 : memref<1x16x640xf32, #tpu.memory_space<vmem_shared>> -> memref<16x640xf32, #tpu.memory_space<vmem_shared>>
      %dma_wait3A_163 = arith.constant 0 : i32
      %dma_wait3A_164 = tpu.memref_slice %arg26[%dma_wait3A_159, %dma_wait3A_163, %mul3A_3] : memref<2x16x10240xf32, #tpu.memory_space<vmem_shared>> -> memref<1x16x640xf32, #tpu.memory_space<vmem_shared>>
      %dma_wait3A_165 = tpu.memref_squeeze %dma_wait3A_164 : memref<1x16x640xf32, #tpu.memory_space<vmem_shared>> -> memref<16x640xf32, #tpu.memory_space<vmem_shared>>
      tpu.wait_dma2 semaphore(%arg23 : memref<!tpu.dma_semaphore, #tpu.memory_space<semaphore_mem>>) src(%dma_wait3A_165 : memref<16x640xf32, #tpu.memory_space<vmem_shared>>) dst(%arg14 : memref<16x640xf32, #tpu.memory_space<vmem>>)
      %parallel_loop3A_166 = arith.constant 0 : i32
      %parallel_loop3A_167 = arith.constant 40 : i32
      %parallel_loop3A_168 = arith.constant 1 : i32
      scf.for %parallel_loop3A_217 = %parallel_loop3A_166 to %parallel_loop3A_167 step %parallel_loop3A_168  : i32 {
        %parallel_loop3A_218 = arith.constant 16 : i32
        %parallel_loop3A_219 = arith.muli %parallel_loop3A_217, %parallel_loop3A_218 : i32
        %parallel_loop3A_220 = arith.constant 0 : i32
        %parallel_loop3A_221 = arith.index_cast %parallel_loop3A_220 : i32 to index
        %parallel_loop3A_222 = arith.index_cast %parallel_loop3A_219 : i32 to index
        %parallel_loop3A_223 = tpu.vector_load %arg14[%parallel_loop3A_221, %parallel_loop3A_222] {strides = array<i32>} : memref<16x640xf32, #tpu.memory_space<vmem>>, vector<16xf32>,
        %parallel_loop3A_224 = arith.constant 16 : i32
        %parallel_loop3A_225 = arith.muli %parallel_loop3A_217, %parallel_loop3A_224 : i32
        %parallel_loop3A_226 = arith.constant 1 : i32
        %parallel_loop3A_227 = arith.index_cast %parallel_loop3A_226 : i32 to index
        %parallel_loop3A_228 = arith.index_cast %parallel_loop3A_225 : i32 to index
        %parallel_loop3A_229 = tpu.vector_load %arg14[%parallel_loop3A_227, %parallel_loop3A_228] {strides = array<i32>} : memref<16x640xf32, #tpu.memory_space<vmem>>, vector<16xf32>,
        %parallel_loop3A_230 = arith.addf %parallel_loop3A_223, %parallel_loop3A_229 : vector<16xf32>
        %parallel_loop3A_231 = arith.constant 16 : i32
        %parallel_loop3A_232 = arith.muli %parallel_loop3A_217, %parallel_loop3A_231 : i32
        %parallel_loop3A_233 = arith.constant 2 : i32
        %parallel_loop3A_234 = arith.index_cast %parallel_loop3A_233 : i32 to index
        %parallel_loop3A_235 = arith.index_cast %parallel_loop3A_232 : i32 to index
        %parallel_loop3A_236 = tpu.vector_load %arg14[%parallel_loop3A_234, %parallel_loop3A_235] {strides = array<i32>} : memref<16x640xf32, #tpu.memory_space<vmem>>, vector<16xf32>,
        %parallel_loop3A_237 = arith.addf %parallel_loop3A_230, %parallel_loop3A_236 : vector<16xf32>
        %parallel_loop3A_238 = arith.constant 16 : i32
        %parallel_loop3A_239 = arith.muli %parallel_loop3A_217, %parallel_loop3A_238 : i32
        %parallel_loop3A_240 = arith.constant 3 : i32
        %parallel_loop3A_241 = arith.index_cast %parallel_loop3A_240 : i32 to index
        %parallel_loop3A_242 = arith.index_cast %parallel_loop3A_239 : i32 to index
        %parallel_loop3A_243 = tpu.vector_load %arg14[%parallel_loop3A_241, %parallel_loop3A_242] {strides = array<i32>} : memref<16x640xf32, #tpu.memory_space<vmem>>, vector<16xf32>,
        %parallel_loop3A_244 = arith.addf %parallel_loop3A_237, %parallel_loop3A_243 : vector<16xf32>
        %parallel_loop3A_245 = arith.constant 16 : i32
        %parallel_loop3A_246 = arith.muli %parallel_loop3A_217, %parallel_loop3A_245 : i32
        %parallel_loop3A_247 = arith.constant 4 : i32
        %parallel_loop3A_248 = arith.index_cast %parallel_loop3A_247 : i32 to index
        %parallel_loop3A_249 = arith.index_cast %parallel_loop3A_246 : i32 to index
        %parallel_loop3A_250 = tpu.vector_load %arg14[%parallel_loop3A_248, %parallel_loop3A_249] {strides = array<i32>} : memref<16x640xf32, #tpu.memory_space<vmem>>, vector<16xf32>,
        %parallel_loop3A_251 = arith.addf %parallel_loop3A_244, %parallel_loop3A_250 : vector<16xf32>
        %parallel_loop3A_252 = arith.constant 16 : i32
        %parallel_loop3A_253 = arith.muli %parallel_loop3A_217, %parallel_loop3A_252 : i32
        %parallel_loop3A_254 = arith.constant 5 : i32
        %parallel_loop3A_255 = arith.index_cast %parallel_loop3A_254 : i32 to index
        %parallel_loop3A_256 = arith.index_cast %parallel_loop3A_253 : i32 to index
        %parallel_loop3A_257 = tpu.vector_load %arg14[%parallel_loop3A_255, %parallel_loop3A_256] {strides = array<i32>} : memref<16x640xf32, #tpu.memory_space<vmem>>, vector<16xf32>,
        %parallel_loop3A_258 = arith.addf %parallel_loop3A_251, %parallel_loop3A_257 : vector<16xf32>
        %parallel_loop3A_259 = arith.constant 16 : i32
        %parallel_loop3A_260 = arith.muli %parallel_loop3A_217, %parallel_loop3A_259 : i32
        %parallel_loop3A_261 = arith.constant 6 : i32
        %parallel_loop3A_262 = arith.index_cast %parallel_loop3A_261 : i32 to index
        %parallel_loop3A_263 = arith.index_cast %parallel_loop3A_260 : i32 to index
        %parallel_loop3A_264 = tpu.vector_load %arg14[%parallel_loop3A_262, %parallel_loop3A_263] {strides = array<i32>} : memref<16x640xf32, #tpu.memory_space<vmem>>, vector<16xf32>,
        %parallel_loop3A_265 = arith.addf %parallel_loop3A_258, %parallel_loop3A_264 : vector<16xf32>
        %parallel_loop3A_266 = arith.constant 16 : i32
        %parallel_loop3A_267 = arith.muli %parallel_loop3A_217, %parallel_loop3A_266 : i32
        %parallel_loop3A_268 = arith.constant 7 : i32
        %parallel_loop3A_269 = arith.index_cast %parallel_loop3A_268 : i32 to index
        %parallel_loop3A_270 = arith.index_cast %parallel_loop3A_267 : i32 to index
        %parallel_loop3A_271 = tpu.vector_load %arg14[%parallel_loop3A_269, %parallel_loop3A_270] {strides = array<i32>} : memref<16x640xf32, #tpu.memory_space<vmem>>, vector<16xf32>,
        %parallel_loop3A_272 = arith.addf %parallel_loop3A_265, %parallel_loop3A_271 : vector<16xf32>
        %parallel_loop3A_273 = arith.constant 16 : i32
        %parallel_loop3A_274 = arith.muli %parallel_loop3A_217, %parallel_loop3A_273 : i32
        %parallel_loop3A_275 = arith.constant 8 : i32
        %parallel_loop3A_276 = arith.index_cast %parallel_loop3A_275 : i32 to index
        %parallel_loop3A_277 = arith.index_cast %parallel_loop3A_274 : i32 to index
        %parallel_loop3A_278 = tpu.vector_load %arg14[%parallel_loop3A_276, %parallel_loop3A_277] {strides = array<i32>} : memref<16x640xf32, #tpu.memory_space<vmem>>, vector<16xf32>,
        %parallel_loop3A_279 = arith.addf %parallel_loop3A_272, %parallel_loop3A_278 : vector<16xf32>
        %parallel_loop3A_280 = arith.constant 16 : i32
        %parallel_loop3A_281 = arith.muli %parallel_loop3A_217, %parallel_loop3A_280 : i32
        %parallel_loop3A_282 = arith.constant 9 : i32
        %parallel_loop3A_283 = arith.index_cast %parallel_loop3A_282 : i32 to index
        %parallel_loop3A_284 = arith.index_cast %parallel_loop3A_281 : i32 to index
        %parallel_loop3A_285 = tpu.vector_load %arg14[%parallel_loop3A_283, %parallel_loop3A_284] {strides = array<i32>} : memref<16x640xf32, #tpu.memory_space<vmem>>, vector<16xf32>,
        %parallel_loop3A_286 = arith.addf %parallel_loop3A_279, %parallel_loop3A_285 : vector<16xf32>
        %parallel_loop3A_287 = arith.constant 16 : i32
        %parallel_loop3A_288 = arith.muli %parallel_loop3A_217, %parallel_loop3A_287 : i32
        %parallel_loop3A_289 = arith.constant 10 : i32
        %parallel_loop3A_290 = arith.index_cast %parallel_loop3A_289 : i32 to index
        %parallel_loop3A_291 = arith.index_cast %parallel_loop3A_288 : i32 to index
        %parallel_loop3A_292 = tpu.vector_load %arg14[%parallel_loop3A_290, %parallel_loop3A_291] {strides = array<i32>} : memref<16x640xf32, #tpu.memory_space<vmem>>, vector<16xf32>,
        %parallel_loop3A_293 = arith.addf %parallel_loop3A_286, %parallel_loop3A_292 : vector<16xf32>
        %parallel_loop3A_294 = arith.constant 16 : i32
        %parallel_loop3A_295 = arith.muli %parallel_loop3A_217, %parallel_loop3A_294 : i32
        %parallel_loop3A_296 = arith.constant 11 : i32
        %parallel_loop3A_297 = arith.index_cast %parallel_loop3A_296 : i32 to index
        %parallel_loop3A_298 = arith.index_cast %parallel_loop3A_295 : i32 to index
        %parallel_loop3A_299 = tpu.vector_load %arg14[%parallel_loop3A_297, %parallel_loop3A_298] {strides = array<i32>} : memref<16x640xf32, #tpu.memory_space<vmem>>, vector<16xf32>,
        %parallel_loop3A_300 = arith.addf %parallel_loop3A_293, %parallel_loop3A_299 : vector<16xf32>
        %parallel_loop3A_301 = arith.constant 16 : i32
        %parallel_loop3A_302 = arith.muli %parallel_loop3A_217, %parallel_loop3A_301 : i32
        %parallel_loop3A_303 = arith.constant 12 : i32
        %parallel_loop3A_304 = arith.index_cast %parallel_loop3A_303 : i32 to index
        %parallel_loop3A_305 = arith.index_cast %parallel_loop3A_302 : i32 to index
        %parallel_loop3A_306 = tpu.vector_load %arg14[%parallel_loop3A_304, %parallel_loop3A_305] {strides = array<i32>} : memref<16x640xf32, #tpu.memory_space<vmem>>, vector<16xf32>,
        %parallel_loop3A_307 = arith.addf %parallel_loop3A_300, %parallel_loop3A_306 : vector<16xf32>
        %parallel_loop3A_308 = arith.constant 16 : i32
        %parallel_loop3A_309 = arith.muli %parallel_loop3A_217, %parallel_loop3A_308 : i32
        %parallel_loop3A_310 = arith.constant 13 : i32
        %parallel_loop3A_311 = arith.index_cast %parallel_loop3A_310 : i32 to index
        %parallel_loop3A_312 = arith.index_cast %parallel_loop3A_309 : i32 to index
        %parallel_loop3A_313 = tpu.vector_load %arg14[%parallel_loop3A_311, %parallel_loop3A_312] {strides = array<i32>} : memref<16x640xf32, #tpu.memory_space<vmem>>, vector<16xf32>,
        %parallel_loop3A_314 = arith.addf %parallel_loop3A_307, %parallel_loop3A_313 : vector<16xf32>
        %parallel_loop3A_315 = arith.constant 16 : i32
        %parallel_loop3A_316 = arith.muli %parallel_loop3A_217, %parallel_loop3A_315 : i32
        %parallel_loop3A_317 = arith.constant 14 : i32
        %parallel_loop3A_318 = arith.index_cast %parallel_loop3A_317 : i32 to index
        %parallel_loop3A_319 = arith.index_cast %parallel_loop3A_316 : i32 to index
        %parallel_loop3A_320 = tpu.vector_load %arg14[%parallel_loop3A_318, %parallel_loop3A_319] {strides = array<i32>} : memref<16x640xf32, #tpu.memory_space<vmem>>, vector<16xf32>,
        %parallel_loop3A_321 = arith.addf %parallel_loop3A_314, %parallel_loop3A_320 : vector<16xf32>
        %parallel_loop3A_322 = arith.constant 16 : i32
        %parallel_loop3A_323 = arith.muli %parallel_loop3A_217, %parallel_loop3A_322 : i32
        %parallel_loop3A_324 = arith.constant 15 : i32
        %parallel_loop3A_325 = arith.index_cast %parallel_loop3A_324 : i32 to index
        %parallel_loop3A_326 = arith.index_cast %parallel_loop3A_323 : i32 to index
        %parallel_loop3A_327 = tpu.vector_load %arg14[%parallel_loop3A_325, %parallel_loop3A_326] {strides = array<i32>} : memref<16x640xf32, #tpu.memory_space<vmem>>, vector<16xf32>,
        %parallel_loop3A_328 = arith.addf %parallel_loop3A_321, %parallel_loop3A_327 : vector<16xf32>
        %parallel_loop3A_329 = arith.constant 16 : i32
        %parallel_loop3A_330 = arith.muli %parallel_loop3A_217, %parallel_loop3A_329 : i32
        %parallel_loop3A_331 = arith.index_cast %parallel_loop3A_330 : i32 to index
        %parallel_loop3A_332 = tpu.vector_load %arg20[%parallel_loop3A_331] {strides = array<i32>} : memref<640xf32, #tpu.memory_space<vmem>>, vector<16xf32>,
        tpu.vector_store %arg20[%parallel_loop3A_331], %parallel_loop3A_328 {strides = array<i32>} : memref<640xf32, #tpu.memory_space<vmem>>, vector<16xf32>,
      } {sc.loop_unroll_factor = 4 : i64, sc.parallel_access}
      %parallel_loop3A_169 = arith.constant 0 : i32
      %parallel_loop3A_170 = arith.constant 40 : i32
      %parallel_loop3A_171 = arith.constant 1 : i32
      scf.for %parallel_loop3A_217 = %parallel_loop3A_169 to %parallel_loop3A_170 step %parallel_loop3A_171  : i32 {
        %parallel_loop3A_218 = arith.constant 16 : i32
        %parallel_loop3A_219 = arith.muli %parallel_loop3A_217, %parallel_loop3A_218 : i32
        %parallel_loop3A_220 = arith.index_cast %parallel_loop3A_219 : i32 to index
        %parallel_loop3A_221 = tpu.vector_load %arg19[%parallel_loop3A_220] {strides = array<i32>} : memref<640xf32, #tpu.memory_space<vmem>>, vector<16xf32>,
        %parallel_loop3A_222 = arith.constant 16 : i32
        %parallel_loop3A_223 = arith.muli %parallel_loop3A_217, %parallel_loop3A_222 : i32
        %parallel_loop3A_224 = arith.index_cast %parallel_loop3A_223 : i32 to index
        %parallel_loop3A_225 = tpu.vector_load %arg20[%parallel_loop3A_224] {strides = array<i32>} : memref<640xf32, #tpu.memory_space<vmem>>, vector<16xf32>,
        %parallel_loop3A_226 = arith.constant 16 : i32
        %parallel_loop3A_227 = arith.muli %parallel_loop3A_217, %parallel_loop3A_226 : i32
        %parallel_loop3A_228 = arith.index_cast %parallel_loop3A_227 : i32 to index
        %parallel_loop3A_229 = tpu.vector_load %arg16[%parallel_loop3A_228] {strides = array<i32>} : memref<640xf32, #tpu.memory_space<vmem>>, vector<16xf32>,
        %parallel_loop3A_230 = arith.addf %parallel_loop3A_225, %parallel_loop3A_229 : vector<16xf32>
        %parallel_loop3A_231 = arith.mulf %parallel_loop3A_221, %parallel_loop3A_230 : vector<16xf32>
        %parallel_loop3A_232 = arith.constant 16 : i32
        %parallel_loop3A_233 = arith.muli %parallel_loop3A_217, %parallel_loop3A_232 : i32
        %parallel_loop3A_234 = arith.index_cast %parallel_loop3A_233 : i32 to index
        %parallel_loop3A_235 = tpu.vector_load %arg18[%parallel_loop3A_234] {strides = array<i32>} : memref<640xf32, #tpu.memory_space<vmem>>, vector<16xf32>,
        %parallel_loop3A_236 = arith.mulf %get3A_126, %parallel_loop3A_231 : vector<16xf32>
        %parallel_loop3A_237 = arith.addf %parallel_loop3A_235, %parallel_loop3A_236 : vector<16xf32>
        %parallel_loop3A_238 = arith.constant 16 : i32
        %parallel_loop3A_239 = arith.muli %parallel_loop3A_217, %parallel_loop3A_238 : i32
        %parallel_loop3A_240 = arith.index_cast %parallel_loop3A_239 : i32 to index
        %parallel_loop3A_241 = tpu.vector_load %arg18[%parallel_loop3A_240] {strides = array<i32>} : memref<640xf32, #tpu.memory_space<vmem>>, vector<16xf32>,
        tpu.vector_store %arg18[%parallel_loop3A_240], %parallel_loop3A_237 {strides = array<i32>} : memref<640xf32, #tpu.memory_space<vmem>>, vector<16xf32>,
        %parallel_loop3A_242 = arith.mulf %parallel_loop3A_221, %parallel_loop3A_231 : vector<16xf32>
        %parallel_loop3A_243 = arith.constant 16 : i32
        %parallel_loop3A_244 = arith.muli %parallel_loop3A_217, %parallel_loop3A_243 : i32
        %parallel_loop3A_245 = arith.index_cast %parallel_loop3A_244 : i32 to index
        %parallel_loop3A_246 = tpu.vector_load %arg16[%parallel_loop3A_245] {strides = array<i32>} : memref<640xf32, #tpu.memory_space<vmem>>, vector<16xf32>,
        tpu.vector_store %arg16[%parallel_loop3A_245], %parallel_loop3A_242 {strides = array<i32>} : memref<640xf32, #tpu.memory_space<vmem>>, vector<16xf32>,
      } {sc.loop_unroll_factor = 4 : i64, sc.parallel_access}
      %dma_start3A_172 = arith.constant 1 : i32
      %dma_start3A_173 = tpu.memref_slice %arg27[%dma_start3A_172, %mul3A_3] : memref<2x10240xf32, #tpu.memory_space<vmem_shared>> -> memref<1x640xf32, #tpu.memory_space<vmem_shared>>
      %dma_start3A_174 = tpu.memref_squeeze %dma_start3A_173 : memref<1x640xf32, #tpu.memory_space<vmem_shared>> -> memref<640xf32, #tpu.memory_space<vmem_shared>>
      %dma_start3A_175 = tpu.memref_slice %arg27[%dma_start3A_172, %mul3A_3] : memref<2x10240xf32, #tpu.memory_space<vmem_shared>> -> memref<1x640xf32, #tpu.memory_space<vmem_shared>>
      %dma_start3A_176 = tpu.memref_squeeze %dma_start3A_175 : memref<1x640xf32, #tpu.memory_space<vmem_shared>> -> memref<640xf32, #tpu.memory_space<vmem_shared>>
      tpu.enqueue_dma source(%arg16 : memref<640xf32, #tpu.memory_space<vmem>>) target(%dma_start3A_176 : memref<640xf32, #tpu.memory_space<vmem_shared>>) target_semaphore(%arg25 : memref<!tpu.dma_semaphore, #tpu.memory_space<semaphore_mem>>)
      %dma_wait3A_177 = arith.constant 0 : i32
      %dma_wait3A_178 = tpu.memref_slice %arg27[%dma_wait3A_177, %mul3A_3] : memref<2x10240xf32, #tpu.memory_space<vmem_shared>> -> memref<1x640xf32, #tpu.memory_space<vmem_shared>>
      %dma_wait3A_179 = tpu.memref_squeeze %dma_wait3A_178 : memref<1x640xf32, #tpu.memory_space<vmem_shared>> -> memref<640xf32, #tpu.memory_space<vmem_shared>>
      %dma_wait3A_180 = tpu.memref_slice %arg27[%dma_wait3A_177, %mul3A_3] : memref<2x10240xf32, #tpu.memory_space<vmem_shared>> -> memref<1x640xf32, #tpu.memory_space<vmem_shared>>
      %dma_wait3A_181 = tpu.memref_squeeze %dma_wait3A_180 : memref<1x640xf32, #tpu.memory_space<vmem_shared>> -> memref<640xf32, #tpu.memory_space<vmem_shared>>
      tpu.wait_dma2 semaphore(%arg24 : memref<!tpu.dma_semaphore, #tpu.memory_space<semaphore_mem>>) src(%arg15 : memref<640xf32, #tpu.memory_space<vmem>>) dst(%dma_wait3A_181 : memref<640xf32, #tpu.memory_space<vmem_shared>>)
      %dma_wait3A_182 = arith.constant 1 : i32
      %dma_wait3A_183 = tpu.memref_slice %arg27[%dma_wait3A_182, %mul3A_3] : memref<2x10240xf32, #tpu.memory_space<vmem_shared>> -> memref<1x640xf32, #tpu.memory_space<vmem_shared>>
      %dma_wait3A_184 = tpu.memref_squeeze %dma_wait3A_183 : memref<1x640xf32, #tpu.memory_space<vmem_shared>> -> memref<640xf32, #tpu.memory_space<vmem_shared>>
      %dma_wait3A_185 = tpu.memref_slice %arg27[%dma_wait3A_182, %mul3A_3] : memref<2x10240xf32, #tpu.memory_space<vmem_shared>> -> memref<1x640xf32, #tpu.memory_space<vmem_shared>>
      %dma_wait3A_186 = tpu.memref_squeeze %dma_wait3A_185 : memref<1x640xf32, #tpu.memory_space<vmem_shared>> -> memref<640xf32, #tpu.memory_space<vmem_shared>>
      tpu.wait_dma2 semaphore(%arg25 : memref<!tpu.dma_semaphore, #tpu.memory_space<semaphore_mem>>) src(%arg16 : memref<640xf32, #tpu.memory_space<vmem>>) dst(%dma_wait3A_186 : memref<640xf32, #tpu.memory_space<vmem_shared>>)
      %barrier3A_187 = arith.constant 0 : index
      tpu.barrier barrier_id(%barrier3A_187)
      %dma_start3A_188 = arith.constant 0 : i32
      %dma_start3A_189 = arith.constant 0 : i32
      %dma_start3A_190 = tpu.memref_slice %arg27[%dma_start3A_188, %dma_start3A_189] : memref<2x10240xf32, #tpu.memory_space<vmem_shared>> -> memref<1x10240xf32, #tpu.memory_space<vmem_shared>>
      %dma_start3A_191 = tpu.memref_squeeze %dma_start3A_190 : memref<1x10240xf32, #tpu.memory_space<vmem_shared>> -> memref<10240xf32, #tpu.memory_space<vmem_shared>>
      %dma_start3A_192 = arith.constant 0 : i32
      %dma_start3A_193 = tpu.memref_slice %arg27[%dma_start3A_188, %dma_start3A_192] : memref<2x10240xf32, #tpu.memory_space<vmem_shared>> -> memref<1x10240xf32, #tpu.memory_space<vmem_shared>>
      %dma_start3A_194 = tpu.memref_squeeze %dma_start3A_193 : memref<1x10240xf32, #tpu.memory_space<vmem_shared>> -> memref<10240xf32, #tpu.memory_space<vmem_shared>>
      tpu.enqueue_dma source(%dma_start3A_194 : memref<10240xf32, #tpu.memory_space<vmem_shared>>) target(%arg9 : memref<10240xf32, #tpu.memory_space<vmem>>) target_semaphore(%arg22 : memref<!tpu.dma_semaphore, #tpu.memory_space<semaphore_mem>>)
      %dma_start3A_195 = arith.constant 1 : i32
      %dma_start3A_196 = arith.constant 0 : i32
      %dma_start3A_197 = tpu.memref_slice %arg27[%dma_start3A_195, %dma_start3A_196] : memref<2x10240xf32, #tpu.memory_space<vmem_shared>> -> memref<1x10240xf32, #tpu.memory_space<vmem_shared>>
      %dma_start3A_198 = tpu.memref_squeeze %dma_start3A_197 : memref<1x10240xf32, #tpu.memory_space<vmem_shared>> -> memref<10240xf32, #tpu.memory_space<vmem_shared>>
      %dma_start3A_199 = arith.constant 0 : i32
      %dma_start3A_200 = tpu.memref_slice %arg27[%dma_start3A_195, %dma_start3A_199] : memref<2x10240xf32, #tpu.memory_space<vmem_shared>> -> memref<1x10240xf32, #tpu.memory_space<vmem_shared>>
      %dma_start3A_201 = tpu.memref_squeeze %dma_start3A_200 : memref<1x10240xf32, #tpu.memory_space<vmem_shared>> -> memref<10240xf32, #tpu.memory_space<vmem_shared>>
      tpu.enqueue_dma source(%dma_start3A_201 : memref<10240xf32, #tpu.memory_space<vmem_shared>>) target(%arg10 : memref<10240xf32, #tpu.memory_space<vmem>>) target_semaphore(%arg23 : memref<!tpu.dma_semaphore, #tpu.memory_space<semaphore_mem>>)
      %dma_wait3A_202 = arith.constant 0 : i32
      %dma_wait3A_203 = arith.constant 0 : i32
      %dma_wait3A_204 = tpu.memref_slice %arg27[%dma_wait3A_202, %dma_wait3A_203] : memref<2x10240xf32, #tpu.memory_space<vmem_shared>> -> memref<1x10240xf32, #tpu.memory_space<vmem_shared>>
      %dma_wait3A_205 = tpu.memref_squeeze %dma_wait3A_204 : memref<1x10240xf32, #tpu.memory_space<vmem_shared>> -> memref<10240xf32, #tpu.memory_space<vmem_shared>>
      %dma_wait3A_206 = arith.constant 0 : i32
      %dma_wait3A_207 = tpu.memref_slice %arg27[%dma_wait3A_202, %dma_wait3A_206] : memref<2x10240xf32, #tpu.memory_space<vmem_shared>> -> memref<1x10240xf32, #tpu.memory_space<vmem_shared>>
      %dma_wait3A_208 = tpu.memref_squeeze %dma_wait3A_207 : memref<1x10240xf32, #tpu.memory_space<vmem_shared>> -> memref<10240xf32, #tpu.memory_space<vmem_shared>>
      tpu.wait_dma2 semaphore(%arg22 : memref<!tpu.dma_semaphore, #tpu.memory_space<semaphore_mem>>) src(%dma_wait3A_208 : memref<10240xf32, #tpu.memory_space<vmem_shared>>) dst(%arg9 : memref<10240xf32, #tpu.memory_space<vmem>>)
      %dma_wait3A_209 = arith.constant 1 : i32
      %dma_wait3A_210 = arith.constant 0 : i32
      %dma_wait3A_211 = tpu.memref_slice %arg27[%dma_wait3A_209, %dma_wait3A_210] : memref<2x10240xf32, #tpu.memory_space<vmem_shared>> -> memref<1x10240xf32, #tpu.memory_space<vmem_shared>>
      %dma_wait3A_212 = tpu.memref_squeeze %dma_wait3A_211 : memref<1x10240xf32, #tpu.memory_space<vmem_shared>> -> memref<10240xf32, #tpu.memory_space<vmem_shared>>
      %dma_wait3A_213 = arith.constant 0 : i32
      %dma_wait3A_214 = tpu.memref_slice %arg27[%dma_wait3A_209, %dma_wait3A_213] : memref<2x10240xf32, #tpu.memory_space<vmem_shared>> -> memref<1x10240xf32, #tpu.memory_space<vmem_shared>>
      %dma_wait3A_215 = tpu.memref_squeeze %dma_wait3A_214 : memref<1x10240xf32, #tpu.memory_space<vmem_shared>> -> memref<10240xf32, #tpu.memory_space<vmem_shared>>
      tpu.wait_dma2 semaphore(%arg23 : memref<!tpu.dma_semaphore, #tpu.memory_space<semaphore_mem>>) src(%dma_wait3A_215 : memref<10240xf32, #tpu.memory_space<vmem_shared>>) dst(%arg10 : memref<10240xf32, #tpu.memory_space<vmem>>)
      %scan3A_216 = arith.constant 0 : i32
      scf.yield %scan3A_216 : i32
    }
    %scan3A_70 = arith.constant 10 : i32
    %mul3A_71 = arith.constant 2 : i32
    %mul3A_72 = arith.muli %mul3A_71, %arg0 : i32
    %mul3A_73 = arith.constant 10240 : i32
    %mul3A_74 = arith.muli %mul3A_72, %mul3A_73 : i32
    %add3A_75 = arith.addi %mul3A_74, %mul3A_3 : i32
    "tpu.region"() ({
      %run_scoped3A_83 = tpu.sem_alloc : memref<!tpu.dma_semaphore, #tpu.memory_space<semaphore_mem>>
      %dma_start3A = tpu.memref_slice %arg6[%add3A_75] : memref<40960xf32, #tpu.memory_space<hbm>> -> memref<640xf32, #tpu.memory_space<hbm>>
      %dma_start3A_84 = tpu.memref_slice %arg6[%add3A_75] : memref<40960xf32, #tpu.memory_space<hbm>> -> memref<640xf32, #tpu.memory_space<hbm>>
      tpu.enqueue_dma source(%arg17 : memref<640xf32, #tpu.memory_space<vmem>>) target(%dma_start3A_84 : memref<640xf32, #tpu.memory_space<hbm>>) target_semaphore(%run_scoped3A_83 : memref<!tpu.dma_semaphore, #tpu.memory_space<semaphore_mem>>)
      %dma_wait3A = tpu.memref_slice %arg6[%add3A_75] : memref<40960xf32, #tpu.memory_space<hbm>> -> memref<640xf32, #tpu.memory_space<hbm>>
      %dma_wait3A_85 = tpu.memref_slice %arg6[%add3A_75] : memref<40960xf32, #tpu.memory_space<hbm>> -> memref<640xf32, #tpu.memory_space<hbm>>
      tpu.wait_dma2 semaphore(%run_scoped3A_83 : memref<!tpu.dma_semaphore, #tpu.memory_space<semaphore_mem>>) src(%arg17 : memref<640xf32, #tpu.memory_space<vmem>>) dst(%dma_wait3A_85 : memref<640xf32, #tpu.memory_space<hbm>>)
      tpu.yield
    }) : () -> ()
    %mul3A_76 = arith.constant 2 : i32
    %mul3A_77 = arith.muli %mul3A_76, %arg0 : i32
    %add3A_78 = arith.constant 1 : i32
    %add3A_79 = arith.addi %mul3A_77, %add3A_78 : i32
    %mul3A_80 = arith.constant 10240 : i32
    %mul3A_81 = arith.muli %add3A_79, %mul3A_80 : i32
    %add3A_82 = arith.addi %mul3A_81, %mul3A_3 : i32
    "tpu.region"() ({
      %run_scoped3A_83 = tpu.sem_alloc : memref<!tpu.dma_semaphore, #tpu.memory_space<semaphore_mem>>
      %dma_start3A = tpu.memref_slice %arg6[%add3A_82] : memref<40960xf32, #tpu.memory_space<hbm>> -> memref<640xf32, #tpu.memory_space<hbm>>
      %dma_start3A_84 = tpu.memref_slice %arg6[%add3A_82] : memref<40960xf32, #tpu.memory_space<hbm>> -> memref<640xf32, #tpu.memory_space<hbm>>
      tpu.enqueue_dma source(%arg18 : memref<640xf32, #tpu.memory_space<vmem>>) target(%dma_start3A_84 : memref<640xf32, #tpu.memory_space<hbm>>) target_semaphore(%run_scoped3A_83 : memref<!tpu.dma_semaphore, #tpu.memory_space<semaphore_mem>>)
      %dma_wait3A = tpu.memref_slice %arg6[%add3A_82] : memref<40960xf32, #tpu.memory_space<hbm>> -> memref<640xf32, #tpu.memory_space<hbm>>
      %dma_wait3A_85 = tpu.memref_slice %arg6[%add3A_82] : memref<40960xf32, #tpu.memory_space<hbm>> -> memref<640xf32, #tpu.memory_space<hbm>>
      tpu.wait_dma2 semaphore(%run_scoped3A_83 : memref<!tpu.dma_semaphore, #tpu.memory_space<semaphore_mem>>) src(%arg18 : memref<640xf32, #tpu.memory_space<vmem>>) dst(%dma_wait3A_85 : memref<640xf32, #tpu.memory_space<hbm>>)
      tpu.yield
    }) : () -> ()
    return
  }
}

module attributes {stable_mosaic.version = 14 : i64} {
  func.func @_tc_lsm_body(%arg0: memref<4x10240xf32, #tpu.memory_space<vmem>>, %arg1: memref<2x10240xf32, #tpu.memory_space<vmem>>, %arg2: memref<2x10240xf32, #tpu.memory_space<vmem>>) attributes {dimension_semantics = [], scalar_prefetch = 0 : i64, scratch_operands = 0 : i64, tpu.core_type = #tpu.core_type<tc>} {
    %get3A = arith.constant 0 : index
    %get3A_0 = arith.constant 0 : index
    %get3A_1 = vector.load %arg0[%get3A, %get3A_0] : memref<4x10240xf32, #tpu.memory_space<vmem>>, vector<4x10240xf32>
    %slice3A = vector.extract_strided_slice %get3A_1 {offsets = [0, 0], sizes = [2, 10240], strides = [1, 1]} : vector<4x10240xf32> to vector<2x10240xf32>
    %reduce_max3A = arith.constant dense<0xFF800000> : vector<10240xf32>
    %reduce_max3A_2 = vector.multi_reduction <maximumf>, %slice3A, %reduce_max3A [0] : vector<2x10240xf32> to vector<10240xf32>
    %broadcast_in_dim3A = vector.shape_cast %reduce_max3A_2 : vector<10240xf32> to vector<1x10240xf32>
    %sub3A = vector.broadcast %broadcast_in_dim3A : vector<1x10240xf32> to vector<2x10240xf32>
    %sub3A_3 = arith.subf %slice3A, %sub3A : vector<2x10240xf32>
    %exp3A = math.exp %sub3A_3 : vector<2x10240xf32>
    %reduce_sum3A = arith.constant dense<0.000000e+00> : vector<10240xf32>
    %reduce_sum3A_4 = vector.multi_reduction <add>, %exp3A, %reduce_sum3A [0] : vector<2x10240xf32> to vector<10240xf32>
    %broadcast_in_dim3A_5 = vector.shape_cast %reduce_sum3A_4 : vector<10240xf32> to vector<1x10240xf32>
    %log3A = math.log %broadcast_in_dim3A_5 : vector<1x10240xf32>
    %add3A = arith.addf %broadcast_in_dim3A, %log3A : vector<1x10240xf32>
    %sub3A_6 = vector.broadcast %add3A : vector<1x10240xf32> to vector<2x10240xf32>
    %sub3A_7 = arith.subf %slice3A, %sub3A_6 : vector<2x10240xf32>
    %swap3A = arith.constant 0 : index
    %swap3A_8 = arith.constant 0 : index
    %swap3A_9 = vector.load %arg1[%swap3A, %swap3A_8] : memref<2x10240xf32, #tpu.memory_space<vmem>>, vector<2x10240xf32>
    tpu.vector_store %arg1[%swap3A, %swap3A_8], %sub3A_7 {strides = array<i32>} : memref<2x10240xf32, #tpu.memory_space<vmem>>, vector<2x10240xf32>,
    %slice3A_10 = vector.extract_strided_slice %get3A_1 {offsets = [2, 0], sizes = [2, 10240], strides = [1, 1]} : vector<4x10240xf32> to vector<2x10240xf32>
    %reduce_max3A_11 = arith.constant dense<0xFF800000> : vector<10240xf32>
    %reduce_max3A_12 = vector.multi_reduction <maximumf>, %slice3A_10, %reduce_max3A_11 [0] : vector<2x10240xf32> to vector<10240xf32>
    %broadcast_in_dim3A_13 = vector.shape_cast %reduce_max3A_12 : vector<10240xf32> to vector<1x10240xf32>
    %sub3A_14 = vector.broadcast %broadcast_in_dim3A_13 : vector<1x10240xf32> to vector<2x10240xf32>
    %sub3A_15 = arith.subf %slice3A_10, %sub3A_14 : vector<2x10240xf32>
    %exp3A_16 = math.exp %sub3A_15 : vector<2x10240xf32>
    %reduce_sum3A_17 = arith.constant dense<0.000000e+00> : vector<10240xf32>
    %reduce_sum3A_18 = vector.multi_reduction <add>, %exp3A_16, %reduce_sum3A_17 [0] : vector<2x10240xf32> to vector<10240xf32>
    %broadcast_in_dim3A_19 = vector.shape_cast %reduce_sum3A_18 : vector<10240xf32> to vector<1x10240xf32>
    %log3A_20 = math.log %broadcast_in_dim3A_19 : vector<1x10240xf32>
    %add3A_21 = arith.addf %broadcast_in_dim3A_13, %log3A_20 : vector<1x10240xf32>
    %sub3A_22 = vector.broadcast %add3A_21 : vector<1x10240xf32> to vector<2x10240xf32>
    %sub3A_23 = arith.subf %slice3A_10, %sub3A_22 : vector<2x10240xf32>
    %swap3A_24 = arith.constant 0 : index
    %swap3A_25 = arith.constant 0 : index
    %swap3A_26 = vector.load %arg2[%swap3A_24, %swap3A_25] : memref<2x10240xf32, #tpu.memory_space<vmem>>, vector<2x10240xf32>
    tpu.vector_store %arg2[%swap3A_24, %swap3A_25], %sub3A_23 {strides = array<i32>} : memref<2x10240xf32, #tpu.memory_space<vmem>>, vector<2x10240xf32>,
    return
  }
}

module attributes {stable_mosaic.version = 14 : i64} {
  func.func @_tc_mlp_body(%arg0: memref<10000x128xf32, #tpu.memory_space<vmem>>, %arg1: memref<128x128xf32, #tpu.memory_space<vmem>>, %arg2: memref<128xf32, #tpu.memory_space<vmem>>, %arg3: memref<2x128xf32, #tpu.memory_space<vmem>>, %arg4: memref<2xf32, #tpu.memory_space<vmem>>, %arg5: memref<128x128xf32, #tpu.memory_space<vmem>>, %arg6: memref<128xf32, #tpu.memory_space<vmem>>, %arg7: memref<2x128xf32, #tpu.memory_space<vmem>>, %arg8: memref<2xf32, #tpu.memory_space<vmem>>, %arg9: memref<10000x128xf32, #tpu.memory_space<vmem>>, %arg10: memref<10000x128xf32, #tpu.memory_space<vmem>>, %arg11: memref<4x10240xf32, #tpu.memory_space<vmem>>) attributes {dimension_semantics = [], scalar_prefetch = 0 : i64, scratch_operands = 0 : i64, tpu.core_type = #tpu.core_type<tc>} {
    %get3A = arith.constant 0 : index
    %get3A_0 = arith.constant 0 : index
    %get3A_1 = vector.load %arg0[%get3A, %get3A_0] : memref<10000x128xf32, #tpu.memory_space<vmem>>, vector<10000x128xf32>
    %get3A_2 = arith.constant 0 : index
    %get3A_3 = arith.constant 0 : index
    %get3A_4 = vector.load %arg1[%get3A_2, %get3A_3] : memref<128x128xf32, #tpu.memory_space<vmem>>, vector<128x128xf32>
    %dot_general3A = arith.constant dense<0.000000e+00> : vector<10000x128xf32>
    %dot_general3A_5 = tpu.matmul %get3A_1, %get3A_4, %dot_general3A {dimension_numbers = #tpu.dot_dimension_numbers<[1], [1], [0], [0], [0, 0, 1, 0], [], []>, transpose_lhs_hint = false} : vector<10000x128xf32>, vector<128x128xf32>, vector<10000x128xf32> -> vector<10000x128xf32>
    %get3A_6 = arith.constant 0 : index
    %get3A_7 = vector.load %arg2[%get3A_6] : memref<128xf32, #tpu.memory_space<vmem>>, vector<128xf32>
    %broadcast_in_dim3A = vector.shape_cast %get3A_7 : vector<128xf32> to vector<1x128xf32>
    %add3A = vector.broadcast %broadcast_in_dim3A : vector<1x128xf32> to vector<10000x128xf32>
    %add3A_8 = arith.addf %dot_general3A_5, %add3A : vector<10000x128xf32>
    %max3A = arith.constant 0.000000e+00 : f32
    %max3A_9 = vector.broadcast %max3A : f32 to vector<10000x128xf32>
    %max3A_10 = arith.maximumf %add3A_8, %max3A_9 : vector<10000x128xf32>
    %swap3A = arith.constant 0 : index
    %swap3A_11 = arith.constant 0 : index
    %swap3A_12 = vector.load %arg9[%swap3A, %swap3A_11] : memref<10000x128xf32, #tpu.memory_space<vmem>>, vector<10000x128xf32>
    tpu.vector_store %arg9[%swap3A, %swap3A_11], %max3A_10 {strides = array<i32>} : memref<10000x128xf32, #tpu.memory_space<vmem>>, vector<10000x128xf32>,
    %get3A_13 = arith.constant 0 : index
    %get3A_14 = arith.constant 0 : index
    %get3A_15 = vector.load %arg3[%get3A_13, %get3A_14] : memref<2x128xf32, #tpu.memory_space<vmem>>, vector<2x128xf32>
    %dot_general3A_16 = arith.constant dense<0.000000e+00> : vector<2x10000xf32>
    %dot_general3A_17 = tpu.matmul %get3A_15, %max3A_10, %dot_general3A_16 {dimension_numbers = #tpu.dot_dimension_numbers<[1], [1], [0], [0], [0, 0, 1, 0], [], []>, transpose_lhs_hint = false} : vector<2x128xf32>, vector<10000x128xf32>, vector<2x10000xf32> -> vector<2x10000xf32>
    %get3A_18 = arith.constant 0 : index
    %get3A_19 = vector.load %arg4[%get3A_18] : memref<2xf32, #tpu.memory_space<vmem>>, vector<2xf32>
    %broadcast_in_dim3A_20 = vector.shape_cast %get3A_19 : vector<2xf32> to vector<2x1xf32>
    %add3A_21 = vector.broadcast %broadcast_in_dim3A_20 : vector<2x1xf32> to vector<2x10000xf32>
    %add3A_22 = arith.addf %dot_general3A_17, %add3A_21 : vector<2x10000xf32>
    %jit3A = arith.constant 0 : i32
    %convert_element_type3A = arith.sitofp %jit3A : i32 to f32
    %pad3A = vector.broadcast %convert_element_type3A : f32 to vector<2x240xf32>
    %pad3A_23 = tpu.concatenate %add3A_22, %pad3A in 1 : vector<2x10000xf32>, vector<2x240xf32> -> vector<2x10240xf32>
    %swap3A_24 = arith.constant 0 : index
    %swap3A_25 = arith.constant 0 : index
    %swap3A_26 = vector.load %arg11[%swap3A_24, %swap3A_25] : memref<4x10240xf32, #tpu.memory_space<vmem>>, vector<2x10240xf32>
    tpu.vector_store %arg11[%swap3A_24, %swap3A_25], %pad3A_23 {strides = array<i32>} : memref<4x10240xf32, #tpu.memory_space<vmem>>, vector<2x10240xf32>,
    %get3A_27 = arith.constant 0 : index
    %get3A_28 = arith.constant 0 : index
    %get3A_29 = vector.load %arg5[%get3A_27, %get3A_28] : memref<128x128xf32, #tpu.memory_space<vmem>>, vector<128x128xf32>
    %dot_general3A_30 = arith.constant dense<0.000000e+00> : vector<10000x128xf32>
    %dot_general3A_31 = tpu.matmul %get3A_1, %get3A_29, %dot_general3A_30 {dimension_numbers = #tpu.dot_dimension_numbers<[1], [1], [0], [0], [0, 0, 1, 0], [], []>, transpose_lhs_hint = false} : vector<10000x128xf32>, vector<128x128xf32>, vector<10000x128xf32> -> vector<10000x128xf32>
    %get3A_32 = arith.constant 0 : index
    %get3A_33 = vector.load %arg6[%get3A_32] : memref<128xf32, #tpu.memory_space<vmem>>, vector<128xf32>
    %broadcast_in_dim3A_34 = vector.shape_cast %get3A_33 : vector<128xf32> to vector<1x128xf32>
    %add3A_35 = vector.broadcast %broadcast_in_dim3A_34 : vector<1x128xf32> to vector<10000x128xf32>
    %add3A_36 = arith.addf %dot_general3A_31, %add3A_35 : vector<10000x128xf32>
    %max3A_37 = arith.constant 0.000000e+00 : f32
    %max3A_38 = vector.broadcast %max3A_37 : f32 to vector<10000x128xf32>
    %max3A_39 = arith.maximumf %add3A_36, %max3A_38 : vector<10000x128xf32>
    %swap3A_40 = arith.constant 0 : index
    %swap3A_41 = arith.constant 0 : index
    %swap3A_42 = vector.load %arg10[%swap3A_40, %swap3A_41] : memref<10000x128xf32, #tpu.memory_space<vmem>>, vector<10000x128xf32>
    tpu.vector_store %arg10[%swap3A_40, %swap3A_41], %max3A_39 {strides = array<i32>} : memref<10000x128xf32, #tpu.memory_space<vmem>>, vector<10000x128xf32>,
    %get3A_43 = arith.constant 0 : index
    %get3A_44 = arith.constant 0 : index
    %get3A_45 = vector.load %arg7[%get3A_43, %get3A_44] : memref<2x128xf32, #tpu.memory_space<vmem>>, vector<2x128xf32>
    %dot_general3A_46 = arith.constant dense<0.000000e+00> : vector<2x10000xf32>
    %dot_general3A_47 = tpu.matmul %get3A_45, %max3A_39, %dot_general3A_46 {dimension_numbers = #tpu.dot_dimension_numbers<[1], [1], [0], [0], [0, 0, 1, 0], [], []>, transpose_lhs_hint = false} : vector<2x128xf32>, vector<10000x128xf32>, vector<2x10000xf32> -> vector<2x10000xf32>
    %get3A_48 = arith.constant 0 : index
    %get3A_49 = vector.load %arg8[%get3A_48] : memref<2xf32, #tpu.memory_space<vmem>>, vector<2xf32>
    %broadcast_in_dim3A_50 = vector.shape_cast %get3A_49 : vector<2xf32> to vector<2x1xf32>
    %add3A_51 = vector.broadcast %broadcast_in_dim3A_50 : vector<2x1xf32> to vector<2x10000xf32>
    %add3A_52 = arith.addf %dot_general3A_47, %add3A_51 : vector<2x10000xf32>
    %jit3A_53 = arith.constant 0 : i32
    %convert_element_type3A_54 = arith.sitofp %jit3A_53 : i32 to f32
    %pad3A_55 = vector.broadcast %convert_element_type3A_54 : f32 to vector<2x240xf32>
    %pad3A_56 = tpu.concatenate %add3A_52, %pad3A_55 in 1 : vector<2x10000xf32>, vector<2x240xf32> -> vector<2x10240xf32>
    %swap3A_57 = arith.constant 2 : index
    %swap3A_58 = arith.constant 0 : index
    %swap3A_59 = vector.load %arg11[%swap3A_57, %swap3A_58] : memref<4x10240xf32, #tpu.memory_space<vmem>>, vector<2x10240xf32>
    tpu.vector_store %arg11[%swap3A_57, %swap3A_58], %pad3A_56 {strides = array<i32>} : memref<4x10240xf32, #tpu.memory_space<vmem>>, vector<2x10240xf32>,
    return
  }
}

</mosaic_0001>

<sc_bundles>
// kernel: kernel.5.cloned.1.call-start
scs
__scs_entry_jumppad:
0x0: {  	(pc) =	sbr.rel $0x88, $3  }
0x1: {  	(tag) =	ssettag $0x0;
	lr =	simm.s32 $0x1  }
0x2: {  	[smem:$0x3F95] =	sst lr;
	_ =	strace $0xD0000000  }
0x3: {  	_ = 	snop  }
0x4: {  	_ = 	snop  }
0x5: {  	_ = 	snop  }
0x6: {  	_ = 	snop  }
0x7: {  	_ = 	snop  }
__scs_overlays_trampoline_lowered:
0x8: {  	[smem:$0x3FA4] =	sst s0  }
0x9: {  	[smem:$0x3FA5] =	sst s1  }
0xa: {  	[smem:$0x3FA6] =	sst s2  }
0xb: {  	[smem:$0x3FA7] =	sst s3  }
0xc: {  	[smem:$0x3FA8] =	sst s4  }
0xd: {  	[smem:$0x3FA9] =	sst s5  }
0xe: {  	[smem:$0x3FAA] =	sst s6  }
0xf: {  	[smem:$0x3FAB] =	sst s7  }
0x10: {  	[smem:$0x3FAC] =	sst s8  }
0x11: {  	[smem:$0x3FAD] =	sst s9;
	s0 =	simm.s32 @!p0 $0x0  }
0x12: {  	s1 =	sld [smem:$0x3F93];
	s0 =	simm.s32 @p0 $0x1  }
0x13: {  	[smem:$0x3FAE] =	sst s0;
	s0 =	simm.s32 @!p1 $0x0  }
0x14: {  	s2 =	sld [smem:$0x3F92];
	s0 =	simm.s32 @p1 $0x1  }
0x15: {  	[smem:$0x3FAF] =	sst s0;
	s0 =	simm.s32 @!p2 $0x0  }
0x16: {  	s3 =	sld [smem:$0x3FDB];
	s0 =	simm.s32 @p2 $0x1  }
0x17: {  	s4 =	simm.s32 $0x1BF5;
	[smem:$0x3FB1] =	sst s0  }
0x18: {  	s0 =	sld [smem:$0x3F94];
	_ =	swait.ge [sflag:s4], $0x0  }
0x19: {  	s7 =	sld [smem:$0x3F95]  }
0x1a: {  	s8 =	sadd.s32 $0xFFFFE003, lr  }
0x1b: {  	s9 =	sadd.s32 $0xFFFFFEF7, lr;
	s5 =	simm.s32 $0xFFFFFFFF;
	p2 =	slt.u32 s8, $0xFFFFF086  }
0x1c: {  	p1 =	slt.u32 s9, $0xF7A;
	s5 =	simm.s32 @!p2 $0x0  }
0x1d: {  	s5 =	simm.s32 @p1 $0x1;
	p0 =	seq.s32 s7, s2  }
0x1e: {  	s7 =	smul.u32 @!p0 $0xF7A, s2;
	p2 =	seq.s32 @!p0 s5, $0x0  }
0x1f: {  	s9 =	smul.u32 $0xF7A, s1;
	s8 =	simm.s32 @!p0 $0x1BF5;
	p2 =	por !p2, p0  }
0x20: {  	[sflag:s8] =	ssyncset.s32 @!p0 $0xFFFFF086;
	s6 =	sadd.s32 @!p0 s3, s7;
	s7 =	simm.s32 @!p0 $0x108  }
0x21: {  	s3 =	sadd.s32 s3, s9;
	s6 =	sadd.s32 @!p0 $0x88, s6;
	s7 =	simm.s32 @p2 $0x1082  }
0x22: {  	[simem:s7], [sflag:s8] =	dma.local @!p0 [hbm:s6], $0xF7A  }
0x23: {  	s9 =	sor.u32 $0xD0000000, s2;
	s6 =	simm.s32 $0x108;
	_ =	swait.ge @!p0 [sflag:s8], $0x0  }
0x24: {  	s3 =	sadd.s32 $0x88, s3;
	s6 =	simm.s32 @!p1 $0x1082;
	[sflag:s4] =	ssyncset.s32 $0xFFFFF086  }
0x25: {  	[simem:s6], [sflag:s4] =	dma.local [hbm:s3], $0xF7A  }
0x26: {  	[smem:$0x3F95] =	sst s1;
	(tag) =	ssettag s2;
	_ =	strace s9  }
0x27: {  	s1 =	sld [smem:$0x3FA5]  }
0x28: {  	s2 =	sld [smem:$0x3FA6]  }
0x29: {  	s4 =	sld [smem:$0x3FA8]  }
0x2a: {  	p0 =	seq.s32 s5, $0x0;
	s5 =	sld [smem:$0x3FA9]  }
0x2b: {  	s6 =	sld [smem:$0x3FAA]  }
0x2c: {  	s7 =	sld [smem:$0x3FAB]  }
0x2d: {  	s3 =	simm.s32 $0x108;
	s8 =	sld [smem:$0x3FAC]  }
0x2e: {  	s3 =	simm.s32 @!p0 $0x1082;
	s9 =	sld [smem:$0x3FAD]  }
0x2f: {  	lr =	sadd.s32 s0, s3;
	s0 =	sld [smem:$0x3FA4]  }
0x30: {  	s3 =	sld [smem:$0x3FA7]  }
0x31: {  	[smem:$0x3FB0] =	sst s10  }
0x32: {  	s10 =	sld [smem:$0x3FAE];
	_ =	sdelay $0x3  }
0x33: {  	p0 =	seq.s32 s10, $0x1;
	s10 =	sld [smem:$0x3FB0];
	_ =	sdelay $0x3  }
0x34: {  	[smem:$0x3FB0] =	sst s10  }
0x35: {  	s10 =	sld [smem:$0x3FAF];
	_ =	sdelay $0x3  }
0x36: {  	p1 =	seq.s32 s10, $0x1;
	s10 =	sld [smem:$0x3FB0];
	_ =	sdelay $0x3  }
0x37: {  	[smem:$0x3FB0] =	sst s10  }
0x38: {  	s10 =	sld [smem:$0x3FB1]  }
0x39: {  	_ = 	snop;
	(pc) =	sbr.ind lr, $3  }
0x3a: {  	_ = 	snop  }
0x3b: {  	_ = 	snop  }
0x3c: {  	p2 =	seq.s32 s10, $0x1;
	s10 =	sld [smem:$0x3FB0]  }
0x3d: {  	_ =	shalt  }
0x3e: {  	_ =	shalt  }
0x3f: {  	_ =	shalt  }
0x40: {  	_ =	shalt  }
0x41: {  	_ =	shalt  }
0x42: {  	_ =	shalt  }
0x43: {  	_ =	shalt  }
0x44: {  	_ =	shalt  }
0x45: {  	_ =	shalt  }
0x46: {  	_ =	shalt  }
0x47: {  	_ =	shalt  }
0x48: {  	_ =	shalt  }
0x49: {  	_ =	shalt  }
0x4a: {  	_ =	shalt  }
0x4b: {  	_ =	shalt  }
0x4c: {  	_ =	shalt  }
0x4d: {  	_ =	shalt  }
0x4e: {  	_ =	shalt  }
0x4f: {  	_ =	shalt  }
0x50: {  	_ =	shalt  }
0x51: {  	_ =	shalt  }
0x52: {  	_ =	shalt  }
0x53: {  	_ =	shalt  }
0x54: {  	_ =	shalt  }
0x55: {  	_ =	shalt  }
0x56: {  	_ =	shalt  }
0x57: {  	_ =	shalt  }
0x58: {  	_ =	shalt  }
0x59: {  	_ =	shalt  }
0x5a: {  	_ =	shalt  }
0x5b: {  	_ =	shalt  }
0x5c: {  	_ =	shalt  }
0x5d: {  	_ =	shalt  }
0x5e: {  	_ =	shalt  }
0x5f: {  	_ =	shalt  }
0x60: {  	_ =	shalt  }
0x61: {  	_ =	shalt  }
0x62: {  	_ =	shalt  }
0x63: {  	_ =	shalt  }
0x64: {  	_ =	shalt  }
0x65: {  	_ =	shalt  }
0x66: {  	_ =	shalt  }
0x67: {  	_ =	shalt  }
0x68: {  	_ =	shalt  }
0x69: {  	_ =	shalt  }
0x6a: {  	_ =	shalt  }
0x6b: {  	_ =	shalt  }
0x6c: {  	_ =	shalt  }
0x6d: {  	_ =	shalt  }
0x6e: {  	_ =	shalt  }
0x6f: {  	_ =	shalt  }
0x70: {  	_ =	shalt  }
0x71: {  	_ =	shalt  }
0x72: {  	_ =	shalt  }
0x73: {  	_ =	shalt  }
0x74: {  	_ =	shalt  }
0x75: {  	_ =	shalt  }
0x76: {  	_ =	shalt  }
0x77: {  	_ =	shalt  }
0x78: {  	_ =	shalt  }
0x79: {  	_ =	shalt  }
0x7a: {  	_ =	shalt  }
0x7b: {  	_ =	shalt  }
0x7c: {  	_ =	shalt  }
0x7d: {  	_ =	shalt  }
0x7e: {  	_ =	shalt  }
0x7f: {  	_ =	shalt  }
0x80: {  	_ =	shalt  }
0x81: {  	_ =	shalt  }
0x82: {  	_ =	shalt  }
0x83: {  	_ =	shalt  }
0x84: {  	_ =	shalt  }
0x85: {  	_ =	shalt  }
0x86: {  	_ =	shalt  }
0x87: {  	_ =	shalt  }
.Lfunc_end0:
.L_simem_size_0:
called_computation_lowered:
.L_overlay_start_0:
0x88: {  	s2 =	sld [smem:$0x3FD9]  }
0x89: {  	s3 =	sld [smem:$0x3FFE];
	_ =	sdelay $0x1  }
0x8a: {  	s1 =	srdreg.scid  }
0x8b: {  	s0 =	sand.u32 $0x1, s1  }
0x8c: {  	s14 =	sshll.u32 s0, $0xA;
	s2 =	sadd.s32 s3, s2  }
0x8d: {  	s2 =	sadd.s32 s2, s14  }
0x8e: {  	[smem:$0x3FBC] =	sst s2  }
0x8f: {  	_ = 	snop  }
0x90: {  	s2 =	sld [smem:$0x3FD0];
	_ =	sdelay $0x2  }
0x91: {  	s15 =	simm.s32 $0xA;
	s4 =	simm.s32 $0x10  }
0x92: {  	[smem:s4], [sflag:s15] =	dma.local [hbm:s2], $0x1  }
0x93: {  	_ =	swait.eq [sflag:s15], $0x1  }
0x94: {  	[sflag:s15] =	ssyncset.done $0x0  }
0x95: {  	[sflag:s15] =	ssyncadd.s32 $0xFFFFFFFF  }
0x96: {  	s16 =	sld [smem:$0x12];
	(tm) =	ssettm $0x1  }
0x97: {  	s17 =	sld [smem:$0x3FFB];
	_ =	sdelay $0x3  }
0x98: {  	_ =	strace s17  }
0x99: {  	s3 =	sld [smem:$0x3FFC];
	_ =	sdelay $0x3  }
0x9a: {  	_ =	strace s3  }
0x9b: {  	s3 =	sld [smem:$0x3FFD];
	_ =	sdelay $0x3  }
0x9c: {  	_ =	strace s3  }
0x9d: {  	_ =	strace $0x8FFFFFFF  }
0x9e: {  	s18 =	sld [smem:$0x3FDB];
	_ =	sdelay $0x1  }
0x9f: {  	s19 =	simm.s32 $_scs_section_size  }
0xa0: {  	s5 =	simm.s32 $_size__tile_overlayer_lowered;
	s6 =	simm.s32 $_tile_overlayer_lowered  }
0xa1: {  	s22 =	simm.s32 $0x1BFF;
	s21 =	sshll.u32 s6, $0x1;
	s3 =	sadd.s32 s19, s18  }
0xa2: {  	s7 =	simm.s32 $0x0;
	s20 =	sshll.u32 s5, $0x1;
	s5 =	sadd.s32 s21, s3  }
0xa3: {  	[timem:s7], [sflag:s22] =	dma.local [hbm:s5], s20  }
0xa4: {  	_ =	swait.ge [sflag:s22], s20  }
0xa5: {  	s4 =	ssub.s32 $0x0, s20;
	[sflag:s22] =	ssyncset.done $0x0  }
0xa6: {  	[sflag:s22] =	ssyncadd.s32 s4;
	_ =	sdelay $0x1  }
0xa7: {  	s23 =	simm.s32 $0x1B8B  }
0xa8: {  	_ =	swait.ge [sflag:s23], $0x1  }
0xa9: {  	[sflag:s23] =	ssyncset.done $0x0  }
0xaa: {  	s25 =	simm.s32 $0x1B8E;
	s24 =	sld [smem:$0x3FFE];
	[sflag:s23] =	ssyncadd.s32 $0xFFFFFFFF  }
0xab: {  	s26 =	simm.s32 $execute0_lowered;
	[smem:$0x3FD2] =	sst s25  }
0xac: {  	s5 =	sshll.u32 s26, $0x1;
	_ =	strace $0x80000046;
	[dreg:$0x1] =	wrdreg $0xFFFFFFFF  }
0xad: {  	s28 =	simm.s32 $_size_execute0_lowered;
	s3 =	sadd.s32 s3, s5;
	[dreg:$0x0] =	wrdreg $0x0  }
0xae: {  	s5 =	sshll.u32 s28, $0x1;
	[dreg:$0x2] =	wrdreg s3  }
0xaf: {  	[dreg:$0x3] =	wrdreg s5  }
0xb0: {  	[dreg:$0x4] =	wrdreg $0xC0  }
0xb1: {  	_ =	task [dreg:s7], $0x5FFFF  }
0xb2: {  	[dreg:$0x1] =	wrdreg $0xFFFFFFFF  }
0xb3: {  	[dreg:$0x0] =	wrdreg $0x60  }
0xb4: {  	[dreg:$0x2] =	wrdreg s24  }
0xb5: {  	[dreg:$0x3] =	wrdreg s16  }
0xb6: {  	[dreg:$0x4] =	wrdreg $0x19D000  }
0xb7: {  	[dreg:$0x5] =	wrdreg $0x1ED000  }
0xb8: {  	[dreg:$0x6] =	wrdreg $0x9  }
0xb9: {  	_ =	task.clear_ibuf [dreg:s7], $0x7FFFF;
	_ =	strace $0x90000046  }
0xba: {  	s29 =	simm.s32 $0x9;
	_ =	strace $0x80000048  }
0xbb: {  	_ =	swait.ge [sflag:s29], $0x1  }
0xbc: {  	[sflag:s29] =	ssyncadd.s32 $0xFFFFFFFF  }
0xbd: {  	_ =	strace $0x90000048  }
0xbe: {  	_ =	sfence  }
0xbf: {  	s30 =	sld [smem:$0x0];
	_ =	sdelay $0x2  }
0xc0: {  	s31 =	sshll.u32 s1, $0xD;
	s1 =	sshrl.u32 s1, $0x2  }
0xc1: {  	s3 =	sand.u32 $0x4000, s31;
	s1 =	sadd.s32 s1, s30  }
0xc2: {  	s0 =	sor.u32 s3, s0;
	s1 =	sshll.u32 s1, $0x11  }
0xc3: {  	s0 =	sor.u32 s1, s0  }
0xc4: {  	s0 =	sadd.s32 $0x8F2B, s0  }
0xc5: {  	[sflag:s0] =	ssyncadd.remote.s32 $0x1  }
0xc6: {  	_ =	sfence.sel $0xFFFF  }
0xc7: {  	[dreg:$0x0] =	wrdreg $0xFFFFFFFF;
	(pc) =	sbr.abs _section_cstart, $3  }
0xc8: {  	[dreg:$0x1] =	wrdreg $0xFFFFFFFF  }
0xc9: {  	_ =	task.clear_ibuf [dreg:s7], $0x2FFFF;
	_ =	strace $0x9FFFFFFF  }
0xca: {  	(tm) =	ssettm $0x7FFFFFFF  }
0xcb: {  	_ =	shalt  }
tec
execute0_lowered:
.L_overlay_start_1:
0x0: {  	(tag) =	ssettag $0x1  }
0x1: {  	s0 =	rddreg [dreg:$0x0]  }
0x2: {  	s1 =	rddreg [dreg:$0x1];
	s10 =	stileid.u32  }
0x3: {  	s2 =	rddreg [dreg:$0x2];
	s3 =	smul.u32 $0x9C4, s10  }
0x4: {  	s11 =	rddreg [dreg:$0x3];
	s8 =	smul.u32 $0x280, s10  }
0x5: {  	s12 =	simm.s32 $0x0;
	s4 =	srdreg.scid;
	s17 =	smul.u32 $0x5000, s10  }
0x6: {  	[smem:$0x7FF] =	sst s12;
	s4 =	sand.u32 $0x1, s4;
	s18 =	smul.u32 $0x1400, s10  }
0x7: {  	s5 =	sadd.s32 $0x15200, s0;
	s9 =	sshrl.u32 s10, $0x3;
	s14 =	smul.u32 $0x16, s4  }
0x8: {  	s16 =	sshll.u32 s10, $0x7;
	s26 =	sadd.s32 $0x80, s11;
	s15 =	smul.u32 $0x50000, s9  }
0x9: {  	_ =	strace $0x80000047;
	s6 =	ssub.s32 $0x2, s4;
	s4 =	smul.u32 $0x5000, s4  }
0xa: {  	[smem:$0x7F6] =	sst s26;
	s3 =	sadd.s32 s3, s0;
	s0 =	sadd.s32 $0x16600, s0  }
0xb: {  	s7 =	sshrl.u32 s6, $0x1;
	s20 =	sshrl.u32 s17, $0x2;
	s13 =	sadd.s32 $0xB400, s3  }
0xc: {  	s23 =	sshrl.u32 s18, $0x2;
	s3 =	sadd.s32 $0x1600, s3;
	[dreg:$0x1f] =	wrdreg s13  }
0xd: {  	s6 =	ssub.s32 s6, s7;
	s1 =	sadd.s32 s1, s14;
	[smem:$0x7F0] =	sst s3  }
0xe: {  	s4 =	sadd.s32 s8, s4;
	s22 =	sadd.s32 s20, s2;
	[smem:$0x7F1] =	sst s1  }
0xf: {  	s1 =	sand.u32 $0x380, s16;
	[smem:$0x7F9] =	sst s22;
	s29 =	sadd.s32 $0x28000, s22  }
0x10: {  	s21 =	sshrl.u32 s4, $0x3;
	s31 =	smax.u32 s6, $0x1;
	[smem:$0x7FA] =	sst s29  }
0x11: {  	s3 =	sshrl.u32 s15, $0x2;
	s25 =	sadd.s32 s5, s21;
	[smem:$0x7FD] =	sst s31  }
0x12: {  	s24 =	sadd.s32 $0x500, s21;
	s30 =	sadd.s32 s0, s21;
	[smem:$0x7F2] =	sst s25  }
0x13: {  	s3 =	sadd.s32 s3, s2;
	s5 =	sadd.s32 s5, s24;
	[smem:$0x7FB] =	sst s30  }
0x14: {  	s19 =	sadd.s32 s1, s3;
	s1 =	sadd.s32 s23, s11;
	[smem:$0x7F3] =	sst s5  }
0x15: {  	[smem:$0x7F4] =	sst s1  }
0x16: {  	s0 =	sadd.s32 s0, s24;
	[smem:$0x7F7] =	sst s19  }
0x17: {  	s1 =	sadd.s32 $0x80, s1;
	[smem:$0x7FC] =	sst s0  }
0x18: {  	s4 =	simm.s32 $0xED00;
	s28 =	sadd.s32 $0x28000, s19;
	[smem:$0x7F5] =	sst s1  }
0x19: {  	v0 =	vimm.f32 $0.0e+00;
	v1 =	vimm.f32 $1.000000000e+00;
	s5 =	simm.s32 $0x5;
	[smem:$0x7F8] =	sst s28;
	s1 =	simm.s32 $0x0  }
.LBB2_1:
0x1a: {  	[smem:$0x7EF] =	sst s1  }
0x1b: {  	s0 =	rddreg [dreg:$0x1f]  }
0x1c: {  	[tilespmem:s12], [sflag:$0x5] =	stream.linear.gather [hbm4b:s0+s12], $0x4E20, $0x38;
	[tilespmem:$0x1F200] =	vst v63  }
0x1d: {  	_ =	swait.ge [sflag:s5], $0x4E20  }
0x1e: {  	s28 =	sld [smem:$0x7F0]  }
0x1f: {  	[sflag:s5] =	ssyncset.done $0x0  }
0x20: {  	s29 =	simm.s32 $0x4E80;
	[sflag:s5] =	ssyncadd.s32 $0xFFFFB1E0  }
0x21: {  	[tilespmem:s29], [sflag:$0x5] =	stream.linear.gather [hbm4b:s28+s12], $0x4E20, $0x38;
	[tilespmem:$0x1F200] =	vst v63  }
0x22: {  	_ =	swait.ge [sflag:s5], $0x4E20  }
0x23: {  	s30 =	sld [smem:$0x7F1]  }
0x24: {  	[sflag:s5] =	ssyncset.done $0x0  }
0x25: {  	s31 =	simm.s32 $0x19C00;
	[sflag:s5] =	ssyncadd.s32 $0xFFFFB1E0  }
0x26: {  	[tilespmem:s31], [sflag:$0x5] =	stream.linear.gather [hbm4b:s30+s12], $0xB0, $0x38;
	[tilespmem:$0x1F200] =	vst v63  }
0x27: {  	_ =	swait.ge [sflag:s5], $0xB0  }
0x28: {  	[sflag:s5] =	ssyncset.done $0x0  }
0x29: {  	s1 =	simm.s32 $0xED40;
	[sflag:s5] =	ssyncadd.s32 $0xFFFFFF50  }
0x2a: {  	[tilespmem:s1+$0xFFFFFFC0] =	vst v0  }
0x2b: {  	[tilespmem:s1+$0x30] =	vst v0  }
0x2c: {  	[tilespmem:s1+$0x20] =	vst v0  }
0x2d: {  	[tilespmem:s1+$0x10] =	vst v0  }
0x2e: {  	[tilespmem:s1+$0x0] =	vst v0  }
0x2f: {  	[tilespmem:s1+$0xFFFFFFF0] =	vst v0  }
0x30: {  	s2 =	simm.s32 $0x0;
	[tilespmem:s1+$0xFFFFFFE0] =	vst v0  }
.LBB2_2:
0x31: {  	s2 =	sadd.s32 $0x8, s2;
	[tilespmem:s1+$0xFFFFFFD0] =	vst v0;
	s1 =	sadd.s32 $0x80, s1;
	s0 =	simm.s32 $0x11540  }
0x32: {  	[tilespmem:s1+$0xFFFFFFC0] =	vst v0;
	p0 =	slt.u32 s2, $0x278  }
0x33: {  	[tilespmem:s1+$0x30] =	vst v0  }
.Ltmp0:
0x34: {  	[tilespmem:s1+$0x20] =	vst v0;
	(pc) =	sbr.rel @p0 .LBB2_2-.Ltmp0, $4  }
0x35: {  	[tilespmem:s1+$0x10] =	vst v0  }
0x36: {  	[tilespmem:s1+$0x0] =	vst v0  }
0x37: {  	[tilespmem:s1+$0xFFFFFFF0] =	vst v0  }
0x38: {  	[tilespmem:s1+$0xFFFFFFE0] =	vst v0  }
0x39: {  	[tilespmem:s1+$0xFFFFFFD0] =	vst v0  }
0x3a: {  	[tilespmem:s0+$0xFFFFFFC0] =	vst v0  }
0x3b: {  	[tilespmem:s0+$0x30] =	vst v0  }
0x3c: {  	[tilespmem:s0+$0x20] =	vst v0  }
0x3d: {  	[tilespmem:s0+$0x10] =	vst v0  }
0x3e: {  	[tilespmem:s0+$0x0] =	vst v0  }
0x3f: {  	[tilespmem:s0+$0xFFFFFFF0] =	vst v0  }
0x40: {  	s1 =	simm.s32 $0x0;
	s2 =	simm.s32 $0x4F40;
	[tilespmem:s0+$0xFFFFFFE0] =	vst v0  }
.LBB2_4:
0x41: {  	s1 =	sadd.s32 $0x8, s1;
	[tilespmem:s0+$0xFFFFFFD0] =	vst v0;
	s0 =	sadd.s32 $0x80, s0  }
0x42: {  	[tilespmem:s0+$0xFFFFFFC0] =	vst v0;
	p0 =	slt.u32 s1, $0x278  }
0x43: {  	[tilespmem:s0+$0x30] =	vst v0  }
.Ltmp1:
0x44: {  	[tilespmem:s0+$0x20] =	vst v0;
	(pc) =	sbr.rel @p0 .LBB2_4-.Ltmp1, $4  }
0x45: {  	[tilespmem:s0+$0x10] =	vst v0  }
0x46: {  	[tilespmem:s0+$0x0] =	vst v0  }
0x47: {  	[tilespmem:s0+$0xFFFFFFF0] =	vst v0  }
0x48: {  	s3 =	simm.s32 $0x0;
	[tilespmem:s0+$0xFFFFFFE0] =	vst v0  }
0x49: {  	[tilespmem:s0+$0xFFFFFFD0] =	vst v0;
	s31 =	sand.u32 $0x7FF0, s3  }
0x4a: {  	v2 =	vld [tilespmem:s31+$0x4F00]  }
0x4b: {  	v3 =	vld [tilespmem:s31+$0x4F80]  }
0x4c: {  	v4 =	vld [tilespmem:s31+$0x5000]  }
0x4d: {  	v5 =	vld [tilespmem:s2+$0xA0]  }
0x4e: {  	v6 =	vld [tilespmem:s2+$0xFFFFFF40]  }
0x4f: {  	v7 =	vld [tilespmem:s2+$0x70]  }
0x50: {  	v8 =	vld [tilespmem:s2+$0x50]  }
0x51: {  	v9 =	vld [tilespmem:s2+$0x60]  }
0x52: {  	v57 =	vld [tilespmem:s2+$0xFFFFFF90]  }
0x53: {  	v58 =	vld [tilespmem:s2+$0xFFFFFFA0]  }
0x54: {  	v10 =	vld [tilespmem:s2+$0x20]  }
0x55: {  	v11 =	vld [tilespmem:s2+$0x30]  }
0x56: {  	v12 =	vld [tilespmem:s2+$0x80]  }
0x57: {  	v59 =	vld [tilespmem:s2+$0xFFFFFF70]  }
0x58: {  	v13 =	vld [tilespmem:s2+$0xFFFFFF80]  }
0x59: {  	v60 =	vld [tilespmem:s2+$0x10]  }
0x5a: {  	v61 =	vld [tilespmem:s2+$0x0]  }
0x5b: {  	v62 =	vld [tilespmem:s2+$0xFFFFFFF0]  }
0x5c: {  	v63 =	vld [tilespmem:s2+$0xFFFFFFE0]  }
0x5d: {  	v14 =	vld [tilespmem:s2+$0xFFFFFFD0]  }
0x5e: {  	v15 =	vld [tilespmem:s2+$0xFFFFFFB0]  }
0x5f: {  	[tilespmem:v2+s4+$0x0] =	vst.idx.add.f32.msk $0xffff, v1  }
0x60: {  	[tilespmem:v3+s4+$0x0] =	vst.idx.add.f32.msk $0xffff, v1  }
0x61: {  	[tilespmem:v4+s4+$0x0] =	vst.idx.add.f32.msk $0xffff, v1  }
0x62: {  	v2 =	vld [tilespmem:s2+$0xB0]  }
0x63: {  	[tilespmem:v6+s4+$0x0] =	vst.idx.add.f32.msk $0xffff, v1  }
0x64: {  	v3 =	vld [tilespmem:s2+$0x90]  }
0x65: {  	[tilespmem:v5+s4+$0x0] =	vst.idx.add.f32.msk $0xffff, v1  }
0x66: {  	[tilespmem:v12+s4+$0x0] =	vst.idx.add.f32.msk $0xffff, v1  }
0x67: {  	[tilespmem:v7+s4+$0x0] =	vst.idx.add.f32.msk $0xffff, v1  }
0x68: {  	[tilespmem:v9+s4+$0x0] =	vst.idx.add.f32.msk $0xffff, v1  }
0x69: {  	[tilespmem:v8+s4+$0x0] =	vst.idx.add.f32.msk $0xffff, v1  }
0x6a: {  	[tilespmem:v11+s4+$0x0] =	vst.idx.add.f32.msk $0xffff, v1  }
0x6b: {  	[tilespmem:v10+s4+$0x0] =	vst.idx.add.f32.msk $0xffff, v1  }
0x6c: {  	[tilespmem:v60+s4+$0x0] =	vst.idx.add.f32.msk $0xffff, v1  }
0x6d: {  	[tilespmem:v61+s4+$0x0] =	vst.idx.add.f32.msk $0xffff, v1  }
0x6e: {  	[tilespmem:v62+s4+$0x0] =	vst.idx.add.f32.msk $0xffff, v1  }
0x6f: {  	[tilespmem:v63+s4+$0x0] =	vst.idx.add.f32.msk $0xffff, v1  }
0x70: {  	[tilespmem:v2+s4+$0x0] =	vst.idx.add.f32.msk $0xffff, v1  }
0x71: {  	[tilespmem:v3+s4+$0x0] =	vst.idx.add.f32.msk $0xffff, v1  }
0x72: {  	v3 =	vld [tilespmem:s2+$0xFFFFFF60]  }
0x73: {  	v2 =	vld [tilespmem:s2+$0xFFFFFF50]  }
0x74: {  	[tilespmem:v14+s4+$0x0] =	vst.idx.add.f32.msk $0xffff, v1  }
0x75: {  	[tilespmem:v15+s4+$0x0] =	vst.idx.add.f32.msk $0xffff, v1  }
0x76: {  	[tilespmem:v58+s4+$0x0] =	vst.idx.add.f32.msk $0xffff, v1  }
0x77: {  	[tilespmem:v57+s4+$0x0] =	vst.idx.add.f32.msk $0xffff, v1  }
0x78: {  	[tilespmem:v13+s4+$0x0] =	vst.idx.add.f32.msk $0xffff, v1  }
0x79: {  	[tilespmem:v59+s4+$0x0] =	vst.idx.add.f32.msk $0xffff, v1  }
0x7a: {  	s0 =	simm.s32 $0x0;
	s1 =	simm.s32 $0x190;
	[tilespmem:v3+s4+$0x0] =	vst.idx.add.f32.msk $0xffff, v1  }
.LBB2_6:
0x7b: {  	s3 =	sand.u32 $0x7FF0, s1;
	s0 =	sadd.s32 $0x19, s0;
	[tilespmem:v2+s4+$0x0] =	vst.idx.add.f32.msk $0xffff, v1;
	s2 =	sadd.s32 $0x190, s2  }
0x7c: {  	v2 =	vld [tilespmem:s3+$0x4F00];
	p0 =	slt.u32 s0, $0x4C9  }
0x7d: {  	v3 =	vld [tilespmem:s3+$0x4F80]  }
0x7e: {  	v4 =	vld [tilespmem:s3+$0x5000]  }
0x7f: {  	v5 =	vld [tilespmem:s2+$0xA0]  }
0x80: {  	v6 =	vld [tilespmem:s2+$0xFFFFFF40]  }
0x81: {  	v7 =	vld [tilespmem:s2+$0x70]  }
0x82: {  	v8 =	vld [tilespmem:s2+$0x50]  }
0x83: {  	v9 =	vld [tilespmem:s2+$0x60]  }
0x84: {  	[tilespmem:v2+s4+$0x0] =	vst.idx.add.f32.msk $0xffff, v1  }
0x85: {  	[tilespmem:v3+s4+$0x0] =	vst.idx.add.f32.msk $0xffff, v1  }
0x86: {  	[tilespmem:v4+s4+$0x0] =	vst.idx.add.f32.msk $0xffff, v1  }
0x87: {  	v2 =	vld [tilespmem:s2+$0xB0]  }
0x88: {  	[tilespmem:v6+s4+$0x0] =	vst.idx.add.f32.msk $0xffff, v1  }
0x89: {  	v3 =	vld [tilespmem:s2+$0x90]  }
0x8a: {  	v4 =	vld [tilespmem:s2+$0xFFFFFF90]  }
0x8b: {  	v6 =	vld [tilespmem:s2+$0xFFFFFFA0]  }
0x8c: {  	v10 =	vld [tilespmem:s2+$0x20]  }
0x8d: {  	v11 =	vld [tilespmem:s2+$0x30]  }
0x8e: {  	v12 =	vld [tilespmem:s2+$0x80]  }
0x8f: {  	[tilespmem:v2+s4+$0x0] =	vst.idx.add.f32.msk $0xffff, v1  }
0x90: {  	[tilespmem:v5+s4+$0x0] =	vst.idx.add.f32.msk $0xffff, v1  }
0x91: {  	[tilespmem:v3+s4+$0x0] =	vst.idx.add.f32.msk $0xffff, v1  }
0x92: {  	v2 =	vld [tilespmem:s2+$0xFFFFFF50]  }
0x93: {  	v3 =	vld [tilespmem:s2+$0xFFFFFF60]  }
0x94: {  	v5 =	vld [tilespmem:s2+$0xFFFFFF70]  }
0x95: {  	v13 =	vld [tilespmem:s2+$0xFFFFFF80]  }
0x96: {  	[tilespmem:v12+s4+$0x0] =	vst.idx.add.f32.msk $0xffff, v1  }
0x97: {  	[tilespmem:v7+s4+$0x0] =	vst.idx.add.f32.msk $0xffff, v1  }
0x98: {  	[tilespmem:v9+s4+$0x0] =	vst.idx.add.f32.msk $0xffff, v1  }
0x99: {  	[tilespmem:v8+s4+$0x0] =	vst.idx.add.f32.msk $0xffff, v1  }
0x9a: {  	v7 =	vld [tilespmem:s2+$0x10]  }
0x9b: {  	v8 =	vld [tilespmem:s2+$0x0]  }
0x9c: {  	v9 =	vld [tilespmem:s2+$0xFFFFFFF0]  }
0x9d: {  	v12 =	vld [tilespmem:s2+$0xFFFFFFE0]  }
0x9e: {  	v14 =	vld [tilespmem:s2+$0xFFFFFFD0]  }
0x9f: {  	v15 =	vld [tilespmem:s2+$0xFFFFFFB0]  }
0xa0: {  	[tilespmem:v11+s4+$0x0] =	vst.idx.add.f32.msk $0xffff, v1  }
0xa1: {  	[tilespmem:v10+s4+$0x0] =	vst.idx.add.f32.msk $0xffff, v1  }
0xa2: {  	[tilespmem:v7+s4+$0x0] =	vst.idx.add.f32.msk $0xffff, v1  }
0xa3: {  	[tilespmem:v8+s4+$0x0] =	vst.idx.add.f32.msk $0xffff, v1  }
0xa4: {  	[tilespmem:v9+s4+$0x0] =	vst.idx.add.f32.msk $0xffff, v1  }
0xa5: {  	[tilespmem:v12+s4+$0x0] =	vst.idx.add.f32.msk $0xffff, v1  }
0xa6: {  	[tilespmem:v14+s4+$0x0] =	vst.idx.add.f32.msk $0xffff, v1  }
0xa7: {  	[tilespmem:v15+s4+$0x0] =	vst.idx.add.f32.msk $0xffff, v1  }
.Ltmp2:
0xa8: {  	[tilespmem:v6+s4+$0x0] =	vst.idx.add.f32.msk $0xffff, v1;
	(pc) =	sbr.rel @p0 .LBB2_6-.Ltmp2, $4  }
0xa9: {  	[tilespmem:v4+s4+$0x0] =	vst.idx.add.f32.msk $0xffff, v1  }
0xaa: {  	[tilespmem:v13+s4+$0x0] =	vst.idx.add.f32.msk $0xffff, v1  }
0xab: {  	[tilespmem:v5+s4+$0x0] =	vst.idx.add.f32.msk $0xffff, v1  }
0xac: {  	s1 =	sadd.s32 $0x190, s1;
	[tilespmem:v3+s4+$0x0] =	vst.idx.add.f32.msk $0xffff, v1  }
0xad: {  	_ =	sdelay $0x3  }
0xae: {  	[tilespmem:v2+s4+$0x0] =	vst.idx.add.f32.msk $0xffff, v1  }
0xaf: {  	s0 =	sld [smem:$0x7F7];
	_ =	sdelay $0x1  }
0xb0: {  	s1 =	simm.s32 $0x80;
	s2 =	simm.s32 $0x400  }
0xb1: {  	[spmem:s0] =	stream.strided.scatter [tilespmem:s4], [sflag:$0x5], $0x2800, s2, s1, $0x38;
	[tilespmem:$0x1F200] =	vst v63  }
0xb2: {  	_ =	swait.ge [sflag:s5], $0x2800  }
0xb3: {  	[sflag:s5] =	ssyncset.done $0x0  }
0xb4: {  	[sflag:s5] =	ssyncadd.s32 $0xFFFFD800  }
0xb5: {  	[bflag:$0x0] =	sbarrier.arrive $0xFFFF  }
0xb6: {  	s19 =	sld [smem:$0x7F9];
	_ =	sdelay $0x1  }
0xb7: {  	s20 =	simm.s32 $0x1400;
	s21 =	simm.s32 $0x14000;
	s3 =	simm.s32 $0x13D00  }
0xb8: {  	[tilespmem:s3], [sflag:$0x5] =	stream.strided.gather [spmem:s19], $0x2800, s21, s20, $0x38;
	[tilespmem:$0x1F200] =	vst v63  }
0xb9: {  	s3 =	simm.s32 $0x0  }
0xba: {  	_ =	swait.ge [sflag:s5], $0x2800;
	s0 =	sand.u32 $0x40, s3;
	s22 =	sand.u32 $0x1C00, s3  }
0xbb: {  	[sflag:s5] =	ssyncset.done $0x0;
	s23 =	sadd.s32 $0x13D00, s22;
	s2 =	sor.u32 $0x30, s0  }
0xbc: {  	[sflag:s5] =	ssyncadd.s32 $0xFFFFD800;
	s6 =	sor.u32 s2, s23  }
0xbd: {  	v11 =	vld [tilespmem:s6+$0x0]  }
0xbe: {  	s7 =	sor.u32 s0, s23;
	v12 =	vld [tilespmem:s6+$0x80]  }
0xbf: {  	v13 =	vld [tilespmem:s7+$0x0]  }
0xc0: {  	v14 =	vld [tilespmem:s6+$0x100]  }
0xc1: {  	v15 =	vld [tilespmem:s7+$0x80]  }
0xc2: {  	v16 =	vld [tilespmem:s6+$0x180]  }
0xc3: {  	s11 =	sor.u32 $0x20, s0;
	v18 =	vld [tilespmem:s6+$0x200]  }
0xc4: {  	s4 =	sor.u32 s11, s23;
	v20 =	vld [tilespmem:s6+$0x280]  }
0xc5: {  	v21 =	vld [tilespmem:s4+$0x0]  }
0xc6: {  	v22 =	vld [tilespmem:s6+$0x300]  }
0xc7: {  	v23 =	vld [tilespmem:s4+$0x80]  }
0xc8: {  	s9 =	sadd.s32 $0x15100, s22;
	v10 =	vld [tilespmem:s6+$0x380]  }
0xc9: {  	s10 =	sadd.s32 $0x15180, s22;
	s24 =	sor.u32 s2, s9;
	v24 =	vld [tilespmem:s7+$0x100]  }
0xca: {  	s25 =	sor.u32 s2, s10;
	v9 =	vld [tilespmem:s24+$0x0]  }
0xcb: {  	s12 =	sadd.s32 $0x15200, s22;
	v6 =	vld [tilespmem:s25+$0x0]  }
0xcc: {  	s26 =	sor.u32 s2, s12;
	v26 =	vld [tilespmem:s4+$0x100]  }
0xcd: {  	s14 =	sadd.s32 $0x15300, s22;
	v8 =	vld [tilespmem:s26+$0x0]  }
0xce: {  	s13 =	sadd.s32 $0x15280, s22;
	s29 =	sor.u32 s2, s14;
	v27 =	vld [tilespmem:s7+$0x180]  }
0xcf: {  	s5 =	sor.u32 $0x10, s0;
	s28 =	sor.u32 s2, s13;
	v1 =	vld [tilespmem:s29+$0x0]  }
0xd0: {  	s8 =	sor.u32 s5, s23;
	v7 =	vld [tilespmem:s28+$0x0]  }
0xd1: {  	v17 =	vld [tilespmem:s8+$0x0]  }
0xd2: {  	v19 =	vld [tilespmem:s8+$0x80]  }
0xd3: {  	s15 =	sadd.s32 $0x15380, s22;
	v25 =	vld [tilespmem:s8+$0x100]  }
0xd4: {  	s30 =	sor.u32 s2, s15;
	v28 =	vld [tilespmem:s8+$0x180];
	[tilespmem:$0x1FFD0] =	vst v1  }
0xd5: {  	v1 =	vld [tilespmem:s30+$0x0];
	_ =	sdelay $0x3  }
0xd6: {  	s16 =	sadd.s32 $0x15400, s22  }
0xd7: {  	s31 =	sor.u32 s2, s16;
	v29 =	vld [tilespmem:s4+$0x180];
	[tilespmem:$0x1FFE0] =	vst v1  }
0xd8: {  	v1 =	vld [tilespmem:s31+$0x0];
	_ =	sdelay $0x4  }
0xd9: {  	s1 =	sadd.s32 $0x15480, s22;
	v30 =	vld [tilespmem:s7+$0x200];
	[tilespmem:$0x1FFF0] =	vst v1  }
0xda: {  	s17 =	sor.u32 s2, s1;
	v31 =	vld [tilespmem:s8+$0x200]  }
0xdb: {  	v1 =	vld [tilespmem:s17+$0x0]  }
0xdc: {  	v32 =	vld [tilespmem:s4+$0x200]  }
0xdd: {  	v33 =	vld [tilespmem:s7+$0x280]  }
0xde: {  	v34 =	vld [tilespmem:s8+$0x280]  }
0xdf: {  	v35 =	vld [tilespmem:s4+$0x280]  }
0xe0: {  	v36 =	vld [tilespmem:s7+$0x300]  }
0xe1: {  	v37 =	vld [tilespmem:s8+$0x300]  }
0xe2: {  	v38 =	vld [tilespmem:s4+$0x300]  }
0xe3: {  	v39 =	vld [tilespmem:s7+$0x380]  }
0xe4: {  	v40 =	vld [tilespmem:s8+$0x380]  }
0xe5: {  	s18 =	sor.u32 s0, s9;
	v41 =	vld [tilespmem:s4+$0x380]  }
0xe6: {  	s19 =	sor.u32 s5, s9;
	v42 =	vld [tilespmem:s18+$0x0]  }
0xe7: {  	s20 =	sor.u32 s11, s9;
	v43 =	vld [tilespmem:s19+$0x0]  }
0xe8: {  	s21 =	sor.u32 s0, s10;
	v44 =	vld [tilespmem:s20+$0x0]  }
0xe9: {  	s22 =	sor.u32 s5, s10;
	v45 =	vld [tilespmem:s21+$0x0]  }
0xea: {  	s23 =	sor.u32 s11, s10;
	v46 =	vld [tilespmem:s22+$0x0]  }
0xeb: {  	s24 =	sor.u32 s0, s12;
	v47 =	vld [tilespmem:s23+$0x0]  }
0xec: {  	s25 =	sor.u32 s5, s12;
	v48 =	vld [tilespmem:s24+$0x0]  }
0xed: {  	s26 =	sor.u32 s11, s12;
	v49 =	vld [tilespmem:s25+$0x0]  }
0xee: {  	s28 =	sor.u32 s0, s13;
	v50 =	vld [tilespmem:s26+$0x0]  }
0xef: {  	s29 =	sor.u32 s5, s13;
	v51 =	vld [tilespmem:s28+$0x0]  }
0xf0: {  	s30 =	sor.u32 s11, s13;
	v52 =	vld [tilespmem:s29+$0x0]  }
0xf1: {  	s31 =	sor.u32 s0, s14;
	v53 =	vld [tilespmem:s30+$0x0]  }
0xf2: {  	s9 =	sor.u32 s0, s15;
	v54 =	vld [tilespmem:s31+$0x0]  }
0xf3: {  	s10 =	sor.u32 s5, s15;
	v57 =	vld [tilespmem:s9+$0x0]  }
0xf4: {  	s12 =	sor.u32 s11, s15;
	v58 =	vld [tilespmem:s10+$0x0]  }
0xf5: {  	s13 =	sor.u32 s0, s16;
	v59 =	vld [tilespmem:s12+$0x0]  }
0xf6: {  	s15 =	sor.u32 s11, s16;
	v60 =	vld [tilespmem:s13+$0x0]  }
0xf7: {  	s0 =	sor.u32 s0, s1;
	v62 =	vld [tilespmem:s15+$0x0]  }
0xf8: {  	s7 =	sor.u32 s5, s14;
	v63 =	vld [tilespmem:s0+$0x0]  }
0xf9: {  	s8 =	sor.u32 s11, s14;
	v55 =	vld [tilespmem:s7+$0x0]  }
0xfa: {  	s14 =	sor.u32 s5, s16;
	s16 =	simm.s32 $0x200;
	s17 =	simm.s32 $0x40;
	v56 =	vld [tilespmem:s8+$0x0]  }
0xfb: {  	s19 =	sor.u32 s5, s1;
	v61 =	vld [tilespmem:s14+$0x0];
	s18 =	sand.u32 $0x40, s17;
	s4 =	sand.u32 $0x1C00, s16  }
0xfc: {  	s1 =	sor.u32 s11, s1;
	v4 =	vld [tilespmem:s19+$0x0];
	s20 =	sadd.s32 $0x13D00, s4;
	s16 =	sor.u32 $0x30, s18  }
0xfd: {  	v11 =	vadd.f32 v12, v11;
	v5 =	vld [tilespmem:s1+$0x0];
	s21 =	sor.u32 s16, s20  }
0xfe: {  	v12 =	vld [tilespmem:s21+$0x0]  }
0xff: {  	v11 =	vadd.f32 v14, v11;
	s22 =	sor.u32 s18, s20;
	v14 =	vld [tilespmem:s21+$0x80]  }
0x100: {  	v3 =	vld [tilespmem:s22+$0x0]  }
0x101: {  	v11 =	vadd.f32 v16, v11;
	v16 =	vld [tilespmem:s21+$0x100]  }
0x102: {  	v2 =	vld [tilespmem:s21+$0x180]  }
0x103: {  	v11 =	vadd.f32 v18, v11;
	v18 =	vld [tilespmem:s21+$0x200]  }
0x104: {  	v13 =	vadd.f32 v15, v13;
	v15 =	vld [tilespmem:s21+$0x280]  }
0x105: {  	v17 =	vadd.f32 v19, v17;
	v11 =	vadd.f32 v20, v11;
	s23 =	sadd.s32 $0x15100, s4;
	v19 =	vld [tilespmem:s21+$0x300]  }
0x106: {  	v13 =	vadd.f32 v24, v13;
	v20 =	vadd.f32 v23, v21;
	s6 =	sadd.s32 $0x15180, s4;
	s25 =	sor.u32 s16, s23;
	v21 =	vld [tilespmem:s21+$0x380]  }
0x107: {  	v17 =	vadd.f32 v25, v17;
	v11 =	vadd.f32 v22, v11;
	s8 =	sadd.s32 $0x15200, s4;
	s26 =	sor.u32 s16, s6;
	v22 =	vld [tilespmem:s25+$0x0]  }
0x108: {  	v13 =	vadd.f32 v27, v13;
	s7 =	sadd.s32 $0x15280, s4;
	s28 =	sor.u32 s16, s8;
	v23 =	vld [tilespmem:s26+$0x0]  }
0x109: {  	v10 =	vadd.f32 v10, v11;
	v11 =	vadd.f32 v28, v17;
	s24 =	sadd.s32 $0x15380, s4;
	s29 =	sor.u32 s16, s7;
	v17 =	vld [tilespmem:s28+$0x0]  }
0x10a: {  	v30 =	vadd.f32 v30, v13;
	s31 =	sor.u32 s16, s24;
	v13 =	vld [tilespmem:s29+$0x0]  }
0x10b: {  	v20 =	vadd.f32 v26, v20;
	v9 =	vadd.f32 v9, v10;
	s19 =	sor.u32 $0x10, s18;
	v10 =	vld [tilespmem:s31+$0x0]  }
0x10c: {  	s13 =	sor.u32 s19, s20;
	v26 =	vld [tilespmem:s22+$0x80]  }
0x10d: {  	v20 =	vadd.f32 v29, v20;
	v27 =	vld [tilespmem:s13+$0x0]  }
0x10e: {  	s15 =	sadd.s32 $0x15400, s4;
	v28 =	vld [tilespmem:s22+$0x100];
	v31 =	vadd.f32 v31, v11  }
0x10f: {  	s14 =	sadd.s32 $0x15480, s4;
	s12 =	sor.u32 s16, s15;
	v29 =	vld [tilespmem:s13+$0x100];
	v20 =	vadd.f32 v32, v20;
	v24 =	vadd.f32 v33, v30  }
0x110: {  	s25 =	sadd.s32 $0x15300, s4;
	s4 =	sor.u32 s16, s14;
	v33 =	vadd.f32 v6, v9;
	v9 =	vld [tilespmem:s12+$0x0];
	v25 =	vadd.f32 v34, v31  }
0x111: {  	v6 =	vld [tilespmem:s4+$0x0];
	v20 =	vadd.f32 v35, v20;
	v24 =	vadd.f32 v36, v24  }
0x112: {  	v30 =	vld [tilespmem:s22+$0x180];
	v8 =	vadd.f32 v8, v33;
	v25 =	vadd.f32 v37, v25  }
0x113: {  	s30 =	sor.u32 s16, s25;
	v32 =	vld [tilespmem:s22+$0x200];
	v20 =	vadd.f32 v38, v20;
	v24 =	vadd.f32 v39, v24  }
0x114: {  	v11 =	vld [tilespmem:s30+$0x0];
	v7 =	vadd.f32 v7, v8;
	v8 =	vadd.f32 v40, v25  }
0x115: {  	v31 =	vld [tilespmem:s13+$0x180];
	v20 =	vadd.f32 v41, v20;
	v24 =	vadd.f32 v42, v24  }
0x116: {  	v33 =	vld [tilespmem:s13+$0x200];
	v12 =	vadd.f32 v14, v12;
	v8 =	vadd.f32 v43, v8  }
0x117: {  	v34 =	vld [tilespmem:s22+$0x280];
	v20 =	vadd.f32 v44, v20;
	v24 =	vadd.f32 v45, v24  }
0x118: {  	v35 =	vld [tilespmem:s13+$0x280];
	v3 =	vadd.f32 v26, v3;
	v8 =	vadd.f32 v46, v8  }
0x119: {  	v36 =	vld [tilespmem:s22+$0x300];
	v20 =	vadd.f32 v47, v20;
	v24 =	vadd.f32 v48, v24  }
0x11a: {  	v14 =	vld [tilespmem:s22+$0x380];
	v12 =	vadd.f32 v16, v12;
	v8 =	vadd.f32 v49, v8  }
0x11b: {  	v38 =	vld [tilespmem:s13+$0x380];
	v20 =	vadd.f32 v50, v20;
	v24 =	vadd.f32 v51, v24  }
0x11c: {  	v25 =	vld [tilespmem:s13+$0x80];
	v3 =	vadd.f32 v28, v3;
	v8 =	vadd.f32 v52, v8  }
0x11d: {  	s4 =	sor.u32 $0x20, s18;
	v42 =	vld [tilespmem:$0x1FFD0];
	v20 =	vadd.f32 v53, v20;
	v24 =	vadd.f32 v54, v24  }
0x11e: {  	s0 =	sor.u32 s4, s20;
	v45 =	vld [tilespmem:$0x1FFE0];
	v2 =	vadd.f32 v2, v12;
	v8 =	vadd.f32 v55, v8  }
0x11f: {  	v43 =	vld [tilespmem:s0+$0x200];
	v20 =	vadd.f32 v56, v20;
	v24 =	vadd.f32 v57, v24  }
0x120: {  	v3 =	vadd.f32 v30, v3;
	v48 =	vld [tilespmem:$0x1FFF0];
	v8 =	vadd.f32 v58, v8  }
0x121: {  	v58 =	vadd.f32 v59, v20;
	v59 =	vadd.f32 v60, v24;
	v60 =	vld [tilespmem:s0+$0x0]  }
0x122: {  	v2 =	vadd.f32 v18, v2;
	v8 =	vadd.f32 v61, v8;
	v61 =	vld [tilespmem:s0+$0x80]  }
0x123: {  	v46 =	vld [tilespmem:s0+$0x300];
	v3 =	vadd.f32 v32, v3;
	v7 =	vadd.f32 v42, v7  }
0x124: {  	v42 =	vld [tilespmem:s0+$0x100];
	v44 =	vadd.f32 v25, v27;
	v2 =	vadd.f32 v15, v2  }
0x125: {  	v47 =	vld [tilespmem:s0+$0x380];
	v3 =	vadd.f32 v34, v3;
	v7 =	vadd.f32 v45, v7  }
0x126: {  	s21 =	sor.u32 s19, s23;
	v18 =	vadd.f32 v29, v44;
	v4 =	vadd.f32 v4, v8;
	v8 =	vld [tilespmem:s0+$0x180]  }
0x127: {  	s22 =	sor.u32 s4, s23;
	v49 =	vld [tilespmem:s21+$0x0];
	v2 =	vadd.f32 v19, v2;
	v12 =	vadd.f32 v61, v60  }
0x128: {  	s20 =	sor.u32 s18, s23;
	s23 =	sor.u32 s18, s6;
	v50 =	vld [tilespmem:s22+$0x0];
	v3 =	vadd.f32 v36, v3;
	v7 =	vadd.f32 v48, v7  }
0x129: {  	v51 =	vld [tilespmem:s23+$0x0];
	v18 =	vadd.f32 v31, v18;
	v12 =	vadd.f32 v42, v12  }
0x12a: {  	v45 =	vld [tilespmem:s0+$0x280];
	v2 =	vadd.f32 v21, v2;
	v3 =	vadd.f32 v14, v3  }
0x12b: {  	s26 =	sor.u32 s19, s6;
	v57 =	vld [tilespmem:s13+$0x300];
	v7 =	vadd.f32 v1, v7;
	v8 =	vadd.f32 v8, v12  }
0x12c: {  	s28 =	sor.u32 s4, s6;
	v52 =	vld [tilespmem:s26+$0x0];
	v18 =	vadd.f32 v33, v18;
	v2 =	vadd.f32 v22, v2  }
0x12d: {  	v54 =	vld [tilespmem:s28+$0x0];
	v16 =	vadd.f32 v62, v58;
	v8 =	vadd.f32 v43, v8  }
0x12e: {  	s29 =	sor.u32 s18, s8;
	v48 =	vld [tilespmem:s20+$0x0];
	v53 =	vadd.f32 v35, v18;
	v2 =	vadd.f32 v23, v2  }
0x12f: {  	s30 =	sor.u32 s19, s8;
	v55 =	vld [tilespmem:s29+$0x0];
	v5 =	vadd.f32 v5, v16;
	v8 =	vadd.f32 v45, v8  }
0x130: {  	s1 =	sor.u32 s18, s7;
	v56 =	vld [tilespmem:s30+$0x0];
	v2 =	vadd.f32 v17, v2;
	v16 =	vadd.f32 v57, v53  }
0x131: {  	s6 =	sor.u32 s19, s7;
	v20 =	vadd.f32 v63, v59;
	v58 =	vld [tilespmem:s1+$0x0];
	v8 =	vadd.f32 v46, v8  }
0x132: {  	s10 =	sor.u32 s19, s25;
	v59 =	vld [tilespmem:s6+$0x0];
	v2 =	vadd.f32 v13, v2;
	v16 =	vadd.f32 v38, v16  }
0x133: {  	s31 =	sor.u32 s4, s8;
	v3 =	vadd.f32 v48, v3;
	v62 =	vld [tilespmem:s10+$0x0];
	v8 =	vadd.f32 v47, v8  }
0x134: {  	s7 =	sor.u32 s4, s7;
	v57 =	vld [tilespmem:s31+$0x0];
	v2 =	vadd.f32 v11, v2;
	v11 =	vadd.f32 v49, v16  }
0x135: {  	s9 =	sand.u32 $0x380, s3;
	s8 =	sor.u32 s18, s25;
	v3 =	vadd.f32 v51, v3;
	v60 =	vld [tilespmem:s7+$0x0];
	v8 =	vadd.f32 v50, v8  }
0x136: {  	s12 =	sadd.s32 $0x19980, s9;
	s22 =	sor.u32 s18, s24;
	v61 =	vld [tilespmem:s8+$0x0];
	v2 =	vadd.f32 v10, v2;
	v10 =	vadd.f32 v52, v11  }
0x137: {  	s21 =	sor.u32 s11, s12;
	s13 =	sor.u32 s4, s25;
	v63 =	vld [tilespmem:s22+$0x0];
	s0 =	sor.u32 s2, s12;
	v3 =	vadd.f32 v55, v3;
	v8 =	vadd.f32 v54, v8  }
0x138: {  	s23 =	sor.u32 s19, s24;
	s26 =	sor.u32 s18, s15;
	s20 =	sor.u32 s5, s12;
	[tilespmem:s0+$0x0] =	vst v7;
	v11 =	vld [tilespmem:s13+$0x0];
	v9 =	vadd.f32 v9, v2;
	v10 =	vadd.f32 v56, v10  }
0x139: {  	s11 =	simm.s32 $0x80;
	s28 =	sor.u32 s19, s15;
	s5 =	simm.s32 $0x400;
	[tilespmem:s20+$0x0] =	vst v4;
	v4 =	vld [tilespmem:s26+$0x0];
	v7 =	vadd.f32 v57, v8;
	v8 =	vadd.f32 v58, v3  }
0x13a: {  	s25 =	sor.u32 s4, s24;
	s29 =	sor.u32 s4, s15;
	s30 =	sand.u32 $0x380, s17;
	v6 =	vadd.f32 v6, v9;
	v9 =	vadd.f32 v59, v10;
	v3 =	vld [tilespmem:s23+$0x0]  }
0x13b: {  	s3 =	sadd.s32 $0x19980, s30;
	s10 =	sor.u32 s18, s14;
	s2 =	simm.s32 $0x19980;
	[tilespmem:s21+$0x0] =	vst v5;
	v5 =	vld [tilespmem:s28+$0x0];
	v7 =	vadd.f32 v60, v7;
	v10 =	vadd.f32 v61, v8  }
0x13c: {  	s12 =	sor.u32 s4, s14;
	s31 =	sor.u32 s16, s3;
	[tilespmem:s2+$0x0] =	vst v20;
	s8 =	sor.u32 s19, s3;
	v2 =	vld [tilespmem:s25+$0x0];
	v9 =	vadd.f32 v62, v9  }
0x13d: {  	s13 =	sor.u32 s19, s14;
	s19 =	sor.u32 s4, s3;
	s3 =	simm.s32 $0x4;
	[tilespmem:s31+$0x0] =	vst v6;
	v6 =	vld [tilespmem:s29+$0x0];
	v8 =	vadd.f32 v11, v7;
	v7 =	vadd.f32 v63, v10  }
.LBB2_8:
0x13e: {  	s24 =	sand.u32 $0x40, s11;
	s6 =	sand.u32 $0x1C00, s5;
	v10 =	vld [tilespmem:s10+$0x0]  }
0x13f: {  	s0 =	sadd.s32 $0x13D00, s6;
	s14 =	sor.u32 $0x30, s24;
	v3 =	vadd.f32 v3, v9;
	v9 =	vld [tilespmem:s13+$0x0]  }
0x140: {  	s1 =	sor.u32 s14, s0;
	v4 =	vadd.f32 v4, v7;
	v7 =	vld [tilespmem:s12+$0x0]  }
0x141: {  	v2 =	vadd.f32 v2, v8;
	v8 =	vld [tilespmem:s1+$0x0]  }
0x142: {  	s17 =	sor.u32 s24, s0;
	v3 =	vadd.f32 v5, v3;
	v5 =	vld [tilespmem:s1+$0x80]  }
0x143: {  	v2 =	vadd.f32 v6, v2;
	v6 =	vld [tilespmem:s17+$0x0]  }
0x144: {  	v4 =	vadd.f32 v10, v4;
	v10 =	vld [tilespmem:s1+$0x100]  }
0x145: {  	s2 =	sadd.s32 $0x40, s2;
	v3 =	vadd.f32 v9, v3;
	v9 =	vld [tilespmem:s17+$0x80];
	v2 =	vadd.f32 v7, v2  }
0x146: {  	[tilespmem:s2+$0x0] =	vst v4;
	v4 =	vld [tilespmem:s1+$0x180]  }
0x147: {  	s18 =	sor.u32 $0x10, s24;
	[tilespmem:s19+$0x0] =	vst v2;
	v2 =	vld [tilespmem:s1+$0x200]  }
0x148: {  	s15 =	sor.u32 s18, s0;
	[tilespmem:s8+$0x0] =	vst v3;
	v5 =	vadd.f32 v5, v8;
	v8 =	vld [tilespmem:s1+$0x280]  }
0x149: {  	v3 =	vld [tilespmem:s15+$0x0]  }
0x14a: {  	s7 =	sor.u32 $0x20, s24;
	v7 =	vld [tilespmem:s15+$0x80]  }
0x14b: {  	s16 =	sor.u32 s7, s0;
	v11 =	vld [tilespmem:s15+$0x100];
	v5 =	vadd.f32 v10, v5  }
0x14c: {  	v10 =	vld [tilespmem:s16+$0x80]  }
0x14d: {  	v6 =	vadd.f32 v9, v6;
	v9 =	vld [tilespmem:s16+$0x0];
	v4 =	vadd.f32 v4, v5  }
0x14e: {  	v5 =	vld [tilespmem:s1+$0x300]  }
0x14f: {  	s22 =	sadd.s32 $0x15100, s6;
	v2 =	vadd.f32 v2, v4;
	v4 =	vld [tilespmem:s1+$0x380]  }
0x150: {  	s26 =	sor.u32 s14, s22;
	v3 =	vadd.f32 v7, v3;
	v7 =	vld [tilespmem:s17+$0x100]  }
0x151: {  	s4 =	sadd.s32 $0x15180, s6;
	v2 =	vadd.f32 v8, v2;
	v8 =	vld [tilespmem:s26+$0x0]  }
0x152: {  	s30 =	sor.u32 s14, s4;
	v3 =	vadd.f32 v11, v3;
	v11 =	vld [tilespmem:s15+$0x180]  }
0x153: {  	v2 =	vadd.f32 v5, v2;
	v5 =	vadd.f32 v10, v9;
	v9 =	vld [tilespmem:s30+$0x0]  }
0x154: {  	s31 =	sadd.s32 $0x15200, s6;
	v10 =	vld [tilespmem:s16+$0x100]  }
0x155: {  	s9 =	sadd.s32 $0x15280, s6;
	s23 =	sor.u32 s24, s22;
	s8 =	sor.u32 s14, s31;
	v2 =	vadd.f32 v4, v2;
	v4 =	vadd.f32 v7, v6;
	v7 =	vld [tilespmem:s17+$0x180]  }
0x156: {  	s25 =	sor.u32 s18, s22;
	s28 =	sor.u32 s24, s4;
	[dreg:$0x12] =	wrdreg s23;
	v6 =	vld [tilespmem:s8+$0x0]  }
0x157: {  	s10 =	sor.u32 s14, s9;
	[dreg:$0x8] =	wrdreg s25;
	s12 =	sadd.s32 $0x15300, s6;
	v3 =	vadd.f32 v11, v3;
	v11 =	vld [tilespmem:s15+$0x200];
	v2 =	vadd.f32 v8, v2  }
0x158: {  	s29 =	sor.u32 s18, s4;
	[dreg:$0x13] =	wrdreg s28;
	s13 =	sor.u32 s14, s12;
	v8 =	vld [tilespmem:s10+$0x0]  }
0x159: {  	s0 =	sor.u32 s7, s22;
	s22 =	sor.u32 s18, s9;
	[dreg:$0xd] =	wrdreg s29;
	v2 =	vadd.f32 v9, v2;
	v9 =	vld [tilespmem:s13+$0x0]  }
0x15a: {  	s25 =	sor.u32 s7, s4;
	s23 =	sor.u32 s24, s31;
	s19 =	sadd.s32 $0x15380, s6;
	v4 =	vadd.f32 v7, v4;
	v7 =	vld [tilespmem:s17+$0x200]  }
0x15b: {  	s4 =	sor.u32 s18, s31;
	s28 =	sor.u32 s24, s9;
	s8 =	sor.u32 s14, s19;
	v5 =	vadd.f32 v10, v5;
	v10 =	vld [tilespmem:s16+$0x180];
	v2 =	vadd.f32 v6, v2  }
0x15c: {  	s29 =	sor.u32 s18, s12;
	s20 =	sor.u32 s7, s12;
	s10 =	sadd.s32 $0x15400, s6;
	v6 =	vld [tilespmem:s8+$0x0]  }
0x15d: {  	s21 =	sor.u32 s18, s19;
	s1 =	sor.u32 s7, s19;
	s13 =	sor.u32 s14, s10;
	v3 =	vadd.f32 v11, v3;
	v11 =	vld [tilespmem:s17+$0x300];
	v2 =	vadd.f32 v8, v2  }
0x15e: {  	s26 =	sor.u32 s7, s31;
	s31 =	sor.u32 s24, s12;
	s12 =	sadd.s32 $0x15480, s6;
	v8 =	vld [tilespmem:s13+$0x0]  }
0x15f: {  	s30 =	sor.u32 s7, s9;
	s9 =	sor.u32 s24, s19;
	s19 =	sor.u32 s14, s12;
	v2 =	vadd.f32 v9, v2;
	v4 =	vadd.f32 v7, v4;
	v7 =	vld [tilespmem:s15+$0x280]  }
0x160: {  	v9 =	vld [tilespmem:s19+$0x0]  }
0x161: {  	v2 =	vadd.f32 v6, v2;
	v6 =	vld [tilespmem:s17+$0x280]  }
0x162: {  	v5 =	vadd.f32 v10, v5;
	v10 =	vld [tilespmem:s16+$0x200]  }
0x163: {  	[dreg:$0xe] =	wrdreg s0;
	v2 =	vadd.f32 v8, v2;
	v8 =	vld [tilespmem:s16+$0x280]  }
0x164: {  	[dreg:$0x14] =	wrdreg s4;
	s0 =	sor.u32 s24, s10;
	s4 =	sor.u32 s18, s10;
	v3 =	vadd.f32 v7, v3;
	v7 =	vld [tilespmem:s15+$0x380]  }
0x165: {  	s6 =	sor.u32 s7, s10;
	s10 =	sor.u32 s24, s12;
	s24 =	sand.u32 $0x380, s11;
	v2 =	vadd.f32 v9, v2;
	v9 =	vld [tilespmem:s15+$0x300]  }
0x166: {  	s24 =	sadd.s32 $0x19980, s24;
	s15 =	rddreg [dreg:$0x12];
	v4 =	vadd.f32 v6, v4;
	v6 =	vld [tilespmem:s16+$0x300]  }
0x167: {  	s14 =	sor.u32 s14, s24;
	v5 =	vadd.f32 v10, v5;
	v10 =	vld [tilespmem:s15+$0x0]  }
0x168: {  	[tilespmem:s14+$0x0] =	vst v2;
	v2 =	vld [tilespmem:s17+$0x380]  }
0x169: {  	v5 =	vadd.f32 v8, v5;
	v8 =	vld [tilespmem:s16+$0x380]  }
0x16a: {  	v4 =	vadd.f32 v11, v4;
	s16 =	rddreg [dreg:$0x8];
	v11 =	vld [tilespmem:s9+$0x0]  }
0x16b: {  	s8 =	sor.u32 s18, s24;
	s13 =	sor.u32 s18, s12;
	s18 =	rddreg [dreg:$0x13];
	v3 =	vadd.f32 v9, v3;
	v9 =	vld [tilespmem:s16+$0x0]  }
0x16c: {  	s17 =	rddreg [dreg:$0xe];
	v5 =	vadd.f32 v6, v5;
	v6 =	vld [tilespmem:s18+$0x0]  }
0x16d: {  	s19 =	sor.u32 s7, s24;
	s24 =	rddreg [dreg:$0xd];
	v2 =	vadd.f32 v2, v4;
	v4 =	vld [tilespmem:s17+$0x0]  }
0x16e: {  	v3 =	vadd.f32 v7, v3;
	v7 =	vld [tilespmem:s24+$0x0]  }
0x16f: {  	v5 =	vadd.f32 v8, v5;
	v8 =	vld [tilespmem:s25+$0x0]  }
0x170: {  	s25 =	rddreg [dreg:$0x14];
	v2 =	vadd.f32 v10, v2;
	v10 =	vld [tilespmem:s23+$0x0]  }
0x171: {  	v3 =	vadd.f32 v9, v3;
	v9 =	vld [tilespmem:s25+$0x0]  }
0x172: {  	v2 =	vadd.f32 v6, v2;
	v6 =	vld [tilespmem:s28+$0x0]  }
0x173: {  	v4 =	vadd.f32 v4, v5;
	v5 =	vld [tilespmem:s26+$0x0]  }
0x174: {  	v3 =	vadd.f32 v7, v3;
	v7 =	vld [tilespmem:s22+$0x0]  }
0x175: {  	v2 =	vadd.f32 v10, v2;
	v10 =	vld [tilespmem:s31+$0x0]  }
0x176: {  	v4 =	vadd.f32 v8, v4;
	v8 =	vld [tilespmem:s30+$0x0]  }
0x177: {  	s3 =	sadd.s32 $0x4, s3;
	v3 =	vadd.f32 v9, v3;
	v9 =	vld [tilespmem:s29+$0x0]  }
0x178: {  	p0 =	slt.u32 s3, $0x24;
	v2 =	vadd.f32 v6, v2;
	v6 =	vld [tilespmem:s20+$0x0]  }
.Ltmp3:
0x179: {  	v4 =	vadd.f32 v5, v4;
	v5 =	vadd.f32 v7, v3;
	v3 =	vld [tilespmem:s21+$0x0];
	(pc) =	sbr.rel @p0 .LBB2_8-.Ltmp3, $4  }
0x17a: {  	v10 =	vadd.f32 v10, v2;
	v2 =	vld [tilespmem:s1+$0x0]  }
0x17b: {  	v7 =	vadd.f32 v8, v4;
	v4 =	vld [tilespmem:s0+$0x0]  }
0x17c: {  	v9 =	vadd.f32 v9, v5;
	v5 =	vld [tilespmem:s4+$0x0]  }
0x17d: {  	s5 =	sadd.s32 $0x200, s5;
	s11 =	sadd.s32 $0x40, s11;
	s12 =	sor.u32 s7, s12;
	v8 =	vadd.f32 v6, v7;
	v7 =	vadd.f32 v11, v10;
	v6 =	vld [tilespmem:s6+$0x0]  }
0x17e: {  	v10 =	vld [tilespmem:s10+$0x0]  }
0x17f: {  	v11 =	vld [tilespmem:s13+$0x0]  }
0x180: {  	v3 =	vadd.f32 v3, v9;
	v9 =	vld [tilespmem:s12+$0x0]  }
0x181: {  	v2 =	vadd.f32 v2, v8;
	v4 =	vadd.f32 v4, v7  }
0x182: {  	v3 =	vadd.f32 v5, v3  }
0x183: {  	v2 =	vadd.f32 v6, v2;
	v4 =	vadd.f32 v10, v4  }
0x184: {  	s0 =	sadd.s32 $0x40, s2;
	v3 =	vadd.f32 v11, v3  }
0x185: {  	v2 =	vadd.f32 v9, v2;
	[tilespmem:s0+$0x0] =	vst v4  }
0x186: {  	[tilespmem:s8+$0x0] =	vst v3  }
0x187: {  	s5 =	simm.s32 $0x0;
	[tilespmem:s19+$0x0] =	vst v2  }
0x188: {  	v2 =	vld [tilespmem:s5+$0x19980];
	_ =	sdelay $0x3  }
0x189: {  	s2 =	simm.s32 $0x10  }
0x18a: {  	v3 =	vld [tilespmem:s2+$0x19980];
	v2 =	vadd.f32 $1.000000000e+00, v2;
	_ =	sdelay $0x1  }
0x18b: {  	v4 =	vshrl.u32 v2, $0x1;
	v6 =	vmul.f32 $5.000000000e-01, v2  }
0x18c: {  	s3 =	simm.s32 $0x20;
	v2 =	vsub.s32 $0x5F3759DF, v4  }
0x18d: {  	v5 =	vld [tilespmem:s3+$0x19980];
	v4 =	vmul.f32 v2, v6  }
0x18e: {  	v3 =	vadd.f32 $1.000000000e+00, v3  }
0x18f: {  	v4 =	vmul.f32 v2, v4  }
0x190: {  	v7 =	vshrl.u32 v3, $0x1;
	v10 =	vmul.f32 $5.000000000e-01, v3  }
0x191: {  	s11 =	simm.s32 $0x30;
	v3 =	vsub.s32 $0x5F3759DF, v7;
	v4 =	vsub.f32 $1.500000000e+00, v4  }
0x192: {  	v8 =	vld [tilespmem:s11+$0x19980];
	v5 =	vadd.f32 $1.000000000e+00, v5;
	v7 =	vmul.f32 v3, v10  }
0x193: {  	v9 =	vmul.f32 v2, v4  }
0x194: {  	s16 =	simm.s32 $0x40;
	v2 =	vmul.f32 v3, v7;
	v7 =	vshrl.u32 v5, $0x1;
	v4 =	vmul.f32 $5.000000000e-01, v5  }
0x195: {  	v11 =	vld [tilespmem:s16+$0x19980];
	v5 =	vsub.s32 $0x5F3759DF, v7;
	v7 =	vmul.f32 v9, v6  }
0x196: {  	v12 =	vmul.f32 v5, v4;
	v2 =	vsub.f32 $1.500000000e+00, v2  }
0x197: {  	v8 =	vadd.f32 $1.000000000e+00, v8;
	v7 =	vmul.f32 v7, v9  }
0x198: {  	v12 =	vmul.f32 v5, v12;
	v13 =	vmul.f32 v3, v2  }
0x199: {  	v3 =	vshrl.u32 v8, $0x1;
	v2 =	vmul.f32 $5.000000000e-01, v8;
	v7 =	vsub.f32 $1.500000000e+00, v7  }
0x19a: {  	s17 =	simm.s32 $0x50;
	v11 =	vadd.f32 $1.000000000e+00, v11;
	v8 =	vsub.s32 $0x5F3759DF, v3;
	v3 =	vmul.f32 v13, v10  }
0x19b: {  	v14 =	vmul.f32 v8, v2;
	v12 =	vsub.f32 $1.500000000e+00, v12;
	v9 =	vmul.f32 v7, v9;
	v7 =	vld [tilespmem:s17+$0x19980]  }
0x19c: {  	v16 =	vshrl.u32 v11, $0x1;
	v15 =	vmul.f32 v3, v13;
	v3 =	vmul.f32 $5.000000000e-01, v11  }
0x19d: {  	v16 =	vsub.s32 $0x5F3759DF, v16;
	v11 =	vmul.f32 v5, v12;
	v5 =	vmul.f32 v9, v6  }
0x19e: {  	v12 =	vmul.f32 v8, v14;
	v14 =	vmul.f32 v16, v3  }
0x19f: {  	v15 =	vsub.f32 $1.500000000e+00, v15;
	v17 =	vmul.f32 v11, v4;
	v5 =	vmul.f32 v5, v9  }
0x1a0: {  	s18 =	simm.s32 $0x60;
	v12 =	vsub.f32 $1.500000000e+00, v12;
	v18 =	vmul.f32 v16, v14;
	v7 =	vadd.f32 $1.000000000e+00, v7  }
0x1a1: {  	v14 =	vmul.f32 v17, v11;
	v15 =	vmul.f32 v15, v13;
	v13 =	vld [tilespmem:s18+$0x19980];
	v17 =	vsub.f32 $1.500000000e+00, v5  }
0x1a2: {  	v19 =	vshrl.u32 v7, $0x1;
	v5 =	vmul.f32 $5.000000000e-01, v7;
	v7 =	vmul.f32 v8, v12  }
0x1a3: {  	v12 =	vmul.f32 v15, v10;
	v8 =	vsub.s32 $0x5F3759DF, v19;
	v21 =	vmul.f32 v17, v9  }
0x1a4: {  	v19 =	vsub.f32 $1.500000000e+00, v14;
	v9 =	vmul.f32 v8, v5;
	v17 =	vmul.f32 v7, v2  }
0x1a5: {  	v12 =	vmul.f32 v12, v15;
	v6 =	vmul.f32 v21, v6  }
0x1a6: {  	v11 =	vmul.f32 v19, v11;
	v14 =	vmul.f32 v8, v9;
	v9 =	vadd.f32 $1.000000000e+00, v13  }
0x1a7: {  	s14 =	simm.s32 $0x70;
	v17 =	vmul.f32 v17, v7;
	v13 =	vsub.f32 $1.500000000e+00, v18;
	v19 =	vmul.f32 v6, v21  }
0x1a8: {  	v20 =	vld [tilespmem:s14+$0x19980];
	v18 =	vshrl.u32 v9, $0x1;
	v6 =	vmul.f32 $5.000000000e-01, v9;
	v9 =	vsub.f32 $1.500000000e+00, v12  }
0x1a9: {  	v13 =	vmul.f32 v16, v13;
	v16 =	vmul.f32 v11, v4;
	v12 =	vsub.s32 $0x5F3759DF, v18  }
0x1aa: {  	v22 =	vmul.f32 v12, v6;
	v9 =	vmul.f32 v9, v15  }
0x1ab: {  	v23 =	vsub.f32 $1.500000000e+00, v19;
	v15 =	vmul.f32 v13, v3;
	v18 =	vmul.f32 v16, v11  }
0x1ac: {  	v17 =	vsub.f32 $1.500000000e+00, v17;
	v19 =	vmul.f32 v12, v22;
	v16 =	vmul.f32 v9, v10  }
0x1ad: {  	s6 =	simm.s32 $0x9D00;
	s7 =	simm.s32 $0xC500;
	s0 =	simm.s32 $0x200;
	v20 =	vadd.f32 $1.000000000e+00, v20;
	v15 =	vmul.f32 v15, v13;
	v10 =	vmul.f32 v23, v21  }
.LBB2_10:
0x1ae: {  	s1 =	sshra.s32 s0, $0x2;
	p0 =	sne.s32 s0, $0x9C0;
	s0 =	sadd.s32 $0x40, s0;
	v21 =	vsub.f32 $1.500000000e+00, v14;
	v22 =	vmul.f32 v17, v7;
	v16 =	vmul.f32 v16, v9;
	v7 =	vmovc v13;
	v23 =	vmovc v9  }
0x1af: {  	v18 =	vsub.f32 $1.500000000e+00, v18;
	v14 =	vmovc v19;
	v24 =	vld [tilespmem:s1+$0x19980];
	v9 =	vshrl.u32 v20, $0x1;
	v25 =	vmul.f32 $5.000000000e-01, v20;
	[tilespmem:s5+$0x19700] =	vst v10;
	s5 =	smov.u32 s2;
	s2 =	smov.u32 s3;
	s3 =	smov.u32 s11  }
.Ltmp4:
0x1b0: {  	s11 =	smov.u32 s16;
	s16 =	smov.u32 s17;
	v13 =	vmul.f32 v8, v21;
	v10 =	vmul.f32 v22, v2;
	v8 =	vmovc v12;
	v12 =	vsub.s32 $0x5F3759DF, v9;
	(pc) =	sbr.rel @p0 .LBB2_10-.Ltmp4, $4  }
0x1b1: {  	v17 =	vsub.f32 $1.500000000e+00, v15;
	s17 =	smov.u32 s18;
	s18 =	smov.u32 s14;
	s14 =	smov.u32 s1;
	v9 =	vmul.f32 v18, v11;
	v11 =	vmovc v22;
	v19 =	vmul.f32 v12, v25  }
0x1b2: {  	v15 =	vmul.f32 v13, v5;
	v18 =	vmul.f32 v10, v11;
	v10 =	vsub.f32 $1.500000000e+00, v16  }
0x1b3: {  	v16 =	vmul.f32 v9, v4;
	v4 =	vmovc v2;
	v2 =	vmovc v3;
	v3 =	vmov v5;
	v19 =	vmul.f32 v12, v19  }
0x1b4: {  	v5 =	vmovc v6;
	v6 =	vmovc v25;
	v20 =	vadd.f32 $1.000000000e+00, v24;
	v15 =	vmul.f32 v15, v13;
	v10 =	vmul.f32 v10, v23  }
0x1b5: {  	_ = 	snop  }
0x1b6: {  	v21 =	vshrl.u32 v20, $0x1;
	v41 =	vmul.f32 $5.000000000e-01, v20  }
0x1b7: {  	v21 =	vsub.s32 $0x5F3759DF, v21  }
0x1b8: {  	v22 =	vmul.f32 v21, v41;
	_ =	sdelay $0x1  }
0x1b9: {  	v14 =	vsub.f32 $1.500000000e+00, v14;
	v22 =	vmul.f32 v21, v22  }
0x1ba: {  	v18 =	vsub.f32 $1.500000000e+00, v18;
	v42 =	vsub.f32 $1.500000000e+00, v19  }
0x1bb: {  	v7 =	vmul.f32 v17, v7;
	v8 =	vmul.f32 v8, v14;
	v43 =	vsub.f32 $1.500000000e+00, v22  }
0x1bc: {  	v11 =	vmul.f32 v18, v11;
	v12 =	vmul.f32 v12, v42  }
0x1bd: {  	v44 =	vmul.f32 v8, v5;
	v17 =	vmul.f32 v21, v43  }
0x1be: {  	v15 =	vsub.f32 $1.500000000e+00, v15;
	v45 =	vmul.f32 v7, v2;
	v46 =	vmul.f32 v12, v6  }
0x1bf: {  	v18 =	vmul.f32 v44, v8;
	v47 =	vmul.f32 v17, v41  }
0x1c0: {  	v13 =	vmul.f32 v15, v13;
	v19 =	vmul.f32 v46, v12  }
0x1c1: {  	v16 =	vmul.f32 v16, v9;
	v18 =	vsub.f32 $1.500000000e+00, v18;
	v15 =	vmul.f32 v47, v17  }
0x1c2: {  	v14 =	vmul.f32 v45, v7;
	v48 =	vmul.f32 v13, v3;
	v19 =	vsub.f32 $1.500000000e+00, v19  }
0x1c3: {  	v4 =	vmul.f32 v11, v4;
	v8 =	vmul.f32 v18, v8;
	v15 =	vsub.f32 $1.500000000e+00, v15  }
0x1c4: {  	v14 =	vsub.f32 $1.500000000e+00, v14;
	v50 =	vmul.f32 v48, v13;
	v12 =	vmul.f32 v19, v12  }
0x1c5: {  	v49 =	vmul.f32 v8, v5;
	v15 =	vmul.f32 v15, v17  }
0x1c6: {  	v16 =	vsub.f32 $1.500000000e+00, v16;
	v7 =	vmul.f32 v14, v7;
	v51 =	vmul.f32 v12, v6  }
0x1c7: {  	v14 =	vmul.f32 v49, v8;
	v52 =	vmul.f32 v15, v41  }
0x1c8: {  	v53 =	vmul.f32 v16, v9;
	v54 =	vsub.f32 $1.500000000e+00, v50;
	v55 =	vmul.f32 v51, v12  }
0x1c9: {  	v2 =	vmul.f32 v7, v2;
	v14 =	vsub.f32 $1.500000000e+00, v14;
	v56 =	vmul.f32 v52, v15  }
0x1ca: {  	v4 =	vmul.f32 v4, v11;
	v13 =	vmul.f32 v54, v13;
	v57 =	vsub.f32 $1.500000000e+00, v55  }
0x1cb: {  	v2 =	vmul.f32 v2, v7;
	v8 =	vmul.f32 v14, v8;
	v58 =	vsub.f32 $1.500000000e+00, v56  }
0x1cc: {  	v3 =	vmul.f32 v13, v3;
	v12 =	vmul.f32 v57, v12  }
0x1cd: {  	v59 =	vmul.f32 v8, v5;
	v14 =	vmul.f32 v58, v15  }
0x1ce: {  	v4 =	vsub.f32 $1.500000000e+00, v4;
	v3 =	vmul.f32 v3, v13;
	v60 =	vmul.f32 v12, v6  }
0x1cf: {  	v2 =	vsub.f32 $1.500000000e+00, v2;
	v5 =	vmul.f32 v59, v8;
	v15 =	vmul.f32 v14, v41  }
0x1d0: {  	[tilespmem:s5+$0x19700] =	vst v10;
	v4 =	vmul.f32 v4, v11;
	v3 =	vsub.f32 $1.500000000e+00, v3;
	v6 =	vmul.f32 v60, v12  }
0x1d1: {  	[tilespmem:s2+$0x19700] =	vst v53;
	v2 =	vmul.f32 v2, v7;
	v5 =	vsub.f32 $1.500000000e+00, v5;
	v61 =	vmul.f32 v15, v14  }
0x1d2: {  	[tilespmem:s3+$0x19700] =	vst v4;
	v3 =	vmul.f32 v3, v13;
	v62 =	vsub.f32 $1.500000000e+00, v6  }
0x1d3: {  	[tilespmem:s11+$0x19700] =	vst v2;
	v2 =	vmul.f32 v5, v8;
	v63 =	vsub.f32 $1.500000000e+00, v61  }
0x1d4: {  	[tilespmem:s16+$0x19700] =	vst v3;
	v3 =	vmul.f32 v62, v12  }
0x1d5: {  	[tilespmem:s17+$0x19700] =	vst v2;
	v2 =	vmul.f32 v63, v14  }
0x1d6: {  	[tilespmem:s18+$0x19700] =	vst v3  }
0x1d7: {  	s0 =	simm.s32 $0xED40;
	[tilespmem:s14+$0x19700] =	vst v2  }
0x1d8: {  	[tilespmem:s0+$0xFFFFFFC0] =	vst v0  }
0x1d9: {  	[tilespmem:s0+$0x30] =	vst v0  }
0x1da: {  	[tilespmem:s0+$0x20] =	vst v0  }
0x1db: {  	[tilespmem:s0+$0x10] =	vst v0  }
0x1dc: {  	[tilespmem:s0+$0x0] =	vst v0  }
0x1dd: {  	s1 =	simm.s32 $0x0;
	[tilespmem:s0+$0xFFFFFFF0] =	vst v0  }
0x1de: {  	s4 =	simm.s32 $0xED00;
	s8 =	simm.s32 $0x11500;
	s9 =	simm.s32 $0x1;
	[tilespmem:s0+$0xFFFFFFE0] =	vst v0  }
.LBB2_12:
0x1df: {  	s1 =	sadd.s32 $0x8, s1;
	[tilespmem:s0+$0xFFFFFFD0] =	vst v0;
	s0 =	sadd.s32 $0x80, s0  }
0x1e0: {  	[tilespmem:s0+$0xFFFFFFC0] =	vst v0;
	p0 =	slt.u32 s1, $0x278  }
0x1e1: {  	[tilespmem:s0+$0x30] =	vst v0  }
.Ltmp5:
0x1e2: {  	[tilespmem:s0+$0x20] =	vst v0;
	(pc) =	sbr.rel @p0 .LBB2_12-.Ltmp5, $4  }
0x1e3: {  	[tilespmem:s0+$0x10] =	vst v0  }
0x1e4: {  	[tilespmem:s0+$0x0] =	vst v0  }
0x1e5: {  	[tilespmem:s0+$0xFFFFFFF0] =	vst v0  }
0x1e6: {  	[tilespmem:s0+$0xFFFFFFE0] =	vst v0  }
0x1e7: {  	[tilespmem:s0+$0xFFFFFFD0] =	vst v0  }
0x1e8: {  	s1 =	sld [smem:$0x7F2];
	_ =	sdelay $0x1  }
0x1e9: {  	s31 =	simm.s32 $0x0;
	s2 =	simm.s32 $0x18D00;
	s3 =	simm.s32 $0x5  }
0x1ea: {  	v2 =	vld [tilespmem:$0x19C00];
	[tilespmem:s2], [sflag:$0x5] =	stream.linear.gather [hbm4b:s1+s31], $0x280, $0x38  }
0x1eb: {  	_ =	swait.ge [sflag:s3], $0x280  }
0x1ec: {  	[sflag:s3] =	ssyncset.done $0x0  }
0x1ed: {  	s0 =	simm.s32 $0x0;
	[sflag:s3] =	ssyncadd.s32 $0xFFFFFD80  }
0x1ee: {  	v3 =	vld [tilespmem:s0+$0x19700]  }
0x1ef: {  	v4 =	vld [tilespmem:s0+$0x18D00];
	_ =	sdelay $0x4  }
0x1f0: {  	v5 =	vmul.f32 v3, v4  }
0x1f1: {  	s1 =	simm.s32 $0x10;
	v4 =	vmul.f32 v4, v2  }
0x1f2: {  	s2 =	simm.s32 $0x80;
	v3 =	vld [tilespmem:s1+$0x19700];
	[tilespmem:s0+$0x18D00] =	vst v5  }
.LBB2_14:
0x1f3: {  	p0 =	sne.s32 s2, $0x9C0;
	v5 =	vld [tilespmem:s1+$0x18D00];
	[tilespmem:s0+$0x19200] =	vst v4;
	s0 =	smov.u32 s1;
	_ =	sdelay $0x2  }
.Ltmp6:
0x1f4: {  	(pc) =	sbr.rel @p0 .LBB2_14-.Ltmp6, $4  }
0x1f5: {  	_ = 	snop  }
0x1f6: {  	v4 =	vmul.f32 v5, v2;
	v5 =	vmul.f32 v3, v5  }
0x1f7: {  	s1 =	sshra.s32 s2, $0x2  }
0x1f8: {  	s2 =	sadd.s32 $0x40, s2;
	v3 =	vld [tilespmem:s1+$0x19700];
	[tilespmem:s0+$0x18D00] =	vst v5  }
0x1f9: {  	v5 =	vld [tilespmem:s1+$0x18D00];
	_ =	sdelay $0x4  }
0x1fa: {  	v3 =	vmul.f32 v3, v5  }
0x1fb: {  	[tilespmem:s0+$0x19200] =	vst v4;
	s26 =	sld [smem:$0x7F4];
	v4 =	vmul.f32 v5, v2  }
0x1fc: {  	[tilespmem:s1+$0x18D00] =	vst v3  }
0x1fd: {  	s28 =	simm.s32 $0x80;
	s2 =	simm.s32 $0x18D00;
	s5 =	simm.s32 $0x100;
	[tilespmem:s1+$0x19200] =	vst v4  }
0x1fe: {  	[spmem:s26] =	stream.strided.scatter [tilespmem:s2], [sflag:$0x5], $0x280, s5, s28, $0x38;
	[tilespmem:$0x1F200] =	vst v63  }
0x1ff: {  	_ =	swait.ge [sflag:s3], $0x280  }
0x200: {  	s30 =	sld [smem:$0x7F3]  }
0x201: {  	[sflag:s3] =	ssyncset.done $0x0  }
0x202: {  	s29 =	simm.s32 $0x0;
	s31 =	simm.s32 $0x18F80;
	[sflag:s3] =	ssyncadd.s32 $0xFFFFFD80  }
0x203: {  	[tilespmem:s31], [sflag:$0x5] =	stream.linear.gather [hbm4b:s30+s29], $0x280, $0x38;
	[tilespmem:$0x1F200] =	vst v63  }
0x204: {  	_ =	swait.ge [sflag:s3], $0x280  }
0x205: {  	[sflag:s3] =	ssyncset.done $0x0  }
0x206: {  	s0 =	simm.s32 $0x0;
	[sflag:s3] =	ssyncadd.s32 $0xFFFFFD80  }
0x207: {  	v3 =	vld [tilespmem:s0+$0x19700]  }
0x208: {  	v4 =	vld [tilespmem:s0+$0x18F80];
	_ =	sdelay $0x4  }
0x209: {  	v5 =	vmul.f32 v3, v4  }
0x20a: {  	s1 =	simm.s32 $0x10;
	v4 =	vmul.f32 v4, v2  }
0x20b: {  	s2 =	simm.s32 $0x80;
	v3 =	vld [tilespmem:s1+$0x19700];
	[tilespmem:s0+$0x18F80] =	vst v5  }
.LBB2_16:
0x20c: {  	p0 =	sne.s32 s2, $0x9C0;
	v5 =	vld [tilespmem:s1+$0x18F80];
	[tilespmem:s0+$0x19480] =	vst v4;
	s0 =	smov.u32 s1;
	_ =	sdelay $0x2  }
.Ltmp7:
0x20d: {  	(pc) =	sbr.rel @p0 .LBB2_16-.Ltmp7, $4  }
0x20e: {  	_ = 	snop  }
0x20f: {  	v4 =	vmul.f32 v5, v2;
	v5 =	vmul.f32 v3, v5  }
0x210: {  	s1 =	sshra.s32 s2, $0x2  }
0x211: {  	s2 =	sadd.s32 $0x40, s2;
	v3 =	vld [tilespmem:s1+$0x19700];
	[tilespmem:s0+$0x18F80] =	vst v5  }
0x212: {  	v5 =	vld [tilespmem:s1+$0x18F80];
	_ =	sdelay $0x4  }
0x213: {  	v3 =	vmul.f32 v3, v5  }
0x214: {  	[tilespmem:s0+$0x19480] =	vst v4;
	s28 =	sld [smem:$0x7F5];
	v2 =	vmul.f32 v5, v2  }
0x215: {  	[tilespmem:s1+$0x18F80] =	vst v3  }
0x216: {  	s29 =	simm.s32 $0x80;
	s2 =	simm.s32 $0x100;
	s5 =	simm.s32 $0x18F80;
	[tilespmem:s1+$0x19480] =	vst v2  }
0x217: {  	[spmem:s28] =	stream.strided.scatter [tilespmem:s5], [sflag:$0x5], $0x280, s2, s29, $0x38;
	[tilespmem:$0x1F200] =	vst v63  }
0x218: {  	_ =	swait.ge [sflag:s3], $0x280  }
0x219: {  	[sflag:s3] =	ssyncset.done $0x0  }
0x21a: {  	[sflag:s3] =	ssyncadd.s32 $0xFFFFFD80  }
0x21b: {  	[bflag:$0x0] =	sbarrier.arrive $0xFFFF  }
0x21c: {  	s30 =	rddreg [dreg:$0x3]  }
0x21d: {  	[tilespmem:s6], [sflag:$0x5] =	stream.strided.gather [spmem:s30], $0x2800, s2, s29, $0x38;
	[tilespmem:$0x1F200] =	vst v63  }
0x21e: {  	_ =	swait.ge [sflag:s3], $0x2800  }
0x21f: {  	s31 =	sld [smem:$0x7F6]  }
0x220: {  	[sflag:s3] =	ssyncset.done $0x0  }
0x221: {  	[sflag:s3] =	ssyncadd.s32 $0xFFFFD800  }
0x222: {  	[tilespmem:s7], [sflag:$0x5] =	stream.strided.gather [spmem:s31], $0x2800, s2, s29, $0x38;
	[tilespmem:$0x1F200] =	vst v63  }
0x223: {  	_ =	swait.ge [sflag:s3], $0x2800  }
0x224: {  	[sflag:s3] =	ssyncset.done $0x0  }
0x225: {  	s10 =	simm.s32 $0x0;
	[sflag:s3] =	ssyncadd.s32 $0xFFFFD800  }
.LBB2_18:
0x226: {  	s0 =	simm.s32 $0xC0  }
0x227: {  	v2 =	vld [tilespmem:s0+$0xB0]  }
0x228: {  	v3 =	vld [tilespmem:s0+$0xFFFFFF50]  }
0x229: {  	v4 =	vld [tilespmem:s0+$0xFFFFFF60]  }
0x22a: {  	v5 =	vld [tilespmem:s0+$0xFFFFFF70]  }
0x22b: {  	v6 =	vld [tilespmem:s0+$0xFFFFFF80]  }
0x22c: {  	v7 =	vld [tilespmem:s0+$0xFFFFFF90]  }
0x22d: {  	s18 =	simm.s32 $0x4F40;
	v8 =	vld [tilespmem:s0+$0xFFFFFFA0]  }
0x22e: {  	v9 =	vld [tilespmem:s18+$0xB0]  }
0x22f: {  	v56 =	vld [tilespmem:s0+$0xFFFFFFD0]  }
0x230: {  	v57 =	vld [tilespmem:s0+$0xFFFFFFE0]  }
0x231: {  	v58 =	vld [tilespmem:s0+$0xFFFFFFF0]  }
0x232: {  	v59 =	vld [tilespmem:s0+$0x0]  }
0x233: {  	v60 =	vld [tilespmem:s0+$0x10]  }
0x234: {  	v61 =	vld [tilespmem:s0+$0x20]  }
0x235: {  	v62 =	vld [tilespmem:s0+$0x30]  }
0x236: {  	v63 =	vld [tilespmem:s0+$0x50]  }
0x237: {  	v17 =	vld [tilespmem:s0+$0x60]  }
0x238: {  	v18 =	vld [tilespmem:s0+$0x70]  }
0x239: {  	v19 =	vld [tilespmem:s0+$0x80]  }
0x23a: {  	v20 =	vld [tilespmem:s0+$0x90]  }
0x23b: {  	v21 =	vld [tilespmem:s0+$0xA0]  }
0x23c: {  	v22 =	vld [tilespmem:s0+$0xFFFFFF40]  }
0x23d: {  	v44 =	vld [tilespmem:s18+$0xFFFFFF40]  }
0x23e: {  	v45 =	vld [tilespmem:s18+$0xFFFFFF50]  }
0x23f: {  	v46 =	vld [tilespmem:s18+$0xFFFFFF60]  }
0x240: {  	v47 =	vld [tilespmem:s18+$0xFFFFFF70]  }
0x241: {  	v48 =	vld [tilespmem:s18+$0xFFFFFF80]  }
0x242: {  	v49 =	vld [tilespmem:s18+$0xFFFFFF90]  }
0x243: {  	v50 =	vld [tilespmem:s18+$0xFFFFFFA0]  }
0x244: {  	s1 =	simm.s32 $0x0;
	v51 =	vld [tilespmem:s18+$0xFFFFFFB0]  }
0x245: {  	s1 =	sand.u32 $0x7FF0, s1;
	v52 =	vld [tilespmem:s18+$0xFFFFFFD0]  }
0x246: {  	v11 =	vld [tilespmem:s1+$0x180]  }
0x247: {  	v12 =	vld [tilespmem:s1+$0x80]  }
0x248: {  	v13 =	vld [tilespmem:s1+$0x100]  }
0x249: {  	v14 =	vld [tilespmem:s1+$0x4F00]  }
0x24a: {  	v15 =	vld [tilespmem:s1+$0x4F80]  }
0x24b: {  	v53 =	vld [tilespmem:s1+$0x5000]  }
0x24c: {  	v10 =	vld.idx.msk [tilespmem:v2+s6+$0x0], $0xffff  }
0x24d: {  	v2 =	vld.idx.msk [tilespmem:v2+s7+$0x0], $0xffff  }
0x24e: {  	v23 =	vld.idx.msk [tilespmem:v3+s6+$0x0], $0xffff  }
0x24f: {  	v1 =	vld.idx.msk [tilespmem:v3+s7+$0x0], $0xffff  }
0x250: {  	v24 =	vld.idx.msk [tilespmem:v4+s6+$0x0], $0xffff  }
0x251: {  	v4 =	vld.idx.msk [tilespmem:v4+s7+$0x0], $0xffff  }
0x252: {  	v25 =	vld.idx.msk [tilespmem:v5+s6+$0x0], $0xffff  }
0x253: {  	v5 =	vld.idx.msk [tilespmem:v5+s7+$0x0], $0xffff  }
0x254: {  	v26 =	vld.idx.msk [tilespmem:v6+s6+$0x0], $0xffff  }
0x255: {  	v27 =	vld.idx.msk [tilespmem:v22+s6+$0x0], $0xffff  }
0x256: {  	v22 =	vld.idx.msk [tilespmem:v22+s7+$0x0], $0xffff  }
0x257: {  	v6 =	vld.idx.msk [tilespmem:v6+s7+$0x0], $0xffff  }
0x258: {  	v28 =	vld.idx.msk [tilespmem:v7+s6+$0x0], $0xffff  }
0x259: {  	v7 =	vld.idx.msk [tilespmem:v7+s7+$0x0], $0xffff  }
0x25a: {  	v29 =	vld.idx.msk [tilespmem:v8+s6+$0x0], $0xffff  }
0x25b: {  	v8 =	vld.idx.msk [tilespmem:v8+s7+$0x0], $0xffff  }
0x25c: {  	v31 =	vld.idx.msk [tilespmem:v56+s6+$0x0], $0xffff  }
0x25d: {  	v32 =	vld.idx.msk [tilespmem:v57+s6+$0x0], $0xffff  }
0x25e: {  	v33 =	vld.idx.msk [tilespmem:v58+s6+$0x0], $0xffff  }
0x25f: {  	v34 =	vld.idx.msk [tilespmem:v59+s6+$0x0], $0xffff  }
0x260: {  	v35 =	vld.idx.msk [tilespmem:v60+s6+$0x0], $0xffff  }
0x261: {  	v36 =	vld.idx.msk [tilespmem:v61+s6+$0x0], $0xffff  }
0x262: {  	v37 =	vld.idx.msk [tilespmem:v62+s6+$0x0], $0xffff  }
0x263: {  	v38 =	vld.idx.msk [tilespmem:v63+s6+$0x0], $0xffff  }
0x264: {  	v39 =	vld.idx.msk [tilespmem:v17+s6+$0x0], $0xffff  }
0x265: {  	v17 =	vld.idx.msk [tilespmem:v17+s7+$0x0], $0xffff  }
0x266: {  	v40 =	vld.idx.msk [tilespmem:v18+s6+$0x0], $0xffff  }
0x267: {  	v18 =	vld.idx.msk [tilespmem:v18+s7+$0x0], $0xffff  }
0x268: {  	v41 =	vld.idx.msk [tilespmem:v19+s6+$0x0], $0xffff  }
0x269: {  	v19 =	vld.idx.msk [tilespmem:v19+s7+$0x0], $0xffff  }
0x26a: {  	v42 =	vld.idx.msk [tilespmem:v20+s6+$0x0], $0xffff  }
0x26b: {  	v20 =	vld.idx.msk [tilespmem:v20+s7+$0x0], $0xffff  }
0x26c: {  	v43 =	vld.idx.msk [tilespmem:v21+s6+$0x0], $0xffff  }
0x26d: {  	v21 =	vld.idx.msk [tilespmem:v21+s7+$0x0], $0xffff  }
0x26e: {  	v54 =	vld.idx.msk [tilespmem:v11+s7+$0x0], $0xffff  }
0x26f: {  	v55 =	vld.idx.msk [tilespmem:v12+s6+$0x0], $0xffff  }
0x270: {  	v12 =	vld.idx.msk [tilespmem:v12+s7+$0x0], $0xffff  }
0x271: {  	v16 =	vld.idx.msk [tilespmem:v13+s6+$0x0], $0xffff  }
0x272: {  	v13 =	vld.idx.msk [tilespmem:v13+s7+$0x0], $0xffff  }
0x273: {  	[tilespmem:v9+s4+$0x0] =	vst.idx.add.f32.msk $0xffff, v10  }
0x274: {  	v10 =	vld.idx.msk [tilespmem:v57+s7+$0x0], $0xffff  }
0x275: {  	v57 =	vld [tilespmem:s18+$0x20]  }
0x276: {  	[tilespmem:v44+s4+$0x0] =	vst.idx.add.f32.msk $0xffff, v27  }
0x277: {  	[tilespmem:v45+s4+$0x0] =	vst.idx.add.f32.msk $0xffff, v23  }
0x278: {  	[tilespmem:v46+s4+$0x0] =	vst.idx.add.f32.msk $0xffff, v24  }
0x279: {  	[tilespmem:v47+s4+$0x0] =	vst.idx.add.f32.msk $0xffff, v25  }
0x27a: {  	[tilespmem:v48+s4+$0x0] =	vst.idx.add.f32.msk $0xffff, v26  }
0x27b: {  	[tilespmem:v49+s4+$0x0] =	vst.idx.add.f32.msk $0xffff, v28  }
0x27c: {  	[tilespmem:v50+s4+$0x0] =	vst.idx.add.f32.msk $0xffff, v29  }
0x27d: {  	[tilespmem:v9+s8+$0x0] =	vst.idx.add.f32.msk $0xffff, v2  }
0x27e: {  	v2 =	vld.idx.msk [tilespmem:v11+s6+$0x0], $0xffff  }
0x27f: {  	[tilespmem:v14+s4+$0x0] =	vst.idx.add.f32.msk $0xffff, v55  }
0x280: {  	[tilespmem:v15+s4+$0x0] =	vst.idx.add.f32.msk $0xffff, v16  }
0x281: {  	v9 =	vld.idx.msk [tilespmem:v56+s7+$0x0], $0xffff  }
0x282: {  	v11 =	vld.idx.msk [tilespmem:v58+s7+$0x0], $0xffff  }
0x283: {  	v16 =	vld.idx.msk [tilespmem:v63+s7+$0x0], $0xffff  }
0x284: {  	v55 =	vld [tilespmem:s18+$0x0]  }
0x285: {  	v56 =	vld [tilespmem:s18+$0x10]  }
0x286: {  	v58 =	vld [tilespmem:s18+$0x30]  }
0x287: {  	v63 =	vld [tilespmem:s18+$0x90]  }
0x288: {  	[tilespmem:v44+s8+$0x0] =	vst.idx.add.f32.msk $0xffff, v22  }
0x289: {  	[tilespmem:v45+s8+$0x0] =	vst.idx.add.f32.msk $0xffff, v1  }
0x28a: {  	[tilespmem:v46+s8+$0x0] =	vst.idx.add.f32.msk $0xffff, v4  }
0x28b: {  	[tilespmem:v47+s8+$0x0] =	vst.idx.add.f32.msk $0xffff, v5  }
0x28c: {  	[tilespmem:v48+s8+$0x0] =	vst.idx.add.f32.msk $0xffff, v6  }
0x28d: {  	[tilespmem:v49+s8+$0x0] =	vst.idx.add.f32.msk $0xffff, v7  }
0x28e: {  	[tilespmem:v50+s8+$0x0] =	vst.idx.add.f32.msk $0xffff, v8  }
0x28f: {  	[tilespmem:v52+s4+$0x0] =	vst.idx.add.f32.msk $0xffff, v31  }
0x290: {  	[tilespmem:v14+s8+$0x0] =	vst.idx.add.f32.msk $0xffff, v12  }
0x291: {  	[tilespmem:v15+s8+$0x0] =	vst.idx.add.f32.msk $0xffff, v13  }
0x292: {  	v12 =	vld.idx.msk [tilespmem:v59+s7+$0x0], $0xffff  }
0x293: {  	v13 =	vld.idx.msk [tilespmem:v60+s7+$0x0], $0xffff  }
0x294: {  	v14 =	vld.idx.msk [tilespmem:v61+s7+$0x0], $0xffff  }
0x295: {  	v15 =	vld.idx.msk [tilespmem:v62+s7+$0x0], $0xffff  }
0x296: {  	v59 =	vld [tilespmem:s18+$0x50]  }
0x297: {  	v60 =	vld [tilespmem:s18+$0x60]  }
0x298: {  	v61 =	vld [tilespmem:s18+$0x70]  }
0x299: {  	v62 =	vld [tilespmem:s18+$0x80]  }
0x29a: {  	[tilespmem:v53+s4+$0x0] =	vst.idx.add.f32.msk $0xffff, v2  }
0x29b: {  	v2 =	vld [tilespmem:s0+$0xFFFFFFB0]  }
0x29c: {  	[tilespmem:v52+s8+$0x0] =	vst.idx.add.f32.msk $0xffff, v9  }
0x29d: {  	[tilespmem:v53+s8+$0x0] =	vst.idx.add.f32.msk $0xffff, v54  }
0x29e: {  	v53 =	vld [tilespmem:s18+$0xFFFFFFE0]  }
0x29f: {  	v54 =	vld [tilespmem:s18+$0xFFFFFFF0]  }
0x2a0: {  	[tilespmem:v57+s4+$0x0] =	vst.idx.add.f32.msk $0xffff, v36  }
0x2a1: {  	[tilespmem:v55+s4+$0x0] =	vst.idx.add.f32.msk $0xffff, v34  }
0x2a2: {  	[tilespmem:v56+s4+$0x0] =	vst.idx.add.f32.msk $0xffff, v35  }
0x2a3: {  	[tilespmem:v57+s8+$0x0] =	vst.idx.add.f32.msk $0xffff, v14  }
0x2a4: {  	[tilespmem:v58+s4+$0x0] =	vst.idx.add.f32.msk $0xffff, v37  }
0x2a5: {  	[tilespmem:v63+s4+$0x0] =	vst.idx.add.f32.msk $0xffff, v42  }
0x2a6: {  	[tilespmem:v55+s8+$0x0] =	vst.idx.add.f32.msk $0xffff, v12  }
0x2a7: {  	[tilespmem:v56+s8+$0x0] =	vst.idx.add.f32.msk $0xffff, v13  }
0x2a8: {  	[tilespmem:v58+s8+$0x0] =	vst.idx.add.f32.msk $0xffff, v15  }
0x2a9: {  	[tilespmem:v59+s4+$0x0] =	vst.idx.add.f32.msk $0xffff, v38  }
0x2aa: {  	[tilespmem:v60+s4+$0x0] =	vst.idx.add.f32.msk $0xffff, v39  }
0x2ab: {  	[tilespmem:v61+s4+$0x0] =	vst.idx.add.f32.msk $0xffff, v40  }
0x2ac: {  	[tilespmem:v62+s4+$0x0] =	vst.idx.add.f32.msk $0xffff, v41  }
0x2ad: {  	[tilespmem:v63+s8+$0x0] =	vst.idx.add.f32.msk $0xffff, v20  }
0x2ae: {  	[tilespmem:v59+s8+$0x0] =	vst.idx.add.f32.msk $0xffff, v16  }
0x2af: {  	[tilespmem:v60+s8+$0x0] =	vst.idx.add.f32.msk $0xffff, v17  }
0x2b0: {  	[tilespmem:v61+s8+$0x0] =	vst.idx.add.f32.msk $0xffff, v18  }
0x2b1: {  	v30 =	vld.idx.msk [tilespmem:v2+s6+$0x0], $0xffff  }
0x2b2: {  	v3 =	vld.idx.msk [tilespmem:v2+s7+$0x0], $0xffff  }
0x2b3: {  	v2 =	vld [tilespmem:s18+$0xA0]  }
0x2b4: {  	[tilespmem:v62+s8+$0x0] =	vst.idx.add.f32.msk $0xffff, v19  }
0x2b5: {  	[tilespmem:v53+s4+$0x0] =	vst.idx.add.f32.msk $0xffff, v32  }
0x2b6: {  	[tilespmem:v54+s4+$0x0] =	vst.idx.add.f32.msk $0xffff, v33  }
0x2b7: {  	[tilespmem:v53+s8+$0x0] =	vst.idx.add.f32.msk $0xffff, v10  }
0x2b8: {  	[tilespmem:v54+s8+$0x0] =	vst.idx.add.f32.msk $0xffff, v11  }
0x2b9: {  	[tilespmem:v51+s4+$0x0] =	vst.idx.add.f32.msk $0xffff, v30  }
0x2ba: {  	[tilespmem:v51+s8+$0x0] =	vst.idx.add.f32.msk $0xffff, v3  }
0x2bb: {  	[tilespmem:v2+s4+$0x0] =	vst.idx.add.f32.msk $0xffff, v43  }
0x2bc: {  	s2 =	simm.s32 $0x0;
	s3 =	simm.s32 $0x250;
	s5 =	simm.s32 $0x0;
	[tilespmem:v2+s8+$0x0] =	vst.idx.add.f32.msk $0xffff, v21  }
.LBB2_19:
0x2bd: {  	v2 =	vld [tilespmem:s3+$0xB0]  }
0x2be: {  	v3 =	vld [tilespmem:s3+$0xFFFFFF50]  }
0x2bf: {  	v5 =	vld [tilespmem:s3+$0xFFFFFF60]  }
0x2c0: {  	v7 =	vld [tilespmem:s3+$0xFFFFFF70]  }
0x2c1: {  	v9 =	vld [tilespmem:s3+$0xFFFFFF80]  }
0x2c2: {  	v10 =	vld [tilespmem:s3+$0xFFFFFF90]  }
0x2c3: {  	s18 =	sadd.s32 $0x190, s18;
	v11 =	vld [tilespmem:s3+$0xFFFFFFA0]  }
0x2c4: {  	v4 =	vld [tilespmem:s18+$0xB0]  }
0x2c5: {  	s5 =	sadd.s32 $0x190, s5;
	v6 =	vld.idx.msk [tilespmem:v2+s6+$0x0], $0xffff  }
0x2c6: {  	s0 =	sand.u32 $0x7FF0, s5;
	v2 =	vld.idx.msk [tilespmem:v2+s7+$0x0], $0xffff  }
0x2c7: {  	s2 =	sadd.s32 $0x19, s2;
	v8 =	vld [tilespmem:s0+$0x180]  }
0x2c8: {  	p0 =	slt.u32 s2, $0x4C9;
	v12 =	vld [tilespmem:s0+$0x80]  }
0x2c9: {  	v13 =	vld [tilespmem:s0+$0x100]  }
0x2ca: {  	v14 =	vld [tilespmem:s0+$0x4F00]  }
0x2cb: {  	v15 =	vld [tilespmem:s0+$0x4F80]  }
0x2cc: {  	[tilespmem:v4+s4+$0x0] =	vst.idx.add.f32.msk $0xffff, v6  }
0x2cd: {  	v6 =	vld [tilespmem:s0+$0x5000]  }
0x2ce: {  	[tilespmem:v4+s8+$0x0] =	vst.idx.add.f32.msk $0xffff, v2  }
0x2cf: {  	v2 =	vld.idx.msk [tilespmem:v8+s6+$0x0], $0xffff  }
0x2d0: {  	v4 =	vld.idx.msk [tilespmem:v8+s7+$0x0], $0xffff  }
0x2d1: {  	v8 =	vld.idx.msk [tilespmem:v12+s6+$0x0], $0xffff  }
0x2d2: {  	v12 =	vld.idx.msk [tilespmem:v12+s7+$0x0], $0xffff  }
0x2d3: {  	v16 =	vld.idx.msk [tilespmem:v13+s6+$0x0], $0xffff  }
0x2d4: {  	v13 =	vld.idx.msk [tilespmem:v13+s7+$0x0], $0xffff  }
0x2d5: {  	[tilespmem:v6+s4+$0x0] =	vst.idx.add.f32.msk $0xffff, v2  }
0x2d6: {  	[tilespmem:v6+s8+$0x0] =	vst.idx.add.f32.msk $0xffff, v4  }
0x2d7: {  	[tilespmem:v14+s4+$0x0] =	vst.idx.add.f32.msk $0xffff, v8  }
0x2d8: {  	[tilespmem:v14+s8+$0x0] =	vst.idx.add.f32.msk $0xffff, v12  }
0x2d9: {  	[tilespmem:v15+s4+$0x0] =	vst.idx.add.f32.msk $0xffff, v16  }
0x2da: {  	[tilespmem:v15+s8+$0x0] =	vst.idx.add.f32.msk $0xffff, v13  }
0x2db: {  	v12 =	vld [tilespmem:s3+$0xFFFFFFB0]  }
0x2dc: {  	v13 =	vld [tilespmem:s3+$0xFFFFFFD0]  }
0x2dd: {  	v14 =	vld [tilespmem:s3+$0xFFFFFFE0]  }
0x2de: {  	v15 =	vld [tilespmem:s3+$0xFFFFFFF0]  }
0x2df: {  	v16 =	vld [tilespmem:s3+$0x0]  }
0x2e0: {  	v17 =	vld [tilespmem:s3+$0x10]  }
0x2e1: {  	v18 =	vld [tilespmem:s3+$0x20]  }
0x2e2: {  	v19 =	vld [tilespmem:s3+$0x30]  }
0x2e3: {  	v20 =	vld [tilespmem:s3+$0x50]  }
0x2e4: {  	v21 =	vld [tilespmem:s3+$0x60]  }
0x2e5: {  	v22 =	vld [tilespmem:s3+$0x70]  }
0x2e6: {  	v23 =	vld [tilespmem:s3+$0x80]  }
0x2e7: {  	v24 =	vld [tilespmem:s3+$0x90]  }
0x2e8: {  	v25 =	vld [tilespmem:s3+$0xA0]  }
0x2e9: {  	v26 =	vld [tilespmem:s3+$0xFFFFFF40]  }
0x2ea: {  	v2 =	vld.idx.msk [tilespmem:v3+s6+$0x0], $0xffff  }
0x2eb: {  	v3 =	vld.idx.msk [tilespmem:v3+s7+$0x0], $0xffff  }
0x2ec: {  	v4 =	vld.idx.msk [tilespmem:v5+s6+$0x0], $0xffff  }
0x2ed: {  	v5 =	vld.idx.msk [tilespmem:v5+s7+$0x0], $0xffff  }
0x2ee: {  	v6 =	vld.idx.msk [tilespmem:v7+s6+$0x0], $0xffff  }
0x2ef: {  	v7 =	vld.idx.msk [tilespmem:v7+s7+$0x0], $0xffff  }
0x2f0: {  	v8 =	vld.idx.msk [tilespmem:v9+s6+$0x0], $0xffff  }
0x2f1: {  	v27 =	vld.idx.msk [tilespmem:v26+s6+$0x0], $0xffff  }
0x2f2: {  	v26 =	vld.idx.msk [tilespmem:v26+s7+$0x0], $0xffff  }
0x2f3: {  	v9 =	vld.idx.msk [tilespmem:v9+s7+$0x0], $0xffff  }
0x2f4: {  	v28 =	vld.idx.msk [tilespmem:v10+s6+$0x0], $0xffff  }
0x2f5: {  	v10 =	vld.idx.msk [tilespmem:v10+s7+$0x0], $0xffff  }
0x2f6: {  	v29 =	vld.idx.msk [tilespmem:v11+s6+$0x0], $0xffff  }
0x2f7: {  	v11 =	vld.idx.msk [tilespmem:v11+s7+$0x0], $0xffff  }
0x2f8: {  	v30 =	vld.idx.msk [tilespmem:v12+s6+$0x0], $0xffff  }
0x2f9: {  	v12 =	vld.idx.msk [tilespmem:v12+s7+$0x0], $0xffff  }
0x2fa: {  	v31 =	vld.idx.msk [tilespmem:v13+s6+$0x0], $0xffff  }
0x2fb: {  	v13 =	vld.idx.msk [tilespmem:v13+s7+$0x0], $0xffff  }
0x2fc: {  	v32 =	vld.idx.msk [tilespmem:v14+s6+$0x0], $0xffff  }
0x2fd: {  	v14 =	vld.idx.msk [tilespmem:v14+s7+$0x0], $0xffff  }
0x2fe: {  	v33 =	vld.idx.msk [tilespmem:v15+s6+$0x0], $0xffff  }
0x2ff: {  	v15 =	vld.idx.msk [tilespmem:v15+s7+$0x0], $0xffff  }
0x300: {  	v34 =	vld.idx.msk [tilespmem:v16+s6+$0x0], $0xffff  }
0x301: {  	v16 =	vld.idx.msk [tilespmem:v16+s7+$0x0], $0xffff  }
0x302: {  	v35 =	vld.idx.msk [tilespmem:v17+s6+$0x0], $0xffff  }
0x303: {  	v17 =	vld.idx.msk [tilespmem:v17+s7+$0x0], $0xffff  }
0x304: {  	v36 =	vld.idx.msk [tilespmem:v18+s6+$0x0], $0xffff  }
0x305: {  	v18 =	vld.idx.msk [tilespmem:v18+s7+$0x0], $0xffff  }
0x306: {  	v37 =	vld.idx.msk [tilespmem:v19+s6+$0x0], $0xffff  }
0x307: {  	v19 =	vld.idx.msk [tilespmem:v19+s7+$0x0], $0xffff  }
0x308: {  	v38 =	vld.idx.msk [tilespmem:v20+s6+$0x0], $0xffff  }
0x309: {  	v20 =	vld.idx.msk [tilespmem:v20+s7+$0x0], $0xffff  }
0x30a: {  	v39 =	vld.idx.msk [tilespmem:v21+s6+$0x0], $0xffff  }
0x30b: {  	v21 =	vld.idx.msk [tilespmem:v21+s7+$0x0], $0xffff  }
0x30c: {  	v40 =	vld.idx.msk [tilespmem:v22+s6+$0x0], $0xffff  }
0x30d: {  	v22 =	vld.idx.msk [tilespmem:v22+s7+$0x0], $0xffff  }
0x30e: {  	v41 =	vld.idx.msk [tilespmem:v23+s6+$0x0], $0xffff  }
0x30f: {  	v23 =	vld.idx.msk [tilespmem:v23+s7+$0x0], $0xffff  }
0x310: {  	v42 =	vld.idx.msk [tilespmem:v24+s6+$0x0], $0xffff  }
0x311: {  	v24 =	vld.idx.msk [tilespmem:v24+s7+$0x0], $0xffff  }
0x312: {  	v43 =	vld.idx.msk [tilespmem:v25+s6+$0x0], $0xffff  }
0x313: {  	v25 =	vld.idx.msk [tilespmem:v25+s7+$0x0], $0xffff  }
0x314: {  	v44 =	vld [tilespmem:s18+$0xFFFFFF40]  }
0x315: {  	v45 =	vld [tilespmem:s18+$0xFFFFFF50]  }
0x316: {  	v46 =	vld [tilespmem:s18+$0xFFFFFF60]  }
0x317: {  	v47 =	vld [tilespmem:s18+$0xFFFFFF70]  }
0x318: {  	v48 =	vld [tilespmem:s18+$0xFFFFFF80]  }
0x319: {  	v49 =	vld [tilespmem:s18+$0xFFFFFF90]  }
0x31a: {  	v50 =	vld [tilespmem:s18+$0xFFFFFFA0]  }
0x31b: {  	v51 =	vld [tilespmem:s18+$0xFFFFFFB0]  }
0x31c: {  	v52 =	vld [tilespmem:s18+$0xFFFFFFD0]  }
0x31d: {  	v53 =	vld [tilespmem:s18+$0xFFFFFFE0]  }
0x31e: {  	v54 =	vld [tilespmem:s18+$0xFFFFFFF0]  }
0x31f: {  	v55 =	vld [tilespmem:s18+$0x0]  }
0x320: {  	v56 =	vld [tilespmem:s18+$0x10]  }
0x321: {  	v57 =	vld [tilespmem:s18+$0x20]  }
0x322: {  	v58 =	vld [tilespmem:s18+$0x30]  }
0x323: {  	v59 =	vld [tilespmem:s18+$0x50]  }
0x324: {  	v60 =	vld [tilespmem:s18+$0x60]  }
0x325: {  	v61 =	vld [tilespmem:s18+$0x70]  }
0x326: {  	v62 =	vld [tilespmem:s18+$0x80]  }
0x327: {  	v63 =	vld [tilespmem:s18+$0x90]  }
0x328: {  	v1 =	vld [tilespmem:s18+$0xA0]  }
0x329: {  	[tilespmem:v44+s4+$0x0] =	vst.idx.add.f32.msk $0xffff, v27  }
0x32a: {  	[tilespmem:v44+s8+$0x0] =	vst.idx.add.f32.msk $0xffff, v26  }
0x32b: {  	[tilespmem:v45+s4+$0x0] =	vst.idx.add.f32.msk $0xffff, v2  }
0x32c: {  	[tilespmem:v45+s8+$0x0] =	vst.idx.add.f32.msk $0xffff, v3  }
0x32d: {  	[tilespmem:v46+s4+$0x0] =	vst.idx.add.f32.msk $0xffff, v4  }
0x32e: {  	[tilespmem:v46+s8+$0x0] =	vst.idx.add.f32.msk $0xffff, v5  }
0x32f: {  	[tilespmem:v47+s4+$0x0] =	vst.idx.add.f32.msk $0xffff, v6  }
0x330: {  	[tilespmem:v47+s8+$0x0] =	vst.idx.add.f32.msk $0xffff, v7  }
0x331: {  	[tilespmem:v48+s4+$0x0] =	vst.idx.add.f32.msk $0xffff, v8  }
0x332: {  	[tilespmem:v48+s8+$0x0] =	vst.idx.add.f32.msk $0xffff, v9  }
0x333: {  	[tilespmem:v49+s4+$0x0] =	vst.idx.add.f32.msk $0xffff, v28  }
0x334: {  	[tilespmem:v49+s8+$0x0] =	vst.idx.add.f32.msk $0xffff, v10  }
0x335: {  	[tilespmem:v50+s4+$0x0] =	vst.idx.add.f32.msk $0xffff, v29  }
0x336: {  	[tilespmem:v50+s8+$0x0] =	vst.idx.add.f32.msk $0xffff, v11  }
0x337: {  	[tilespmem:v51+s4+$0x0] =	vst.idx.add.f32.msk $0xffff, v30  }
0x338: {  	[tilespmem:v51+s8+$0x0] =	vst.idx.add.f32.msk $0xffff, v12  }
0x339: {  	[tilespmem:v52+s4+$0x0] =	vst.idx.add.f32.msk $0xffff, v31  }
0x33a: {  	[tilespmem:v52+s8+$0x0] =	vst.idx.add.f32.msk $0xffff, v13  }
0x33b: {  	[tilespmem:v53+s4+$0x0] =	vst.idx.add.f32.msk $0xffff, v32  }
0x33c: {  	[tilespmem:v53+s8+$0x0] =	vst.idx.add.f32.msk $0xffff, v14  }
0x33d: {  	[tilespmem:v54+s4+$0x0] =	vst.idx.add.f32.msk $0xffff, v33  }
0x33e: {  	[tilespmem:v54+s8+$0x0] =	vst.idx.add.f32.msk $0xffff, v15  }
0x33f: {  	[tilespmem:v55+s4+$0x0] =	vst.idx.add.f32.msk $0xffff, v34  }
0x340: {  	[tilespmem:v55+s8+$0x0] =	vst.idx.add.f32.msk $0xffff, v16  }
0x341: {  	[tilespmem:v56+s4+$0x0] =	vst.idx.add.f32.msk $0xffff, v35  }
0x342: {  	[tilespmem:v56+s8+$0x0] =	vst.idx.add.f32.msk $0xffff, v17  }
0x343: {  	[tilespmem:v57+s4+$0x0] =	vst.idx.add.f32.msk $0xffff, v36  }
0x344: {  	[tilespmem:v57+s8+$0x0] =	vst.idx.add.f32.msk $0xffff, v18  }
0x345: {  	[tilespmem:v58+s4+$0x0] =	vst.idx.add.f32.msk $0xffff, v37  }
0x346: {  	[tilespmem:v58+s8+$0x0] =	vst.idx.add.f32.msk $0xffff, v19  }
0x347: {  	[tilespmem:v59+s4+$0x0] =	vst.idx.add.f32.msk $0xffff, v38  }
0x348: {  	[tilespmem:v59+s8+$0x0] =	vst.idx.add.f32.msk $0xffff, v20  }
0x349: {  	[tilespmem:v60+s4+$0x0] =	vst.idx.add.f32.msk $0xffff, v39  }
0x34a: {  	[tilespmem:v60+s8+$0x0] =	vst.idx.add.f32.msk $0xffff, v21  }
0x34b: {  	[tilespmem:v61+s4+$0x0] =	vst.idx.add.f32.msk $0xffff, v40  }
0x34c: {  	[tilespmem:v61+s8+$0x0] =	vst.idx.add.f32.msk $0xffff, v22  }
0x34d: {  	[tilespmem:v62+s4+$0x0] =	vst.idx.add.f32.msk $0xffff, v41  }
.Ltmp8:
0x34e: {  	[tilespmem:v62+s8+$0x0] =	vst.idx.add.f32.msk $0xffff, v23;
	(pc) =	sbr.rel @p0 .LBB2_19-.Ltmp8, $4  }
0x34f: {  	[tilespmem:v63+s4+$0x0] =	vst.idx.add.f32.msk $0xffff, v42  }
0x350: {  	[tilespmem:v63+s8+$0x0] =	vst.idx.add.f32.msk $0xffff, v24  }
0x351: {  	[tilespmem:v1+s4+$0x0] =	vst.idx.add.f32.msk $0xffff, v43  }
0x352: {  	s3 =	sadd.s32 $0x190, s3;
	[tilespmem:v1+s8+$0x0] =	vst.idx.add.f32.msk $0xffff, v25  }
0x353: {  	s0 =	sld [smem:$0x7F7];
	_ =	sdelay $0x1  }
0x354: {  	s1 =	simm.s32 $0x80;
	s2 =	simm.s32 $0x400;
	s31 =	sld [smem:$0x7F8]  }
0x355: {  	[spmem:s0] =	stream.strided.scatter [tilespmem:s4], [sflag:$0x1], $0x2800, s2, s1, $0x38;
	[tilespmem:$0x1F200] =	vst v63  }
0x356: {  	_ = 	snop  }
0x357: {  	[spmem:s31] =	stream.strided.scatter [tilespmem:s8], [sflag:$0x2], $0x2800, s2, s1, $0x38;
	[tilespmem:$0x1F200] =	vst v63  }
0x358: {  	_ =	swait.ge [sflag:s9], $0x2800  }
0x359: {  	[sflag:s9] =	ssyncset.done $0x0  }
0x35a: {  	s0 =	simm.s32 $0xED40;
	[sflag:s9] =	ssyncadd.s32 $0xFFFFD800  }
0x35b: {  	[tilespmem:s0+$0xFFFFFFC0] =	vst v0  }
0x35c: {  	[tilespmem:s0+$0x30] =	vst v0  }
0x35d: {  	[tilespmem:s0+$0x20] =	vst v0  }
0x35e: {  	[tilespmem:s0+$0x10] =	vst v0  }
0x35f: {  	[tilespmem:s0+$0x0] =	vst v0  }
0x360: {  	[tilespmem:s0+$0xFFFFFFF0] =	vst v0  }
0x361: {  	s1 =	simm.s32 $0x0;
	[tilespmem:s0+$0xFFFFFFE0] =	vst v0  }
.LBB2_21:
0x362: {  	s1 =	sadd.s32 $0x8, s1;
	[tilespmem:s0+$0xFFFFFFD0] =	vst v0;
	s0 =	sadd.s32 $0x80, s0  }
0x363: {  	[tilespmem:s0+$0xFFFFFFC0] =	vst v0;
	p0 =	slt.u32 s1, $0x278  }
0x364: {  	[tilespmem:s0+$0x30] =	vst v0  }
.Ltmp9:
0x365: {  	[tilespmem:s0+$0x20] =	vst v0;
	(pc) =	sbr.rel @p0 .LBB2_21-.Ltmp9, $4  }
0x366: {  	[tilespmem:s0+$0x10] =	vst v0  }
0x367: {  	[tilespmem:s0+$0x0] =	vst v0  }
0x368: {  	[tilespmem:s0+$0xFFFFFFF0] =	vst v0  }
0x369: {  	[tilespmem:s0+$0xFFFFFFE0] =	vst v0  }
0x36a: {  	[tilespmem:s0+$0xFFFFFFD0] =	vst v0;
	s31 =	simm.s32 $0x2  }
0x36b: {  	_ =	swait.ge [sflag:s31], $0x2800  }
0x36c: {  	[sflag:s31] =	ssyncset.done $0x0  }
0x36d: {  	s0 =	simm.s32 $0x11540;
	[sflag:s31] =	ssyncadd.s32 $0xFFFFD800  }
0x36e: {  	[tilespmem:s0+$0xFFFFFFC0] =	vst v0  }
0x36f: {  	[tilespmem:s0+$0x30] =	vst v0  }
0x370: {  	[tilespmem:s0+$0x20] =	vst v0  }
0x371: {  	[tilespmem:s0+$0x10] =	vst v0  }
0x372: {  	[tilespmem:s0+$0x0] =	vst v0  }
0x373: {  	[tilespmem:s0+$0xFFFFFFF0] =	vst v0  }
0x374: {  	s1 =	simm.s32 $0x0;
	[tilespmem:s0+$0xFFFFFFE0] =	vst v0  }
.LBB2_23:
0x375: {  	s1 =	sadd.s32 $0x8, s1;
	[tilespmem:s0+$0xFFFFFFD0] =	vst v0;
	s0 =	sadd.s32 $0x80, s0  }
0x376: {  	[tilespmem:s0+$0xFFFFFFC0] =	vst v0;
	p0 =	slt.u32 s1, $0x278  }
0x377: {  	[tilespmem:s0+$0x30] =	vst v0  }
.Ltmp10:
0x378: {  	[tilespmem:s0+$0x20] =	vst v0;
	(pc) =	sbr.rel @p0 .LBB2_23-.Ltmp10, $4  }
0x379: {  	[tilespmem:s0+$0x10] =	vst v0  }
0x37a: {  	[tilespmem:s0+$0x0] =	vst v0  }
0x37b: {  	[tilespmem:s0+$0xFFFFFFF0] =	vst v0  }
0x37c: {  	[tilespmem:s0+$0xFFFFFFE0] =	vst v0  }
0x37d: {  	s10 =	sadd.s32 $0x1, s10;
	[tilespmem:s0+$0xFFFFFFD0] =	vst v0  }
0x37e: {  	[smem:$0x7EE] =	sst s10  }
0x37f: {  	[bflag:$0x0] =	sbarrier.arrive $0xFFFF  }
0x380: {  	s14 =	sld [smem:$0x7F9]  }
0x381: {  	s1 =	simm.s32 $0x1400;
	s2 =	simm.s32 $0x14000;
	s13 =	sshll.u32 s10, $0x4  }
0x382: {  	s3 =	simm.s32 $0x13D00;
	s0 =	sand.u32 $0x3FFFFFF0, s13;
	s15 =	sld [smem:$0x7FA]  }
0x383: {  	v2 =	vld [tilespmem:s0+$0x19C00];
	[tilespmem:s3], [sflag:$0x1] =	stream.strided.gather [spmem:s14], $0x2800, s2, s1, $0x38  }
0x384: {  	s16 =	simm.s32 $0x16500;
	s3 =	simm.s32 $0x0  }
0x385: {  	[tilespmem:s16], [sflag:$0x2] =	stream.strided.gather [spmem:s15], $0x2800, s2, s1, $0x38;
	[tilespmem:$0x1F200] =	vst v63  }
0x386: {  	s0 =	sand.u32 $0x40, s3;
	s17 =	sand.u32 $0x1C00, s3;
	_ =	swait.ge [sflag:s9], $0x2800  }
0x387: {  	s18 =	sadd.s32 $0x13D00, s17;
	s5 =	sor.u32 $0x30, s0;
	[sflag:s9] =	ssyncset.done $0x0  }
0x388: {  	s4 =	sor.u32 s5, s18;
	[sflag:s9] =	ssyncadd.s32 $0xFFFFD800  }
0x389: {  	v1 =	vld [tilespmem:s4+$0x0]  }
0x38a: {  	s6 =	sor.u32 s0, s18;
	v12 =	vld [tilespmem:s4+$0x80]  }
0x38b: {  	v13 =	vld [tilespmem:s6+$0x0]  }
0x38c: {  	v14 =	vld [tilespmem:s4+$0x100]  }
0x38d: {  	s11 =	sor.u32 $0x10, s0;
	v15 =	vld [tilespmem:s6+$0x80]  }
0x38e: {  	s7 =	sor.u32 s11, s18;
	v16 =	vld [tilespmem:s4+$0x180]  }
0x38f: {  	v17 =	vld [tilespmem:s7+$0x0]  }
0x390: {  	v18 =	vld [tilespmem:s4+$0x200]  }
0x391: {  	s28 =	sor.u32 $0x20, s0;
	v19 =	vld [tilespmem:s7+$0x80]  }
0x392: {  	s2 =	sor.u32 s28, s18;
	v20 =	vld [tilespmem:s4+$0x280]  }
0x393: {  	v21 =	vld [tilespmem:s2+$0x0]  }
0x394: {  	v22 =	vld [tilespmem:s4+$0x300]  }
0x395: {  	v23 =	vld [tilespmem:s2+$0x80]  }
0x396: {  	s8 =	sadd.s32 $0x15100, s17;
	v11 =	vld [tilespmem:s4+$0x380]  }
0x397: {  	s19 =	sor.u32 s5, s8;
	v24 =	vld [tilespmem:s6+$0x100]  }
0x398: {  	s20 =	sadd.s32 $0x15180, s17;
	v9 =	vld [tilespmem:s19+$0x0]  }
0x399: {  	s13 =	sadd.s32 $0x15300, s17;
	s21 =	sor.u32 s5, s20;
	v25 =	vld [tilespmem:s7+$0x100]  }
0x39a: {  	s24 =	sor.u32 s5, s13;
	v7 =	vld [tilespmem:s21+$0x0]  }
0x39b: {  	s10 =	sadd.s32 $0x15200, s17;
	v3 =	vld [tilespmem:s24+$0x0]  }
0x39c: {  	s22 =	sor.u32 s5, s10;
	v26 =	vld [tilespmem:s2+$0x100]  }
0x39d: {  	s12 =	sadd.s32 $0x15280, s17;
	v10 =	vld [tilespmem:s22+$0x0]  }
0x39e: {  	s23 =	sor.u32 s5, s12;
	v27 =	vld [tilespmem:s6+$0x180]  }
0x39f: {  	s14 =	sadd.s32 $0x15380, s17;
	v8 =	vld [tilespmem:s23+$0x0]  }
0x3a0: {  	s25 =	sor.u32 s5, s14;
	v28 =	vld [tilespmem:s7+$0x180];
	[tilespmem:$0x1FF90] =	vst v3  }
0x3a1: {  	v3 =	vld [tilespmem:s25+$0x0];
	_ =	sdelay $0x3  }
0x3a2: {  	s15 =	sadd.s32 $0x15400, s17  }
0x3a3: {  	s26 =	sor.u32 s5, s15;
	v29 =	vld [tilespmem:s2+$0x180];
	[tilespmem:$0x1FFA0] =	vst v3  }
0x3a4: {  	v3 =	vld [tilespmem:s26+$0x0];
	_ =	sdelay $0x3  }
0x3a5: {  	s1 =	sadd.s32 $0x15480, s17  }
0x3a6: {  	s30 =	sor.u32 s5, s1;
	v30 =	vld [tilespmem:s6+$0x200];
	[tilespmem:$0x1FFB0] =	vst v3  }
0x3a7: {  	v3 =	vld [tilespmem:s30+$0x0];
	_ =	sdelay $0x4  }
0x3a8: {  	v31 =	vld [tilespmem:s7+$0x200];
	[tilespmem:$0x1FFC0] =	vst v3  }
0x3a9: {  	v32 =	vld [tilespmem:s2+$0x200]  }
0x3aa: {  	v33 =	vld [tilespmem:s6+$0x280]  }
0x3ab: {  	v34 =	vld [tilespmem:s7+$0x280]  }
0x3ac: {  	v35 =	vld [tilespmem:s2+$0x280]  }
0x3ad: {  	v36 =	vld [tilespmem:s6+$0x300]  }
0x3ae: {  	v37 =	vld [tilespmem:s7+$0x300]  }
0x3af: {  	v38 =	vld [tilespmem:s2+$0x300]  }
0x3b0: {  	v39 =	vld [tilespmem:s6+$0x380]  }
0x3b1: {  	v40 =	vld [tilespmem:s7+$0x380]  }
0x3b2: {  	s16 =	sor.u32 s28, s8;
	v41 =	vld [tilespmem:s2+$0x380]  }
0x3b3: {  	s17 =	sor.u32 s0, s20;
	v44 =	vld [tilespmem:s16+$0x0]  }
0x3b4: {  	s18 =	sor.u32 s11, s20;
	v45 =	vld [tilespmem:s17+$0x0]  }
0x3b5: {  	s19 =	sor.u32 s28, s20;
	v46 =	vld [tilespmem:s18+$0x0]  }
0x3b6: {  	s20 =	sor.u32 s0, s10;
	v47 =	vld [tilespmem:s19+$0x0]  }
0x3b7: {  	s21 =	sor.u32 s11, s10;
	v48 =	vld [tilespmem:s20+$0x0]  }
0x3b8: {  	s22 =	sor.u32 s28, s10;
	v49 =	vld [tilespmem:s21+$0x0]  }
0x3b9: {  	s23 =	sor.u32 s0, s12;
	v50 =	vld [tilespmem:s22+$0x0]  }
0x3ba: {  	s24 =	sor.u32 s11, s12;
	v51 =	vld [tilespmem:s23+$0x0]  }
0x3bb: {  	s25 =	sor.u32 s28, s12;
	v52 =	vld [tilespmem:s24+$0x0]  }
0x3bc: {  	s26 =	sor.u32 s0, s13;
	v53 =	vld [tilespmem:s25+$0x0]  }
0x3bd: {  	s30 =	sor.u32 s11, s13;
	v54 =	vld [tilespmem:s26+$0x0]  }
0x3be: {  	s9 =	sor.u32 s28, s14;
	v55 =	vld [tilespmem:s30+$0x0]  }
0x3bf: {  	s10 =	sor.u32 s0, s15;
	v59 =	vld [tilespmem:s9+$0x0]  }
0x3c0: {  	s12 =	sor.u32 s11, s15;
	v60 =	vld [tilespmem:s10+$0x0]  }
0x3c1: {  	s6 =	sor.u32 s0, s8;
	v61 =	vld [tilespmem:s12+$0x0]  }
0x3c2: {  	s7 =	sor.u32 s11, s8;
	v42 =	vld [tilespmem:s6+$0x0]  }
0x3c3: {  	s8 =	sor.u32 s11, s14;
	v43 =	vld [tilespmem:s7+$0x0]  }
0x3c4: {  	s6 =	sor.u32 s28, s13;
	v58 =	vld [tilespmem:s8+$0x0]  }
0x3c5: {  	s7 =	sor.u32 s0, s14;
	v56 =	vld [tilespmem:s6+$0x0]  }
0x3c6: {  	s13 =	sor.u32 s28, s15;
	v57 =	vld [tilespmem:s7+$0x0]  }
0x3c7: {  	s31 =	simm.s32 $0x40;
	s0 =	sor.u32 s0, s1;
	s14 =	simm.s32 $0x200;
	v62 =	vld [tilespmem:s13+$0x0]  }
0x3c8: {  	s29 =	sand.u32 $0x40, s31;
	s15 =	sor.u32 s11, s1;
	s16 =	sand.u32 $0x1C00, s14;
	v63 =	vld [tilespmem:s0+$0x0]  }
0x3c9: {  	v1 =	vadd.f32 v12, v1;
	s19 =	sor.u32 $0x30, s29;
	s1 =	sor.u32 s28, s1;
	v5 =	vld [tilespmem:s15+$0x0];
	s9 =	sadd.s32 $0x13D00, s16  }
0x3ca: {  	v6 =	vld [tilespmem:s1+$0x0];
	s17 =	sor.u32 s19, s9  }
0x3cb: {  	v1 =	vadd.f32 v14, v1;
	v12 =	vld [tilespmem:s17+$0x0]  }
0x3cc: {  	s18 =	sor.u32 s29, s9;
	v14 =	vld [tilespmem:s17+$0x80]  }
0x3cd: {  	v1 =	vadd.f32 v16, v1;
	v4 =	vld [tilespmem:s18+$0x0]  }
0x3ce: {  	v16 =	vld [tilespmem:s17+$0x100]  }
0x3cf: {  	v1 =	vadd.f32 v18, v1;
	v3 =	vld [tilespmem:s17+$0x180]  }
0x3d0: {  	v13 =	vadd.f32 v15, v13;
	v17 =	vadd.f32 v19, v17;
	v18 =	vld [tilespmem:s17+$0x200]  }
0x3d1: {  	v1 =	vadd.f32 v20, v1;
	v15 =	vld [tilespmem:s17+$0x280]  }
0x3d2: {  	v13 =	vadd.f32 v24, v13;
	v17 =	vadd.f32 v25, v17;
	s20 =	sadd.s32 $0x15100, s16;
	v19 =	vld [tilespmem:s17+$0x300]  }
0x3d3: {  	v20 =	vadd.f32 v23, v21;
	v1 =	vadd.f32 v22, v1;
	s6 =	sadd.s32 $0x15180, s16;
	s21 =	sor.u32 s19, s20;
	v21 =	vld [tilespmem:s17+$0x380]  }
0x3d4: {  	v13 =	vadd.f32 v27, v13;
	s2 =	sadd.s32 $0x15200, s16;
	s22 =	sor.u32 s19, s6;
	v22 =	vld [tilespmem:s21+$0x0]  }
0x3d5: {  	v1 =	vadd.f32 v11, v1;
	v11 =	vadd.f32 v28, v17;
	s7 =	sadd.s32 $0x15280, s16;
	s23 =	sor.u32 s19, s2;
	v23 =	vld [tilespmem:s22+$0x0]  }
0x3d6: {  	v30 =	vadd.f32 v30, v13;
	s25 =	sadd.s32 $0x15300, s16;
	s24 =	sor.u32 s19, s7;
	v24 =	vld [tilespmem:s23+$0x0]  }
0x3d7: {  	v1 =	vadd.f32 v9, v1;
	v9 =	vadd.f32 v31, v11;
	s14 =	sadd.s32 $0x15400, s16;
	s26 =	sor.u32 s19, s25;
	v13 =	vld [tilespmem:s24+$0x0]  }
0x3d8: {  	s10 =	sor.u32 s19, s14;
	v17 =	vld [tilespmem:s26+$0x0]  }
0x3d9: {  	v20 =	vadd.f32 v26, v20;
	s15 =	sor.u32 $0x10, s29;
	v34 =	vadd.f32 v34, v9;
	v9 =	vld [tilespmem:s10+$0x0]  }
0x3da: {  	s13 =	sor.u32 s15, s9;
	v26 =	vld [tilespmem:s18+$0x80]  }
0x3db: {  	v20 =	vadd.f32 v29, v20;
	v27 =	vld [tilespmem:s13+$0x0]  }
0x3dc: {  	v28 =	vld [tilespmem:s18+$0x100]  }
0x3dd: {  	v7 =	vadd.f32 v7, v1;
	v20 =	vadd.f32 v32, v20;
	v29 =	vld [tilespmem:s13+$0x100]  }
0x3de: {  	v25 =	vadd.f32 v33, v30;
	v30 =	vld [tilespmem:s18+$0x180]  }
0x3df: {  	v7 =	vadd.f32 v10, v7;
	v31 =	vld [tilespmem:s13+$0x180];
	v20 =	vadd.f32 v35, v20  }
0x3e0: {  	s24 =	sadd.s32 $0x15380, s16;
	v32 =	vld [tilespmem:s18+$0x200];
	v25 =	vadd.f32 v36, v25;
	v10 =	vadd.f32 v37, v34  }
0x3e1: {  	v7 =	vadd.f32 v8, v7;
	v33 =	vld [tilespmem:s13+$0x200];
	s30 =	sor.u32 s19, s24;
	v20 =	vadd.f32 v38, v20  }
0x3e2: {  	s16 =	sadd.s32 $0x15480, s16;
	v11 =	vld [tilespmem:s30+$0x0];
	v25 =	vadd.f32 v39, v25;
	v8 =	vadd.f32 v40, v10  }
0x3e3: {  	s12 =	sor.u32 s19, s16;
	v10 =	vld [tilespmem:s13+$0x80];
	v12 =	vadd.f32 v14, v12;
	v4 =	vadd.f32 v26, v4  }
0x3e4: {  	v1 =	vld [tilespmem:s12+$0x0];
	v20 =	vadd.f32 v41, v20;
	v25 =	vadd.f32 v42, v25  }
0x3e5: {  	v34 =	vld [tilespmem:s18+$0x280];
	v8 =	vadd.f32 v43, v8;
	v12 =	vadd.f32 v16, v12  }
0x3e6: {  	v42 =	vld [tilespmem:$0x1FF90];
	v4 =	vadd.f32 v28, v4;
	v20 =	vadd.f32 v44, v20  }
0x3e7: {  	v35 =	vld [tilespmem:s13+$0x280];
	v25 =	vadd.f32 v45, v25;
	v8 =	vadd.f32 v46, v8  }
0x3e8: {  	v36 =	vld [tilespmem:s18+$0x300];
	v3 =	vadd.f32 v3, v12;
	v10 =	vadd.f32 v10, v27  }
0x3e9: {  	v38 =	vld [tilespmem:s13+$0x380];
	v4 =	vadd.f32 v30, v4;
	v20 =	vadd.f32 v47, v20  }
0x3ea: {  	s8 =	sor.u32 $0x20, s29;
	v45 =	vld [tilespmem:$0x1FFA0];
	v25 =	vadd.f32 v48, v25;
	v8 =	vadd.f32 v49, v8  }
0x3eb: {  	s0 =	sor.u32 s8, s9;
	v14 =	vld [tilespmem:s18+$0x380];
	v7 =	vadd.f32 v42, v7;
	v3 =	vadd.f32 v18, v3  }
0x3ec: {  	v43 =	vld [tilespmem:s0+$0x80];
	v10 =	vadd.f32 v29, v10;
	v8 =	vadd.f32 v52, v8  }
0x3ed: {  	v44 =	vld [tilespmem:s0+$0x100];
	v4 =	vadd.f32 v32, v4;
	v20 =	vadd.f32 v50, v20  }
0x3ee: {  	v48 =	vld [tilespmem:$0x1FFB0];
	v25 =	vadd.f32 v51, v25;
	v8 =	vadd.f32 v55, v8  }
0x3ef: {  	v46 =	vld [tilespmem:s0+$0x280];
	v7 =	vadd.f32 v45, v7;
	v3 =	vadd.f32 v15, v3  }
0x3f0: {  	v42 =	vld [tilespmem:s0+$0x0];
	v10 =	vadd.f32 v31, v10;
	v8 =	vadd.f32 v58, v8  }
0x3f1: {  	v47 =	vld [tilespmem:s0+$0x300];
	v4 =	vadd.f32 v34, v4;
	v20 =	vadd.f32 v53, v20  }
0x3f2: {  	s17 =	sor.u32 s29, s20;
	v51 =	vld [tilespmem:$0x1FFC0];
	v25 =	vadd.f32 v54, v25;
	v8 =	vadd.f32 v61, v8  }
0x3f3: {  	v49 =	vld [tilespmem:s17+$0x0];
	v7 =	vadd.f32 v48, v7;
	v3 =	vadd.f32 v19, v3  }
0x3f4: {  	s18 =	sor.u32 s15, s20;
	v10 =	vadd.f32 v33, v10;
	v5 =	vadd.f32 v5, v8;
	v8 =	vld [tilespmem:s0+$0x180]  }
0x3f5: {  	v50 =	vld [tilespmem:s18+$0x0];
	v4 =	vadd.f32 v36, v4;
	v12 =	vadd.f32 v43, v42  }
0x3f6: {  	s21 =	sor.u32 s29, s6;
	v45 =	vld [tilespmem:s0+$0x200];
	v20 =	vadd.f32 v56, v20;
	v25 =	vadd.f32 v57, v25  }
0x3f7: {  	s22 =	sor.u32 s15, s6;
	v52 =	vld [tilespmem:s21+$0x0];
	v7 =	vadd.f32 v51, v7;
	v12 =	vadd.f32 v44, v12  }
0x3f8: {  	v53 =	vld [tilespmem:s22+$0x0];
	v3 =	vadd.f32 v21, v3;
	v10 =	vadd.f32 v35, v10  }
0x3f9: {  	s23 =	sor.u32 s8, s6;
	v57 =	vld [tilespmem:s13+$0x300];
	v4 =	vadd.f32 v14, v4;
	v8 =	vadd.f32 v8, v12  }
0x3fa: {  	s26 =	sor.u32 s29, s2;
	v54 =	vld [tilespmem:s23+$0x0];
	v40 =	vadd.f32 v59, v20;
	v3 =	vadd.f32 v22, v3  }
0x3fb: {  	v55 =	vld [tilespmem:s26+$0x0];
	v41 =	vadd.f32 v60, v25;
	v8 =	vadd.f32 v45, v8  }
0x3fc: {  	s30 =	sor.u32 s15, s2;
	v48 =	vld [tilespmem:s0+$0x380];
	v4 =	vadd.f32 v49, v4;
	v3 =	vadd.f32 v23, v3  }
0x3fd: {  	s20 =	sor.u32 s8, s20;
	v56 =	vld [tilespmem:s30+$0x0];
	v16 =	vadd.f32 v62, v40;
	v8 =	vadd.f32 v46, v8  }
0x3fe: {  	s4 =	sor.u32 s29, s7;
	v51 =	vld [tilespmem:s20+$0x0];
	v10 =	vadd.f32 v57, v10;
	v3 =	vadd.f32 v24, v3  }
0x3ff: {  	s6 =	sor.u32 s15, s7;
	v58 =	vld [tilespmem:s4+$0x0];
	v20 =	vadd.f32 v63, v41;
	v8 =	vadd.f32 v47, v8  }
0x400: {  	s7 =	sor.u32 s8, s7;
	v59 =	vld [tilespmem:s6+$0x0];
	v10 =	vadd.f32 v38, v10;
	v3 =	vadd.f32 v13, v3  }
0x401: {  	s2 =	sor.u32 s8, s2;
	v60 =	vld [tilespmem:s7+$0x0];
	v4 =	vadd.f32 v52, v4;
	v8 =	vadd.f32 v48, v8  }
0x402: {  	s9 =	sand.u32 $0x380, s3;
	s3 =	simm.s32 $0x19720;
	s10 =	sor.u32 s29, s25;
	v57 =	vld [tilespmem:s2+$0x0];
	v10 =	vadd.f32 v50, v10;
	v3 =	vadd.f32 v17, v3  }
0x403: {  	s12 =	sor.u32 s15, s25;
	s18 =	simm.s32 $0x0;
	s20 =	sor.u32 s8, s25;
	v61 =	vld [tilespmem:s10+$0x0];
	v6 =	vadd.f32 v6, v16;
	v8 =	vadd.f32 v51, v8  }
0x404: {  	s21 =	sor.u32 s29, s24;
	s22 =	sor.u32 s15, s24;
	s0 =	sadd.s32 $0x19980, s9;
	v62 =	vld [tilespmem:s20+$0x0];
	v10 =	vadd.f32 v53, v10;
	v3 =	vadd.f32 v11, v3  }
0x405: {  	s13 =	sor.u32 s11, s0;
	s17 =	sor.u32 s28, s0;
	s0 =	sor.u32 s5, s0;
	v4 =	vadd.f32 v55, v4;
	v11 =	vld [tilespmem:s12+$0x0];
	v8 =	vadd.f32 v54, v8  }
0x406: {  	s23 =	sor.u32 s8, s24;
	s24 =	sor.u32 s29, s14;
	s26 =	sand.u32 $0x380, s31;
	v63 =	vld [tilespmem:s21+$0x0];
	[tilespmem:s0+$0x0] =	vst v7;
	v3 =	vadd.f32 v9, v3;
	v9 =	vadd.f32 v56, v10  }
0x407: {  	s31 =	simm.s32 $0x400;
	s25 =	sor.u32 s15, s14;
	s10 =	sor.u32 s29, s16;
	[tilespmem:s13+$0x0] =	vst v5;
	v5 =	vld [tilespmem:s23+$0x0];
	v7 =	vadd.f32 v57, v8;
	v8 =	vadd.f32 v58, v4  }
0x408: {  	s6 =	sor.u32 s15, s16;
	s29 =	simm.s32 $0x4;
	s2 =	simm.s32 $0x19980;
	v1 =	vadd.f32 v1, v3;
	v9 =	vadd.f32 v59, v9;
	v4 =	vld [tilespmem:s22+$0x0]  }
0x409: {  	s9 =	sadd.s32 $0x19980, s26;
	s11 =	simm.s32 $0x19220;
	s5 =	simm.s32 $0x18D20;
	[tilespmem:s2+$0x0] =	vst v20;
	v3 =	vld [tilespmem:s24+$0x0];
	v7 =	vadd.f32 v60, v7;
	v8 =	vadd.f32 v61, v8  }
0x40a: {  	s28 =	sor.u32 s8, s14;
	s7 =	sor.u32 s15, s9;
	s30 =	sor.u32 s19, s9;
	[tilespmem:s17+$0x0] =	vst v6;
	v6 =	vld [tilespmem:s25+$0x0];
	v10 =	vadd.f32 v11, v9  }
0x40b: {  	s26 =	sor.u32 s8, s9;
	s19 =	simm.s32 $0x80;
	s13 =	sor.u32 s8, s16;
	[tilespmem:s30+$0x0] =	vst v1;
	v9 =	vadd.f32 v62, v7;
	v8 =	vadd.f32 v63, v8;
	v7 =	vld [tilespmem:s28+$0x0]  }
.LBB2_25:
0x40c: {  	s12 =	sand.u32 $0x40, s19;
	s9 =	sand.u32 $0x1C00, s31;
	v1 =	vld [tilespmem:s10+$0x0]  }
0x40d: {  	s0 =	sadd.s32 $0x13D00, s9;
	s14 =	sor.u32 $0x30, s12;
	v4 =	vadd.f32 v4, v10;
	v10 =	vld [tilespmem:s6+$0x0]  }
0x40e: {  	s1 =	sor.u32 s14, s0;
	v3 =	vadd.f32 v3, v8;
	v8 =	vld [tilespmem:s13+$0x0]  }
0x40f: {  	v5 =	vadd.f32 v5, v9;
	v9 =	vld [tilespmem:s1+$0x0]  }
0x410: {  	s24 =	sor.u32 s12, s0;
	v4 =	vadd.f32 v6, v4;
	v6 =	vld [tilespmem:s1+$0x80]  }
0x411: {  	v5 =	vadd.f32 v7, v5;
	v7 =	vld [tilespmem:s24+$0x0];
	v1 =	vadd.f32 v1, v3  }
0x412: {  	s2 =	sadd.s32 $0x40, s2;
	v3 =	vld [tilespmem:s1+$0x100];
	v4 =	vadd.f32 v10, v4  }
0x413: {  	v10 =	vld [tilespmem:s24+$0x80];
	[tilespmem:s2+$0x0] =	vst v1;
	v1 =	vadd.f32 v8, v5  }
0x414: {  	s25 =	sor.u32 $0x10, s12;
	v5 =	vld [tilespmem:s1+$0x180];
	[tilespmem:s7+$0x0] =	vst v4  }
0x415: {  	s15 =	sor.u32 s25, s0;
	[tilespmem:s26+$0x0] =	vst v1;
	v1 =	vld [tilespmem:s1+$0x200]  }
0x416: {  	s8 =	sor.u32 $0x20, s12;
	v4 =	vld [tilespmem:s15+$0x0]  }
0x417: {  	s16 =	sor.u32 s8, s0;
	v6 =	vadd.f32 v6, v9;
	v8 =	vld [tilespmem:s15+$0x80]  }
0x418: {  	v9 =	vld [tilespmem:s16+$0x0]  }
0x419: {  	v11 =	vld [tilespmem:s15+$0x100];
	v3 =	vadd.f32 v3, v6  }
0x41a: {  	v6 =	vadd.f32 v10, v7;
	v7 =	vld [tilespmem:s1+$0x280]  }
0x41b: {  	v10 =	vld [tilespmem:s16+$0x80];
	v3 =	vadd.f32 v5, v3  }
0x41c: {  	v5 =	vld [tilespmem:s1+$0x300]  }
0x41d: {  	s17 =	sadd.s32 $0x15100, s9;
	v1 =	vadd.f32 v1, v3;
	v3 =	vadd.f32 v8, v4;
	v4 =	vld [tilespmem:s1+$0x380]  }
0x41e: {  	s22 =	sor.u32 s14, s17;
	v8 =	vld [tilespmem:s24+$0x100]  }
0x41f: {  	s4 =	sadd.s32 $0x15180, s9;
	v1 =	vadd.f32 v7, v1;
	v7 =	vld [tilespmem:s22+$0x0]  }
0x420: {  	s28 =	sor.u32 s14, s4;
	v3 =	vadd.f32 v11, v3;
	v11 =	vld [tilespmem:s15+$0x180]  }
0x421: {  	s30 =	sadd.s32 $0x15200, s9;
	v1 =	vadd.f32 v5, v1;
	v5 =	vadd.f32 v10, v9;
	v9 =	vld [tilespmem:s28+$0x0]  }
0x422: {  	s7 =	sor.u32 s14, s30;
	v10 =	vld [tilespmem:s16+$0x100]  }
0x423: {  	s10 =	sadd.s32 $0x15280, s9;
	s20 =	sor.u32 s12, s17;
	v1 =	vadd.f32 v4, v1;
	v4 =	vadd.f32 v8, v6;
	v6 =	vld [tilespmem:s7+$0x0]  }
0x424: {  	s21 =	sor.u32 s25, s17;
	s0 =	sor.u32 s8, s17;
	[dreg:$0x15] =	wrdreg s20;
	v8 =	vld [tilespmem:s24+$0x180]  }
0x425: {  	s23 =	sor.u32 s12, s4;
	s17 =	sor.u32 s14, s10;
	[dreg:$0x9] =	wrdreg s21;
	v3 =	vadd.f32 v11, v3;
	v11 =	vld [tilespmem:s15+$0x200]  }
0x426: {  	s20 =	sadd.s32 $0x15300, s9;
	s6 =	sor.u32 s25, s30;
	s13 =	sor.u32 s25, s10;
	v1 =	vadd.f32 v7, v1;
	v7 =	vld [tilespmem:s17+$0x0]  }
0x427: {  	s21 =	sor.u32 s14, s20;
	[dreg:$0x17] =	wrdreg s6;
	s26 =	sor.u32 s25, s4;
	v5 =	vadd.f32 v10, v5;
	v10 =	vld [tilespmem:s16+$0x180]  }
0x428: {  	s4 =	sor.u32 s8, s4;
	[dreg:$0xf] =	wrdreg s26;
	s26 =	sadd.s32 $0x15380, s9;
	v1 =	vadd.f32 v9, v1;
	v9 =	vld [tilespmem:s21+$0x0]  }
0x429: {  	[dreg:$0x19] =	wrdreg s4;
	s4 =	sor.u32 s12, s30;
	s17 =	sor.u32 s12, s26;
	v4 =	vadd.f32 v8, v4;
	v8 =	vld [tilespmem:s24+$0x200]  }
0x42a: {  	s6 =	sor.u32 s14, s26;
	s1 =	sor.u32 s8, s30;
	s7 =	sadd.s32 $0x15400, s9;
	v12 =	vld [tilespmem:s17+$0x0];
	v1 =	vadd.f32 v6, v1  }
0x42b: {  	s30 =	sor.u32 s12, s10;
	s28 =	sor.u32 s8, s10;
	s10 =	sor.u32 s14, s7;
	v6 =	vld [tilespmem:s6+$0x0]  }
0x42c: {  	[dreg:$0x1d] =	wrdreg s13;
	v1 =	vadd.f32 v7, v1;
	v7 =	vld [tilespmem:s10+$0x0]  }
0x42d: {  	s13 =	sadd.s32 $0x15480, s9;
	[dreg:$0x1e] =	wrdreg s1;
	v5 =	vadd.f32 v10, v5;
	v10 =	vld [tilespmem:s16+$0x200]  }
0x42e: {  	s1 =	sor.u32 s8, s26;
	s21 =	sor.u32 s25, s26;
	s26 =	sor.u32 s14, s13;
	v1 =	vadd.f32 v9, v1;
	v4 =	vadd.f32 v8, v4;
	v8 =	vld [tilespmem:s15+$0x280]  }
0x42f: {  	v9 =	vld [tilespmem:s26+$0x0]  }
0x430: {  	v1 =	vadd.f32 v6, v1;
	v6 =	vld [tilespmem:s24+$0x280]  }
0x431: {  	v3 =	vadd.f32 v11, v3;
	v11 =	vld [tilespmem:s24+$0x300]  }
0x432: {  	[dreg:$0x10] =	wrdreg s0;
	s22 =	sor.u32 s12, s20;
	v1 =	vadd.f32 v7, v1;
	v7 =	vld [tilespmem:s16+$0x280]  }
0x433: {  	s0 =	sor.u32 s12, s7;
	s10 =	sor.u32 s12, s13;
	s12 =	sand.u32 $0x380, s19;
	v3 =	vadd.f32 v8, v3;
	v8 =	vld [tilespmem:s15+$0x380]  }
0x434: {  	s12 =	sadd.s32 $0x19980, s12;
	v1 =	vadd.f32 v9, v1;
	v9 =	vld [tilespmem:s15+$0x300]  }
0x435: {  	[dreg:$0x16] =	wrdreg s23;
	s14 =	sor.u32 s14, s12;
	v5 =	vadd.f32 v10, v5;
	v4 =	vadd.f32 v6, v4;
	v6 =	vld [tilespmem:s16+$0x300]  }
0x436: {  	[dreg:$0x1c] =	wrdreg s4;
	[tilespmem:s14+$0x0] =	vst v1;
	v1 =	vld [tilespmem:s24+$0x380]  }
0x437: {  	v5 =	vadd.f32 v7, v5;
	v7 =	vld [tilespmem:s16+$0x380];
	s16 =	rddreg [dreg:$0x15]  }
0x438: {  	s4 =	sor.u32 s25, s7;
	s9 =	sor.u32 s8, s7;
	s24 =	rddreg [dreg:$0x9];
	v10 =	vld [tilespmem:s16+$0x0]  }
0x439: {  	s7 =	sor.u32 s25, s12;
	s26 =	sor.u32 s8, s12;
	s12 =	rddreg [dreg:$0x16];
	v4 =	vadd.f32 v11, v4;
	v3 =	vadd.f32 v9, v3;
	v9 =	vld [tilespmem:s24+$0x0]  }
0x43a: {  	s23 =	sor.u32 s25, s20;
	s6 =	sor.u32 s25, s13;
	s25 =	rddreg [dreg:$0x10];
	v5 =	vadd.f32 v6, v5;
	v6 =	vld [tilespmem:s12+$0x0]  }
0x43b: {  	s14 =	rddreg [dreg:$0xf];
	v1 =	vadd.f32 v1, v4;
	v4 =	vld [tilespmem:s25+$0x0]  }
0x43c: {  	s15 =	rddreg [dreg:$0x19];
	v3 =	vadd.f32 v8, v3;
	v8 =	vld [tilespmem:s14+$0x0]  }
0x43d: {  	s16 =	rddreg [dreg:$0x1c];
	v5 =	vadd.f32 v7, v5;
	v7 =	vld [tilespmem:s15+$0x0]  }
0x43e: {  	s24 =	rddreg [dreg:$0x17];
	v1 =	vadd.f32 v10, v1;
	v10 =	vld [tilespmem:s16+$0x0]  }
0x43f: {  	v3 =	vadd.f32 v9, v3;
	v9 =	vld [tilespmem:s24+$0x0]  }
0x440: {  	s25 =	rddreg [dreg:$0x1e];
	v1 =	vadd.f32 v6, v1;
	v6 =	vld [tilespmem:s30+$0x0]  }
0x441: {  	s30 =	rddreg [dreg:$0x1d];
	v4 =	vadd.f32 v4, v5;
	v5 =	vld [tilespmem:s25+$0x0]  }
0x442: {  	v3 =	vadd.f32 v8, v3;
	v8 =	vld [tilespmem:s30+$0x0]  }
0x443: {  	v4 =	vadd.f32 v7, v4;
	v7 =	vld [tilespmem:s28+$0x0]  }
0x444: {  	v1 =	vadd.f32 v10, v1;
	v10 =	vld [tilespmem:s22+$0x0]  }
0x445: {  	s29 =	sadd.s32 $0x4, s29;
	s20 =	sor.u32 s8, s20;
	v3 =	vadd.f32 v9, v3;
	v9 =	vld [tilespmem:s23+$0x0]  }
0x446: {  	p0 =	slt.u32 s29, $0x24;
	v11 =	vld [tilespmem:s20+$0x0]  }
.Ltmp11:
0x447: {  	v1 =	vadd.f32 v6, v1;
	v5 =	vadd.f32 v5, v4;
	v4 =	vld [tilespmem:s21+$0x0];
	(pc) =	sbr.rel @p0 .LBB2_25-.Ltmp11, $4  }
0x448: {  	v6 =	vadd.f32 v8, v3;
	v3 =	vld [tilespmem:s0+$0x0]  }
0x449: {  	v7 =	vadd.f32 v7, v5;
	v1 =	vadd.f32 v10, v1;
	v5 =	vld [tilespmem:s1+$0x0]  }
0x44a: {  	v10 =	vadd.f32 v9, v6;
	v6 =	vld [tilespmem:s4+$0x0]  }
0x44b: {  	s31 =	sadd.s32 $0x200, s31;
	s13 =	sor.u32 s8, s13;
	s19 =	sadd.s32 $0x40, s19;
	v9 =	vadd.f32 v11, v7;
	v8 =	vadd.f32 v12, v1;
	v7 =	vld [tilespmem:s9+$0x0]  }
0x44c: {  	v1 =	vld [tilespmem:s10+$0x0]  }
0x44d: {  	v11 =	vld [tilespmem:s6+$0x0]  }
0x44e: {  	v4 =	vadd.f32 v4, v10;
	v10 =	vld [tilespmem:s13+$0x0]  }
0x44f: {  	v3 =	vadd.f32 v3, v8;
	v5 =	vadd.f32 v5, v9  }
0x450: {  	v4 =	vadd.f32 v6, v4  }
0x451: {  	v5 =	vadd.f32 v7, v5;
	v1 =	vadd.f32 v1, v3  }
0x452: {  	s0 =	sadd.s32 $0x40, s2;
	v3 =	vadd.f32 v11, v4  }
0x453: {  	[tilespmem:s0+$0x0] =	vst v1;
	v1 =	vadd.f32 v10, v5  }
0x454: {  	[tilespmem:s7+$0x0] =	vst v3  }
0x455: {  	s31 =	simm.s32 $0x199A0;
	[tilespmem:s26+$0x0] =	vst v1  }
0x456: {  	v1 =	vld [tilespmem:s31+$0x10]  }
0x457: {  	v3 =	vld [tilespmem:s5+$0x10]  }
0x458: {  	v7 =	vld [tilespmem:s31+$0xFFFFFFE0]  }
0x459: {  	v6 =	vld [tilespmem:s3+$0x10]  }
0x45a: {  	v8 =	vld [tilespmem:s5+$0xFFFFFFE0]  }
0x45b: {  	v9 =	vld [tilespmem:s31+$0xFFFFFFF0]  }
0x45c: {  	v10 =	vld [tilespmem:s5+$0xFFFFFFF0];
	v1 =	vadd.f32 v3, v1  }
0x45d: {  	v5 =	vld [tilespmem:s11+$0x10]  }
0x45e: {  	v11 =	vld [tilespmem:s31+$0x0];
	v1 =	vmul.f32 v1, v6  }
0x45f: {  	v12 =	vld [tilespmem:s5+$0x0]  }
0x460: {  	v4 =	vld [tilespmem:s3+$0xFFFFFFF0];
	v13 =	vmul.f32 v1, v2  }
0x461: {  	v3 =	vld [tilespmem:s3+$0x0]  }
0x462: {  	v13 =	vadd.f32 v13, v5;
	v5 =	vld [tilespmem:s3+$0xFFFFFFE0]  }
0x463: {  	v10 =	vadd.f32 v10, v9;
	v9 =	vld [tilespmem:s11+$0xFFFFFFF0];
	v1 =	vmul.f32 v1, v6  }
0x464: {  	v7 =	vadd.f32 v8, v7;
	v11 =	vadd.f32 v12, v11;
	v8 =	vld [tilespmem:s11+$0x0];
	[tilespmem:s11+$0x10] =	vst v13  }
0x465: {  	s2 =	simm.s32 $0x199E0;
	s1 =	simm.s32 $0x19220;
	s0 =	simm.s32 $0x18D20;
	v10 =	vmul.f32 v10, v4;
	v6 =	vld [tilespmem:s11+$0xFFFFFFE0];
	[tilespmem:s5+$0x10] =	vst v1  }
.LBB2_27:
0x466: {  	v1 =	vld [tilespmem:s2+$0x10];
	v11 =	vmul.f32 v11, v3;
	s5 =	sadd.s32 $0x40, s5  }
0x467: {  	v12 =	vld [tilespmem:s5+$0x10];
	v7 =	vmul.f32 v7, v5;
	v13 =	vmul.f32 v10, v2  }
0x468: {  	s18 =	sadd.s32 $0x4, s18;
	s3 =	sadd.s32 $0x40, s3;
	v4 =	vmul.f32 v10, v4;
	v14 =	vld [tilespmem:s2+$0xFFFFFFE0];
	v10 =	vmul.f32 v11, v2  }
0x469: {  	p0 =	slt.u32 s18, $0x24;
	v15 =	vld [tilespmem:s3+$0x10];
	v16 =	vmul.f32 v7, v2;
	v5 =	vmul.f32 v7, v5;
	v7 =	vadd.f32 v13, v9  }
0x46a: {  	v3 =	vmul.f32 v11, v3;
	v9 =	vld [tilespmem:s5+$0xFFFFFFE0];
	v8 =	vadd.f32 v10, v8  }
0x46b: {  	v10 =	vld [tilespmem:s2+$0xFFFFFFF0];
	v6 =	vadd.f32 v16, v6;
	[tilespmem:s11+$0xFFFFFFF0] =	vst v7  }
0x46c: {  	s11 =	sadd.s32 $0x40, s11;
	v11 =	vld [tilespmem:s5+$0xFFFFFFF0];
	v1 =	vadd.f32 v12, v1;
	[tilespmem:s0+$0xFFFFFFF0] =	vst v4  }
0x46d: {  	v12 =	vld [tilespmem:s11+$0x10];
	[tilespmem:s1+$0xFFFFFFE0] =	vst v6  }
0x46e: {  	v13 =	vld [tilespmem:s2+$0x0];
	v1 =	vmul.f32 v1, v15;
	[tilespmem:s0+$0xFFFFFFE0] =	vst v5  }
0x46f: {  	v7 =	vadd.f32 v9, v14;
	v14 =	vld [tilespmem:s5+$0x0];
	[tilespmem:s1+$0x0] =	vst v8;
	s1 =	smov.u32 s11  }
0x470: {  	v4 =	vld [tilespmem:s3+$0xFFFFFFF0];
	v6 =	vmul.f32 v1, v2;
	[tilespmem:s0+$0x0] =	vst v3;
	s0 =	smov.u32 s5  }
.Ltmp12:
0x471: {  	v8 =	vadd.f32 v11, v10;
	v3 =	vld [tilespmem:s3+$0x0];
	(pc) =	sbr.rel @p0 .LBB2_27-.Ltmp12, $4  }
0x472: {  	v5 =	vld [tilespmem:s3+$0xFFFFFFE0];
	v10 =	vadd.f32 v6, v12  }
0x473: {  	v1 =	vmul.f32 v1, v15;
	v6 =	vld [tilespmem:s11+$0xFFFFFFE0]  }
0x474: {  	v9 =	vld [tilespmem:s11+$0xFFFFFFF0];
	v11 =	vadd.f32 v14, v13;
	[tilespmem:s11+$0x10] =	vst v10  }
0x475: {  	s2 =	sadd.s32 $0x40, s2;
	v10 =	vmul.f32 v8, v4;
	v8 =	vld [tilespmem:s11+$0x0];
	[tilespmem:s5+$0x10] =	vst v1  }
0x476: {  	_ = 	snop  }
0x477: {  	v1 =	vmul.f32 v7, v5;
	v7 =	vmul.f32 v10, v2;
	_ =	sdelay $0x1  }
0x478: {  	v11 =	vmul.f32 v11, v3;
	v12 =	vmul.f32 v1, v2;
	v7 =	vadd.f32 v7, v9  }
0x479: {  	v4 =	vmul.f32 v10, v4  }
0x47a: {  	v9 =	vmul.f32 v11, v2;
	v6 =	vadd.f32 v12, v6;
	[tilespmem:s11+$0xFFFFFFF0] =	vst v7  }
0x47b: {  	v1 =	vmul.f32 v1, v5;
	[tilespmem:s0+$0xFFFFFFF0] =	vst v4  }
0x47c: {  	v4 =	vadd.f32 v9, v8;
	[tilespmem:s1+$0xFFFFFFE0] =	vst v6  }
0x47d: {  	v3 =	vmul.f32 v11, v3;
	[tilespmem:s0+$0xFFFFFFE0] =	vst v1  }
0x47e: {  	[tilespmem:s1+$0x0] =	vst v4  }
0x47f: {  	[tilespmem:s0+$0x0] =	vst v3  }
0x480: {  	s0 =	sld [smem:$0x7F4];
	_ =	sdelay $0x1  }
0x481: {  	s30 =	simm.s32 $0x80;
	s2 =	simm.s32 $0x18D00;
	s3 =	simm.s32 $0x100  }
0x482: {  	[spmem:s0] =	stream.strided.scatter [tilespmem:s2], [sflag:$0x3], $0x280, s3, s30, $0x38;
	[tilespmem:$0x1F200] =	vst v63  }
0x483: {  	s4 =	simm.s32 $0x2;
	s2 =	simm.s32 $0x0  }
0x484: {  	_ =	swait.ge [sflag:s4], $0x2800;
	s0 =	sand.u32 $0x40, s2;
	s31 =	sand.u32 $0x1C00, s2  }
0x485: {  	[sflag:s4] =	ssyncset.done $0x0;
	s16 =	sadd.s32 $0x16500, s31;
	s5 =	sor.u32 $0x30, s0  }
0x486: {  	[sflag:s4] =	ssyncadd.s32 $0xFFFFD800;
	s17 =	sor.u32 s5, s16  }
0x487: {  	v1 =	vld [tilespmem:s17+$0x0]  }
0x488: {  	s6 =	sor.u32 s0, s16;
	v12 =	vld [tilespmem:s17+$0x80]  }
0x489: {  	v13 =	vld [tilespmem:s6+$0x0]  }
0x48a: {  	v14 =	vld [tilespmem:s17+$0x100]  }
0x48b: {  	s11 =	sor.u32 $0x10, s0;
	v15 =	vld [tilespmem:s6+$0x80]  }
0x48c: {  	s7 =	sor.u32 s11, s16;
	v16 =	vld [tilespmem:s17+$0x180]  }
0x48d: {  	v17 =	vld [tilespmem:s7+$0x0]  }
0x48e: {  	v18 =	vld [tilespmem:s17+$0x200]  }
0x48f: {  	s18 =	sor.u32 $0x20, s0;
	v19 =	vld [tilespmem:s7+$0x80]  }
0x490: {  	s3 =	sor.u32 s18, s16;
	v20 =	vld [tilespmem:s17+$0x280]  }
0x491: {  	v21 =	vld [tilespmem:s3+$0x0]  }
0x492: {  	v22 =	vld [tilespmem:s17+$0x300]  }
0x493: {  	v23 =	vld [tilespmem:s3+$0x80]  }
0x494: {  	s8 =	sadd.s32 $0x17900, s31;
	v11 =	vld [tilespmem:s17+$0x380]  }
0x495: {  	s19 =	sor.u32 s5, s8;
	v24 =	vld [tilespmem:s6+$0x100]  }
0x496: {  	s9 =	sadd.s32 $0x17980, s31;
	v9 =	vld [tilespmem:s19+$0x0]  }
0x497: {  	s13 =	sadd.s32 $0x17B00, s31;
	s20 =	sor.u32 s5, s9;
	v25 =	vld [tilespmem:s7+$0x100]  }
0x498: {  	s23 =	sor.u32 s5, s13;
	v7 =	vld [tilespmem:s20+$0x0]  }
0x499: {  	s10 =	sadd.s32 $0x17A00, s31;
	v3 =	vld [tilespmem:s23+$0x0]  }
0x49a: {  	s21 =	sor.u32 s5, s10;
	v26 =	vld [tilespmem:s3+$0x100]  }
0x49b: {  	s12 =	sadd.s32 $0x17A80, s31;
	v10 =	vld [tilespmem:s21+$0x0]  }
0x49c: {  	s22 =	sor.u32 s5, s12;
	v27 =	vld [tilespmem:s6+$0x180]  }
0x49d: {  	s14 =	sadd.s32 $0x17B80, s31;
	v8 =	vld [tilespmem:s22+$0x0]  }
0x49e: {  	s24 =	sor.u32 s5, s14;
	v28 =	vld [tilespmem:s7+$0x180];
	[tilespmem:$0x1FF50] =	vst v3  }
0x49f: {  	v3 =	vld [tilespmem:s24+$0x0];
	_ =	sdelay $0x3  }
0x4a0: {  	s15 =	sadd.s32 $0x17C00, s31  }
0x4a1: {  	s25 =	sor.u32 s5, s15;
	v29 =	vld [tilespmem:s3+$0x180];
	[tilespmem:$0x1FF60] =	vst v3  }
0x4a2: {  	v3 =	vld [tilespmem:s25+$0x0];
	_ =	sdelay $0x3  }
0x4a3: {  	s1 =	sadd.s32 $0x17C80, s31  }
0x4a4: {  	s26 =	sor.u32 s5, s1;
	v30 =	vld [tilespmem:s6+$0x200];
	[tilespmem:$0x1FF70] =	vst v3  }
0x4a5: {  	v3 =	vld [tilespmem:s26+$0x0];
	_ =	sdelay $0x4  }
0x4a6: {  	v31 =	vld [tilespmem:s7+$0x200];
	[tilespmem:$0x1FF80] =	vst v3  }
0x4a7: {  	v32 =	vld [tilespmem:s3+$0x200]  }
0x4a8: {  	v33 =	vld [tilespmem:s6+$0x280]  }
0x4a9: {  	v34 =	vld [tilespmem:s7+$0x280]  }
0x4aa: {  	v35 =	vld [tilespmem:s3+$0x280]  }
0x4ab: {  	v36 =	vld [tilespmem:s6+$0x300]  }
0x4ac: {  	v37 =	vld [tilespmem:s7+$0x300]  }
0x4ad: {  	v38 =	vld [tilespmem:s3+$0x300]  }
0x4ae: {  	v39 =	vld [tilespmem:s6+$0x380]  }
0x4af: {  	v40 =	vld [tilespmem:s7+$0x380]  }
0x4b0: {  	s30 =	sor.u32 s0, s8;
	v41 =	vld [tilespmem:s3+$0x380]  }
0x4b1: {  	s31 =	sor.u32 s11, s8;
	v42 =	vld [tilespmem:s30+$0x0]  }
0x4b2: {  	s16 =	sor.u32 s0, s10;
	v43 =	vld [tilespmem:s31+$0x0]  }
0x4b3: {  	s17 =	sor.u32 s11, s10;
	v48 =	vld [tilespmem:s16+$0x0]  }
0x4b4: {  	s19 =	sor.u32 s18, s10;
	v49 =	vld [tilespmem:s17+$0x0]  }
0x4b5: {  	s20 =	sor.u32 s0, s12;
	v50 =	vld [tilespmem:s19+$0x0]  }
0x4b6: {  	s21 =	sor.u32 s11, s12;
	v51 =	vld [tilespmem:s20+$0x0]  }
0x4b7: {  	s22 =	sor.u32 s18, s12;
	v52 =	vld [tilespmem:s21+$0x0]  }
0x4b8: {  	s23 =	sor.u32 s0, s13;
	v53 =	vld [tilespmem:s22+$0x0]  }
0x4b9: {  	s24 =	sor.u32 s11, s13;
	v54 =	vld [tilespmem:s23+$0x0]  }
0x4ba: {  	s25 =	sor.u32 s18, s13;
	v55 =	vld [tilespmem:s24+$0x0]  }
0x4bb: {  	s26 =	sor.u32 s0, s14;
	v56 =	vld [tilespmem:s25+$0x0]  }
0x4bc: {  	s10 =	sor.u32 s11, s1;
	v57 =	vld [tilespmem:s26+$0x0]  }
0x4bd: {  	s6 =	sor.u32 s18, s8;
	v5 =	vld [tilespmem:s10+$0x0]  }
0x4be: {  	s7 =	sor.u32 s0, s9;
	v44 =	vld [tilespmem:s6+$0x0]  }
0x4bf: {  	s8 =	sor.u32 s11, s9;
	v45 =	vld [tilespmem:s7+$0x0]  }
0x4c0: {  	s9 =	sor.u32 s18, s9;
	v46 =	vld [tilespmem:s8+$0x0]  }
0x4c1: {  	s30 =	sor.u32 s11, s14;
	v47 =	vld [tilespmem:s9+$0x0]  }
0x4c2: {  	s31 =	sor.u32 s18, s14;
	v58 =	vld [tilespmem:s30+$0x0]  }
0x4c3: {  	s6 =	sor.u32 s0, s15;
	v59 =	vld [tilespmem:s31+$0x0]  }
0x4c4: {  	s7 =	sor.u32 s11, s15;
	v60 =	vld [tilespmem:s6+$0x0]  }
0x4c5: {  	s29 =	simm.s32 $0x40;
	s8 =	sor.u32 s18, s15;
	s9 =	simm.s32 $0x200;
	v61 =	vld [tilespmem:s7+$0x0]  }
0x4c6: {  	s28 =	sand.u32 $0x40, s29;
	s0 =	sor.u32 s0, s1;
	v62 =	vld [tilespmem:s8+$0x0];
	s12 =	sand.u32 $0x1C00, s9  }
0x4c7: {  	v1 =	vadd.f32 v12, v1;
	s19 =	sor.u32 $0x30, s28;
	s1 =	sor.u32 s18, s1;
	v63 =	vld [tilespmem:s0+$0x0];
	s13 =	sadd.s32 $0x16500, s12  }
0x4c8: {  	v6 =	vld [tilespmem:s1+$0x0];
	s16 =	sor.u32 s19, s13  }
0x4c9: {  	v1 =	vadd.f32 v14, v1;
	v12 =	vld [tilespmem:s16+$0x0]  }
0x4ca: {  	s17 =	sor.u32 s28, s13;
	v14 =	vld [tilespmem:s16+$0x80]  }
0x4cb: {  	v1 =	vadd.f32 v16, v1;
	v4 =	vld [tilespmem:s17+$0x0]  }
0x4cc: {  	v16 =	vld [tilespmem:s16+$0x100]  }
0x4cd: {  	v1 =	vadd.f32 v18, v1;
	v3 =	vld [tilespmem:s16+$0x180]  }
0x4ce: {  	v13 =	vadd.f32 v15, v13;
	v17 =	vadd.f32 v19, v17;
	v18 =	vld [tilespmem:s16+$0x200]  }
0x4cf: {  	v1 =	vadd.f32 v20, v1;
	v15 =	vld [tilespmem:s16+$0x280]  }
0x4d0: {  	v13 =	vadd.f32 v24, v13;
	v17 =	vadd.f32 v25, v17;
	s20 =	sadd.s32 $0x17900, s12;
	v19 =	vld [tilespmem:s16+$0x300]  }
0x4d1: {  	v20 =	vadd.f32 v23, v21;
	v1 =	vadd.f32 v22, v1;
	s6 =	sadd.s32 $0x17980, s12;
	s21 =	sor.u32 s19, s20;
	v21 =	vld [tilespmem:s16+$0x380]  }
0x4d2: {  	v13 =	vadd.f32 v27, v13;
	s7 =	sadd.s32 $0x17A00, s12;
	s22 =	sor.u32 s19, s6;
	v22 =	vld [tilespmem:s21+$0x0]  }
0x4d3: {  	v1 =	vadd.f32 v11, v1;
	v11 =	vadd.f32 v28, v17;
	s3 =	sadd.s32 $0x17A80, s12;
	s23 =	sor.u32 s19, s7;
	v23 =	vld [tilespmem:s22+$0x0]  }
0x4d4: {  	v30 =	vadd.f32 v30, v13;
	s25 =	sadd.s32 $0x17B00, s12;
	s24 =	sor.u32 s19, s3;
	v24 =	vld [tilespmem:s23+$0x0]  }
0x4d5: {  	v1 =	vadd.f32 v9, v1;
	v9 =	vadd.f32 v31, v11;
	s14 =	sadd.s32 $0x17C00, s12;
	s26 =	sor.u32 s19, s25;
	v13 =	vld [tilespmem:s24+$0x0]  }
0x4d6: {  	s31 =	sor.u32 s19, s14;
	v17 =	vld [tilespmem:s26+$0x0]  }
0x4d7: {  	v20 =	vadd.f32 v26, v20;
	s15 =	sor.u32 $0x10, s28;
	v34 =	vadd.f32 v34, v9;
	v9 =	vld [tilespmem:s31+$0x0]  }
0x4d8: {  	s10 =	sor.u32 s15, s13;
	v26 =	vld [tilespmem:s17+$0x80]  }
0x4d9: {  	v20 =	vadd.f32 v29, v20;
	v27 =	vld [tilespmem:s10+$0x0]  }
0x4da: {  	v28 =	vld [tilespmem:s17+$0x100]  }
0x4db: {  	v7 =	vadd.f32 v7, v1;
	v20 =	vadd.f32 v32, v20;
	v29 =	vld [tilespmem:s10+$0x100]  }
0x4dc: {  	v25 =	vadd.f32 v33, v30;
	v30 =	vld [tilespmem:s17+$0x180]  }
0x4dd: {  	v7 =	vadd.f32 v10, v7;
	v31 =	vld [tilespmem:s10+$0x180];
	v20 =	vadd.f32 v35, v20  }
0x4de: {  	s24 =	sadd.s32 $0x17B80, s12;
	v32 =	vld [tilespmem:s17+$0x200];
	v25 =	vadd.f32 v36, v25;
	v10 =	vadd.f32 v37, v34  }
0x4df: {  	v7 =	vadd.f32 v8, v7;
	v33 =	vld [tilespmem:s10+$0x200];
	s30 =	sor.u32 s19, s24;
	v20 =	vadd.f32 v38, v20  }
0x4e0: {  	s16 =	sadd.s32 $0x17C80, s12;
	v11 =	vld [tilespmem:s30+$0x0];
	v25 =	vadd.f32 v39, v25;
	v8 =	vadd.f32 v40, v10  }
0x4e1: {  	s9 =	sor.u32 s19, s16;
	v10 =	vld [tilespmem:s10+$0x80];
	v12 =	vadd.f32 v14, v12;
	v4 =	vadd.f32 v26, v4  }
0x4e2: {  	v1 =	vld [tilespmem:s9+$0x0];
	v20 =	vadd.f32 v41, v20;
	v25 =	vadd.f32 v42, v25  }
0x4e3: {  	v34 =	vld [tilespmem:s17+$0x280];
	v8 =	vadd.f32 v43, v8;
	v12 =	vadd.f32 v16, v12  }
0x4e4: {  	v42 =	vld [tilespmem:$0x1FF50];
	v4 =	vadd.f32 v28, v4;
	v20 =	vadd.f32 v44, v20  }
0x4e5: {  	v35 =	vld [tilespmem:s10+$0x280];
	v25 =	vadd.f32 v45, v25;
	v8 =	vadd.f32 v46, v8  }
0x4e6: {  	v36 =	vld [tilespmem:s17+$0x300];
	v3 =	vadd.f32 v3, v12;
	v10 =	vadd.f32 v10, v27  }
0x4e7: {  	v38 =	vld [tilespmem:s10+$0x380];
	v4 =	vadd.f32 v30, v4;
	v20 =	vadd.f32 v47, v20  }
0x4e8: {  	s9 =	sor.u32 $0x20, s28;
	v45 =	vld [tilespmem:$0x1FF60];
	v25 =	vadd.f32 v48, v25;
	v8 =	vadd.f32 v49, v8  }
0x4e9: {  	s0 =	sor.u32 s9, s13;
	v14 =	vld [tilespmem:s17+$0x380];
	v7 =	vadd.f32 v42, v7;
	v3 =	vadd.f32 v18, v3  }
0x4ea: {  	v43 =	vld [tilespmem:s0+$0x80];
	v10 =	vadd.f32 v29, v10;
	v8 =	vadd.f32 v52, v8  }
0x4eb: {  	v44 =	vld [tilespmem:s0+$0x100];
	v4 =	vadd.f32 v32, v4;
	v20 =	vadd.f32 v50, v20  }
0x4ec: {  	v48 =	vld [tilespmem:$0x1FF70];
	v25 =	vadd.f32 v51, v25;
	v8 =	vadd.f32 v55, v8  }
0x4ed: {  	v46 =	vld [tilespmem:s0+$0x280];
	v7 =	vadd.f32 v45, v7;
	v3 =	vadd.f32 v15, v3  }
0x4ee: {  	v42 =	vld [tilespmem:s0+$0x0];
	v10 =	vadd.f32 v31, v10;
	v8 =	vadd.f32 v58, v8  }
0x4ef: {  	v47 =	vld [tilespmem:s0+$0x300];
	v4 =	vadd.f32 v34, v4;
	v20 =	vadd.f32 v53, v20  }
0x4f0: {  	s12 =	sor.u32 s28, s20;
	v51 =	vld [tilespmem:$0x1FF80];
	v25 =	vadd.f32 v54, v25;
	v8 =	vadd.f32 v61, v8  }
0x4f1: {  	v49 =	vld [tilespmem:s12+$0x0];
	v7 =	vadd.f32 v48, v7;
	v3 =	vadd.f32 v19, v3  }
0x4f2: {  	s13 =	sor.u32 s15, s20;
	v10 =	vadd.f32 v33, v10;
	v5 =	vadd.f32 v5, v8;
	v8 =	vld [tilespmem:s0+$0x180]  }
0x4f3: {  	v50 =	vld [tilespmem:s13+$0x0];
	v4 =	vadd.f32 v36, v4;
	v12 =	vadd.f32 v43, v42  }
0x4f4: {  	s17 =	sor.u32 s9, s20;
	s20 =	sor.u32 s28, s6;
	v45 =	vld [tilespmem:s0+$0x200];
	v20 =	vadd.f32 v56, v20;
	v25 =	vadd.f32 v57, v25  }
0x4f5: {  	s21 =	sor.u32 s15, s6;
	v52 =	vld [tilespmem:s20+$0x0];
	v7 =	vadd.f32 v51, v7;
	v12 =	vadd.f32 v44, v12  }
0x4f6: {  	v53 =	vld [tilespmem:s21+$0x0];
	v3 =	vadd.f32 v21, v3;
	v10 =	vadd.f32 v35, v10  }
0x4f7: {  	s22 =	sor.u32 s9, s6;
	v57 =	vld [tilespmem:s10+$0x300];
	v4 =	vadd.f32 v14, v4;
	v8 =	vadd.f32 v8, v12  }
0x4f8: {  	s23 =	sor.u32 s28, s7;
	v54 =	vld [tilespmem:s22+$0x0];
	v40 =	vadd.f32 v59, v20;
	v41 =	vadd.f32 v60, v25  }
0x4f9: {  	v55 =	vld [tilespmem:s23+$0x0];
	v3 =	vadd.f32 v22, v3;
	v8 =	vadd.f32 v45, v8  }
0x4fa: {  	s26 =	sor.u32 s15, s7;
	v48 =	vld [tilespmem:s0+$0x380];
	v4 =	vadd.f32 v49, v4;
	v16 =	vadd.f32 v62, v40  }
0x4fb: {  	v56 =	vld [tilespmem:s26+$0x0];
	v3 =	vadd.f32 v23, v3;
	v8 =	vadd.f32 v46, v8  }
0x4fc: {  	s31 =	sor.u32 s28, s3;
	v51 =	vld [tilespmem:s17+$0x0];
	v20 =	vadd.f32 v63, v41;
	v10 =	vadd.f32 v57, v10  }
0x4fd: {  	s1 =	sor.u32 s15, s3;
	v58 =	vld [tilespmem:s31+$0x0];
	v3 =	vadd.f32 v24, v3;
	v8 =	vadd.f32 v47, v8  }
0x4fe: {  	s4 =	sor.u32 s9, s3;
	v59 =	vld [tilespmem:s1+$0x0];
	v4 =	vadd.f32 v52, v4;
	v10 =	vadd.f32 v38, v10  }
0x4ff: {  	s30 =	sor.u32 s9, s7;
	v60 =	vld [tilespmem:s4+$0x0];
	v3 =	vadd.f32 v13, v3;
	v8 =	vadd.f32 v48, v8  }
0x500: {  	s7 =	sor.u32 s28, s25;
	s6 =	sand.u32 $0x380, s2;
	v57 =	vld [tilespmem:s30+$0x0];
	v6 =	vadd.f32 v6, v16;
	v10 =	vadd.f32 v50, v10  }
0x501: {  	s8 =	sor.u32 s15, s25;
	s17 =	sor.u32 s28, s24;
	v61 =	vld [tilespmem:s7+$0x0];
	s0 =	sadd.s32 $0x19980, s6;
	v3 =	vadd.f32 v17, v3;
	v8 =	vadd.f32 v51, v8  }
0x502: {  	s3 =	simm.s32 $0x0;
	s2 =	simm.s32 $0x19980;
	v63 =	vld [tilespmem:s17+$0x0];
	s10 =	sor.u32 s11, s0;
	v4 =	vadd.f32 v55, v4;
	v10 =	vadd.f32 v53, v10  }
0x503: {  	s11 =	sor.u32 s9, s25;
	s12 =	sor.u32 s18, s0;
	s0 =	sor.u32 s5, s0;
	v3 =	vadd.f32 v11, v3;
	v11 =	vld [tilespmem:s8+$0x0];
	v8 =	vadd.f32 v54, v8  }
0x504: {  	s20 =	sor.u32 s9, s24;
	s13 =	sor.u32 s28, s16;
	s21 =	sor.u32 s28, s14;
	v62 =	vld [tilespmem:s11+$0x0];
	[tilespmem:s0+$0x0] =	vst v7;
	v4 =	vadd.f32 v58, v4;
	v10 =	vadd.f32 v56, v10  }
0x505: {  	s22 =	sor.u32 s15, s14;
	s23 =	sand.u32 $0x380, s29;
	s18 =	sor.u32 s15, s24;
	[tilespmem:s10+$0x0] =	vst v5;
	v5 =	vld [tilespmem:s20+$0x0];
	v9 =	vadd.f32 v9, v3;
	v7 =	vadd.f32 v57, v8  }
0x506: {  	s29 =	simm.s32 $0x80;
	s28 =	simm.s32 $0x400;
	s24 =	sor.u32 s9, s14;
	v12 =	vadd.f32 v61, v4;
	v3 =	vld [tilespmem:s18+$0x0];
	v8 =	vadd.f32 v59, v10  }
0x507: {  	s30 =	sadd.s32 $0x19980, s23;
	s5 =	simm.s32 $0x18FA0;
	s11 =	simm.s32 $0x194A0;
	[tilespmem:s2+$0x0] =	vst v20;
	v4 =	vld [tilespmem:s21+$0x0];
	v1 =	vadd.f32 v1, v9;
	v7 =	vadd.f32 v60, v7  }
0x508: {  	s10 =	sor.u32 s15, s16;
	s26 =	sor.u32 s15, s30;
	s31 =	sor.u32 s19, s30;
	[tilespmem:s12+$0x0] =	vst v6;
	v6 =	vld [tilespmem:s22+$0x0];
	v10 =	vadd.f32 v11, v8  }
0x509: {  	s25 =	sor.u32 s9, s30;
	s8 =	sor.u32 s9, s16;
	s18 =	simm.s32 $0x4;
	[tilespmem:s31+$0x0] =	vst v1;
	v8 =	vadd.f32 v63, v12;
	v9 =	vadd.f32 v62, v7;
	v7 =	vld [tilespmem:s24+$0x0]  }
.LBB2_29:
0x50a: {  	s12 =	sand.u32 $0x40, s29;
	s6 =	sand.u32 $0x1C00, s28;
	v1 =	vld [tilespmem:s13+$0x0]  }
0x50b: {  	s0 =	sadd.s32 $0x16500, s6;
	s14 =	sor.u32 $0x30, s12;
	v3 =	vadd.f32 v3, v10;
	v10 =	vld [tilespmem:s10+$0x0]  }
0x50c: {  	s1 =	sor.u32 s14, s0;
	v4 =	vadd.f32 v4, v8;
	v8 =	vld [tilespmem:s8+$0x0]  }
0x50d: {  	v5 =	vadd.f32 v5, v9;
	v9 =	vld [tilespmem:s1+$0x0]  }
0x50e: {  	s24 =	sor.u32 s12, s0;
	v3 =	vadd.f32 v6, v3;
	v6 =	vld [tilespmem:s1+$0x80]  }
0x50f: {  	v5 =	vadd.f32 v7, v5;
	v7 =	vld [tilespmem:s24+$0x0];
	v1 =	vadd.f32 v1, v4  }
0x510: {  	s2 =	sadd.s32 $0x40, s2;
	v4 =	vld [tilespmem:s1+$0x100];
	v3 =	vadd.f32 v10, v3  }
0x511: {  	v10 =	vld [tilespmem:s24+$0x80];
	[tilespmem:s2+$0x0] =	vst v1;
	v1 =	vadd.f32 v8, v5  }
0x512: {  	s31 =	sor.u32 $0x10, s12;
	v5 =	vld [tilespmem:s1+$0x180];
	[tilespmem:s26+$0x0] =	vst v3  }
0x513: {  	s15 =	sor.u32 s31, s0;
	[tilespmem:s25+$0x0] =	vst v1;
	v1 =	vld [tilespmem:s1+$0x200]  }
0x514: {  	s7 =	sor.u32 $0x20, s12;
	v3 =	vld [tilespmem:s15+$0x0]  }
0x515: {  	s16 =	sor.u32 s7, s0;
	v6 =	vadd.f32 v6, v9;
	v8 =	vld [tilespmem:s15+$0x80]  }
0x516: {  	v9 =	vld [tilespmem:s16+$0x0]  }
0x517: {  	v11 =	vld [tilespmem:s15+$0x100];
	v4 =	vadd.f32 v4, v6  }
0x518: {  	v6 =	vadd.f32 v10, v7;
	v7 =	vld [tilespmem:s1+$0x280]  }
0x519: {  	v10 =	vld [tilespmem:s16+$0x80];
	v4 =	vadd.f32 v5, v4  }
0x51a: {  	v5 =	vld [tilespmem:s1+$0x300]  }
0x51b: {  	s19 =	sadd.s32 $0x17900, s6;
	v1 =	vadd.f32 v1, v4;
	v4 =	vld [tilespmem:s1+$0x380]  }
0x51c: {  	s22 =	sor.u32 s14, s19;
	v3 =	vadd.f32 v8, v3;
	v8 =	vld [tilespmem:s24+$0x100]  }
0x51d: {  	s4 =	sadd.s32 $0x17980, s6;
	v1 =	vadd.f32 v7, v1;
	v7 =	vld [tilespmem:s22+$0x0]  }
0x51e: {  	s26 =	sor.u32 s14, s4;
	v3 =	vadd.f32 v11, v3;
	v11 =	vld [tilespmem:s15+$0x180]  }
0x51f: {  	s30 =	sadd.s32 $0x17A00, s6;
	v1 =	vadd.f32 v5, v1;
	v5 =	vadd.f32 v10, v9;
	v9 =	vld [tilespmem:s26+$0x0]  }
0x520: {  	s20 =	sor.u32 s12, s19;
	s10 =	sor.u32 s14, s30;
	v10 =	vld [tilespmem:s16+$0x100]  }
0x521: {  	s9 =	sor.u32 s31, s30;
	[dreg:$0xa] =	wrdreg s20;
	s26 =	sadd.s32 $0x17B80, s6;
	v1 =	vadd.f32 v4, v1;
	v4 =	vadd.f32 v8, v6;
	v6 =	vld [tilespmem:s10+$0x0]  }
0x522: {  	s21 =	sor.u32 s31, s19;
	[dreg:$0xc] =	wrdreg s9;
	s9 =	sor.u32 s12, s26;
	v8 =	vld [tilespmem:s24+$0x180]  }
0x523: {  	s13 =	sadd.s32 $0x17A80, s6;
	s0 =	sor.u32 s7, s19;
	[dreg:$0x5] =	wrdreg s21;
	v12 =	vld [tilespmem:s9+$0x0]  }
0x524: {  	s23 =	sor.u32 s12, s4;
	s19 =	sor.u32 s14, s13;
	[dreg:$0x7] =	wrdreg s0;
	v3 =	vadd.f32 v11, v3;
	v11 =	vld [tilespmem:s15+$0x200];
	v1 =	vadd.f32 v7, v1  }
0x525: {  	[dreg:$0xb] =	wrdreg s23;
	s20 =	sadd.s32 $0x17B00, s6;
	s25 =	sor.u32 s31, s4;
	v7 =	vld [tilespmem:s19+$0x0]  }
0x526: {  	s17 =	sor.u32 s31, s13;
	[dreg:$0x6] =	wrdreg s25;
	s25 =	sor.u32 s14, s20;
	v5 =	vadd.f32 v10, v5;
	v10 =	vld [tilespmem:s16+$0x180];
	v1 =	vadd.f32 v9, v1  }
0x527: {  	[dreg:$0x1a] =	wrdreg s17;
	s23 =	sor.u32 s7, s13;
	s8 =	sor.u32 s12, s30;
	v9 =	vld [tilespmem:s25+$0x0]  }
0x528: {  	[dreg:$0x18] =	wrdreg s8;
	s8 =	sor.u32 s14, s26;
	s10 =	sadd.s32 $0x17C00, s6;
	v4 =	vadd.f32 v8, v4;
	v8 =	vld [tilespmem:s24+$0x200];
	v1 =	vadd.f32 v6, v1  }
0x529: {  	s1 =	sor.u32 s7, s30;
	s30 =	sor.u32 s12, s13;
	s13 =	sor.u32 s14, s10;
	v6 =	vld [tilespmem:s8+$0x0]  }
0x52a: {  	s21 =	sor.u32 s12, s20;
	s17 =	sor.u32 s7, s20;
	[dreg:$0x1b] =	wrdreg s1;
	v1 =	vadd.f32 v7, v1;
	v7 =	vld [tilespmem:s13+$0x0]  }
0x52b: {  	s22 =	sor.u32 s31, s20;
	s20 =	sor.u32 s31, s26;
	s19 =	sadd.s32 $0x17C80, s6;
	v5 =	vadd.f32 v10, v5;
	v10 =	vld [tilespmem:s16+$0x200]  }
0x52c: {  	s1 =	sor.u32 s7, s26;
	s26 =	sand.u32 $0x380, s29;
	s25 =	sor.u32 s14, s19;
	v3 =	vadd.f32 v11, v3;
	v11 =	vld [tilespmem:s24+$0x300];
	v1 =	vadd.f32 v9, v1  }
0x52d: {  	s0 =	sor.u32 s12, s10;
	s13 =	sor.u32 s12, s19;
	s12 =	sadd.s32 $0x19980, s26;
	v9 =	vld [tilespmem:s25+$0x0]  }
0x52e: {  	s26 =	sor.u32 s31, s12;
	v1 =	vadd.f32 v6, v1;
	v6 =	vld [tilespmem:s24+$0x280]  }
0x52f: {  	v4 =	vadd.f32 v8, v4;
	v8 =	vld [tilespmem:s15+$0x280];
	s25 =	sor.u32 s7, s12;
	s12 =	sor.u32 s14, s12;
	s14 =	rddreg [dreg:$0xa]  }
0x530: {  	v5 =	vadd.f32 v10, v5;
	v10 =	vld [tilespmem:s14+$0x0];
	v1 =	vadd.f32 v7, v1  }
0x531: {  	v7 =	vld [tilespmem:s16+$0x280]  }
0x532: {  	v1 =	vadd.f32 v9, v1;
	v9 =	vld [tilespmem:s15+$0x300]  }
0x533: {  	v4 =	vadd.f32 v6, v4;
	v6 =	vld [tilespmem:s16+$0x300]  }
0x534: {  	s4 =	sor.u32 s7, s4;
	[tilespmem:s12+$0x0] =	vst v1;
	v1 =	vld [tilespmem:s24+$0x380]  }
0x535: {  	[dreg:$0x11] =	wrdreg s4;
	v3 =	vadd.f32 v8, v3;
	v8 =	vld [tilespmem:s15+$0x380]  }
0x536: {  	s15 =	rddreg [dreg:$0x5];
	v5 =	vadd.f32 v7, v5;
	v7 =	vld [tilespmem:s16+$0x380]  }
0x537: {  	s24 =	rddreg [dreg:$0xb];
	v4 =	vadd.f32 v11, v4;
	v3 =	vadd.f32 v9, v3;
	v9 =	vld [tilespmem:s15+$0x0]  }
0x538: {  	s4 =	sor.u32 s31, s10;
	s16 =	rddreg [dreg:$0x7];
	v5 =	vadd.f32 v6, v5;
	v6 =	vld [tilespmem:s24+$0x0]  }
0x539: {  	s6 =	sor.u32 s7, s10;
	s10 =	sor.u32 s31, s19;
	s31 =	rddreg [dreg:$0x6];
	v1 =	vadd.f32 v1, v4;
	v4 =	vld [tilespmem:s16+$0x0]  }
0x53a: {  	s14 =	rddreg [dreg:$0x11];
	v3 =	vadd.f32 v8, v3;
	v8 =	vld [tilespmem:s31+$0x0]  }
0x53b: {  	s15 =	rddreg [dreg:$0x18];
	v5 =	vadd.f32 v7, v5;
	v7 =	vld [tilespmem:s14+$0x0]  }
0x53c: {  	s16 =	rddreg [dreg:$0xc];
	v1 =	vadd.f32 v10, v1;
	v10 =	vld [tilespmem:s15+$0x0]  }
0x53d: {  	v3 =	vadd.f32 v9, v3;
	v9 =	vld [tilespmem:s16+$0x0]  }
0x53e: {  	s24 =	rddreg [dreg:$0x1b];
	v1 =	vadd.f32 v6, v1;
	v6 =	vld [tilespmem:s30+$0x0]  }
0x53f: {  	s31 =	rddreg [dreg:$0x1a];
	v4 =	vadd.f32 v4, v5;
	v5 =	vld [tilespmem:s24+$0x0]  }
0x540: {  	v3 =	vadd.f32 v8, v3;
	v8 =	vld [tilespmem:s31+$0x0]  }
0x541: {  	v4 =	vadd.f32 v7, v4;
	v7 =	vld [tilespmem:s23+$0x0]  }
0x542: {  	v1 =	vadd.f32 v10, v1;
	v10 =	vld [tilespmem:s21+$0x0]  }
0x543: {  	s18 =	sadd.s32 $0x4, s18;
	v3 =	vadd.f32 v9, v3;
	v9 =	vld [tilespmem:s22+$0x0]  }
0x544: {  	p0 =	slt.u32 s18, $0x24;
	v11 =	vld [tilespmem:s17+$0x0];
	v1 =	vadd.f32 v6, v1  }
.Ltmp13:
0x545: {  	v4 =	vadd.f32 v5, v4;
	v6 =	vadd.f32 v8, v3;
	v3 =	vld [tilespmem:s20+$0x0];
	(pc) =	sbr.rel @p0 .LBB2_29-.Ltmp13, $4  }
0x546: {  	v5 =	vld [tilespmem:s1+$0x0]  }
0x547: {  	v7 =	vadd.f32 v7, v4;
	v1 =	vadd.f32 v10, v1;
	v4 =	vld [tilespmem:s0+$0x0]  }
0x548: {  	s28 =	sadd.s32 $0x200, s28;
	s29 =	sadd.s32 $0x40, s29;
	v10 =	vadd.f32 v9, v6;
	v6 =	vld [tilespmem:s4+$0x0]  }
0x549: {  	s8 =	sor.u32 s7, s19;
	s19 =	simm.s32 $0x19720;
	s7 =	simm.s32 $0x199A0;
	v9 =	vadd.f32 v11, v7;
	v8 =	vadd.f32 v12, v1;
	v7 =	vld [tilespmem:s6+$0x0]  }
0x54a: {  	v1 =	vld [tilespmem:s13+$0x0]  }
0x54b: {  	v11 =	vld [tilespmem:s10+$0x0]  }
0x54c: {  	v3 =	vadd.f32 v3, v10;
	v10 =	vld [tilespmem:s8+$0x0]  }
0x54d: {  	v5 =	vadd.f32 v5, v9;
	v4 =	vadd.f32 v4, v8  }
0x54e: {  	v3 =	vadd.f32 v6, v3  }
0x54f: {  	v5 =	vadd.f32 v7, v5;
	v1 =	vadd.f32 v1, v4  }
0x550: {  	s0 =	sadd.s32 $0x40, s2;
	v3 =	vadd.f32 v11, v3  }
0x551: {  	[tilespmem:s0+$0x0] =	vst v1;
	v1 =	vadd.f32 v10, v5  }
0x552: {  	[tilespmem:s26+$0x0] =	vst v3  }
0x553: {  	[tilespmem:s25+$0x0] =	vst v1  }
0x554: {  	v1 =	vld [tilespmem:s7+$0x10]  }
0x555: {  	v3 =	vld [tilespmem:s5+$0x10]  }
0x556: {  	v7 =	vld [tilespmem:s7+$0xFFFFFFE0]  }
0x557: {  	v6 =	vld [tilespmem:s19+$0x10]  }
0x558: {  	v8 =	vld [tilespmem:s5+$0xFFFFFFE0]  }
0x559: {  	v9 =	vld [tilespmem:s7+$0xFFFFFFF0]  }
0x55a: {  	v10 =	vld [tilespmem:s5+$0xFFFFFFF0];
	v1 =	vadd.f32 v3, v1  }
0x55b: {  	v5 =	vld [tilespmem:s11+$0x10]  }
0x55c: {  	v11 =	vld [tilespmem:s7+$0x0];
	v1 =	vmul.f32 v1, v6  }
0x55d: {  	v12 =	vld [tilespmem:s5+$0x0]  }
0x55e: {  	v4 =	vld [tilespmem:s19+$0xFFFFFFF0];
	v13 =	vmul.f32 v1, v2  }
0x55f: {  	v3 =	vld [tilespmem:s19+$0x0]  }
0x560: {  	v13 =	vadd.f32 v13, v5;
	v5 =	vld [tilespmem:s19+$0xFFFFFFE0]  }
0x561: {  	v10 =	vadd.f32 v10, v9;
	v9 =	vld [tilespmem:s11+$0xFFFFFFF0];
	v1 =	vmul.f32 v1, v6  }
0x562: {  	v7 =	vadd.f32 v8, v7;
	v11 =	vadd.f32 v12, v11;
	v8 =	vld [tilespmem:s11+$0x0];
	[tilespmem:s11+$0x10] =	vst v13  }
0x563: {  	s2 =	simm.s32 $0x199E0;
	s1 =	simm.s32 $0x194A0;
	s0 =	simm.s32 $0x18FA0;
	v10 =	vmul.f32 v10, v4;
	v6 =	vld [tilespmem:s11+$0xFFFFFFE0];
	[tilespmem:s5+$0x10] =	vst v1  }
.LBB2_31:
0x564: {  	v1 =	vld [tilespmem:s2+$0x10];
	v11 =	vmul.f32 v11, v3;
	s5 =	sadd.s32 $0x40, s5  }
0x565: {  	v12 =	vld [tilespmem:s5+$0x10];
	v7 =	vmul.f32 v7, v5;
	v13 =	vmul.f32 v10, v2  }
0x566: {  	s3 =	sadd.s32 $0x4, s3;
	s19 =	sadd.s32 $0x40, s19;
	v4 =	vmul.f32 v10, v4;
	v14 =	vld [tilespmem:s2+$0xFFFFFFE0];
	v10 =	vmul.f32 v11, v2  }
0x567: {  	p0 =	slt.u32 s3, $0x24;
	v15 =	vld [tilespmem:s19+$0x10];
	v16 =	vmul.f32 v7, v2;
	v5 =	vmul.f32 v7, v5;
	v7 =	vadd.f32 v13, v9  }
0x568: {  	v3 =	vmul.f32 v11, v3;
	v9 =	vld [tilespmem:s5+$0xFFFFFFE0];
	v8 =	vadd.f32 v10, v8  }
0x569: {  	v10 =	vld [tilespmem:s2+$0xFFFFFFF0];
	v6 =	vadd.f32 v16, v6;
	[tilespmem:s11+$0xFFFFFFF0] =	vst v7  }
0x56a: {  	s11 =	sadd.s32 $0x40, s11;
	v11 =	vld [tilespmem:s5+$0xFFFFFFF0];
	v1 =	vadd.f32 v12, v1;
	[tilespmem:s0+$0xFFFFFFF0] =	vst v4  }
0x56b: {  	v12 =	vld [tilespmem:s11+$0x10];
	[tilespmem:s1+$0xFFFFFFE0] =	vst v6  }
0x56c: {  	v13 =	vld [tilespmem:s2+$0x0];
	v1 =	vmul.f32 v1, v15;
	[tilespmem:s0+$0xFFFFFFE0] =	vst v5  }
0x56d: {  	v7 =	vadd.f32 v9, v14;
	v14 =	vld [tilespmem:s5+$0x0];
	[tilespmem:s1+$0x0] =	vst v8;
	s1 =	smov.u32 s11  }
0x56e: {  	v4 =	vld [tilespmem:s19+$0xFFFFFFF0];
	v6 =	vmul.f32 v1, v2;
	[tilespmem:s0+$0x0] =	vst v3;
	s0 =	smov.u32 s5  }
.Ltmp14:
0x56f: {  	v8 =	vadd.f32 v11, v10;
	v3 =	vld [tilespmem:s19+$0x0];
	(pc) =	sbr.rel @p0 .LBB2_31-.Ltmp14, $4  }
0x570: {  	v5 =	vld [tilespmem:s19+$0xFFFFFFE0];
	v10 =	vadd.f32 v6, v12  }
0x571: {  	v1 =	vmul.f32 v1, v15;
	v6 =	vld [tilespmem:s11+$0xFFFFFFE0]  }
0x572: {  	v9 =	vld [tilespmem:s11+$0xFFFFFFF0];
	v11 =	vadd.f32 v14, v13;
	[tilespmem:s11+$0x10] =	vst v10  }
0x573: {  	s2 =	sadd.s32 $0x40, s2;
	v10 =	vmul.f32 v8, v4;
	v8 =	vld [tilespmem:s11+$0x0];
	[tilespmem:s5+$0x10] =	vst v1  }
0x574: {  	_ = 	snop  }
0x575: {  	v1 =	vmul.f32 v7, v5;
	v62 =	vmul.f32 v10, v2  }
0x576: {  	v11 =	vmul.f32 v11, v3  }
0x577: {  	v7 =	vadd.f32 v62, v9;
	v63 =	vmul.f32 v1, v2  }
0x578: {  	v4 =	vmul.f32 v10, v4;
	v2 =	vmul.f32 v11, v2  }
0x579: {  	v6 =	vadd.f32 v63, v6;
	[tilespmem:s11+$0xFFFFFFF0] =	vst v7  }
0x57a: {  	v2 =	vadd.f32 v2, v8;
	[tilespmem:s0+$0xFFFFFFF0] =	vst v4  }
0x57b: {  	v1 =	vmul.f32 v1, v5;
	[tilespmem:s1+$0xFFFFFFE0] =	vst v6  }
0x57c: {  	v3 =	vmul.f32 v11, v3;
	[tilespmem:s1+$0x0] =	vst v2  }
0x57d: {  	[tilespmem:s0+$0xFFFFFFE0] =	vst v1  }
0x57e: {  	[tilespmem:s0+$0x0] =	vst v3  }
0x57f: {  	s0 =	sld [smem:$0x7F5]  }
0x580: {  	s25 =	simm.s32 $0x80  }
0x581: {  	s2 =	simm.s32 $0x100;
	s3 =	simm.s32 $0x18F80;
	s26 =	simm.s32 $0x3  }
0x582: {  	[spmem:s0] =	stream.strided.scatter [tilespmem:s3], [sflag:$0x4], $0x280, s2, s25, $0x38;
	[tilespmem:$0x1F200] =	vst v63  }
0x583: {  	_ =	swait.ge [sflag:s26], $0x280  }
0x584: {  	[sflag:s26] =	ssyncset.done $0x0  }
0x585: {  	s28 =	simm.s32 $0x4;
	[sflag:s26] =	ssyncadd.s32 $0xFFFFFD80  }
0x586: {  	_ =	swait.ge [sflag:s28], $0x280  }
0x587: {  	[sflag:s28] =	ssyncset.done $0x0  }
0x588: {  	[sflag:s28] =	ssyncadd.s32 $0xFFFFFD80  }
0x589: {  	[bflag:$0x0] =	sbarrier.arrive $0xFFFF  }
0x58a: {  	s29 =	rddreg [dreg:$0x3]  }
0x58b: {  	s6 =	simm.s32 $0x9D00;
	s30 =	sld [smem:$0x7F6]  }
0x58c: {  	[tilespmem:s6], [sflag:$0x1] =	stream.strided.gather [spmem:s29], $0x2800, s2, s25, $0x38;
	[tilespmem:$0x1F200] =	vst v63  }
0x58d: {  	s7 =	simm.s32 $0xC500;
	s9 =	simm.s32 $0x1  }
0x58e: {  	[tilespmem:s7], [sflag:$0x2] =	stream.strided.gather [spmem:s30], $0x2800, s2, s25, $0x38;
	[tilespmem:$0x1F200] =	vst v63  }
0x58f: {  	_ =	swait.ge [sflag:s9], $0x2800  }
0x590: {  	[sflag:s9] =	ssyncset.done $0x0  }
0x591: {  	s31 =	simm.s32 $0x2;
	[sflag:s9] =	ssyncadd.s32 $0xFFFFD800  }
0x592: {  	_ =	swait.ge [sflag:s31], $0x2800  }
0x593: {  	s10 =	sld [smem:$0x7EE];
	_ =	sdelay $0x2  }
0x594: {  	p0 =	sne.s32 s10, $0xA  }
.Ltmp15:
0x595: {  	_ = 	snop;
	(pc) =	sbr.rel @p0 .LBB2_18-.Ltmp15, $3  }
0x596: {  	_ =	sdelay $0x1  }
0x597: {  	[sflag:s31] =	ssyncset.done $0x0  }
0x598: {  	s4 =	simm.s32 $0xED00;
	s8 =	simm.s32 $0x11500;
	[sflag:s31] =	ssyncadd.s32 $0xFFFFD800  }
0x599: {  	s0 =	sld [smem:$0x7FB];
	_ =	sdelay $0x1  }
0x59a: {  	s12 =	simm.s32 $0x0;
	s1 =	simm.s32 $0x19200;
	s5 =	simm.s32 $0x5  }
0x59b: {  	[hbm4b:s0+s12] =	stream.linear.scatter [tilespmem:s1], [sflag:$0x5], $0x280, $0x38;
	[tilespmem:$0x1F200] =	vst v63  }
0x59c: {  	_ =	swait.ge [sflag:s5], $0x280  }
0x59d: {  	s28 =	sld [smem:$0x7FC]  }
0x59e: {  	[sflag:s5] =	ssyncset.done $0x0  }
0x59f: {  	s29 =	simm.s32 $0x19480;
	[sflag:s5] =	ssyncadd.s32 $0xFFFFFD80  }
0x5a0: {  	[hbm4b:s28+s12] =	stream.linear.scatter [tilespmem:s29], [sflag:$0x5], $0x280, $0x38;
	[tilespmem:$0x1F200] =	vst v63  }
0x5a1: {  	_ =	swait.ge [sflag:s5], $0x280  }
0x5a2: {  	s30 =	sld [smem:$0x7EF]  }
0x5a3: {  	s31 =	sld [smem:$0x7FD];
	_ =	sdelay $0x1  }
0x5a4: {  	s1 =	sadd.s32 $0x1, s30  }
0x5a5: {  	p0 =	sne.s32 s1, s31  }
.Ltmp16:
0x5a6: {  	_ = 	snop;
	(pc) =	sbr.rel @p0 .LBB2_1-.Ltmp16, $3  }
0x5a7: {  	_ =	sdelay $0x1  }
0x5a8: {  	[sflag:s5] =	ssyncset.done $0x0  }
0x5a9: {  	v1 =	vimm.f32 $1.000000000e+00;
	[sflag:s5] =	ssyncadd.s32 $0xFFFFFD80  }
0x5aa: {  	_ =	sfence.sel $0x180000  }
0x5ab: {  	[bflag:$0x0] =	sbarrier.arrive $0xFFFF  }
0x5ac: {  	_ =	strace $0x90000047  }
0x5ad: {  	s0 =	stileid.u32;
	[bflag:$0x2] =	sbarrier.arrive $0xFFFF  }
0x5ae: {  	p0 =	sne.s32 s0, $0x0;
	s0 =	rddreg [dreg:$0x4]  }
0x5af: {  	s0 =	sadd.s32 @!p0 $0x100000, s0  }
0x5b0: {  	[sflag:s0] =	ssyncadd.tile.s32 @!p0 $0x1;
	_ =	shalt  }
.Lfunc_end2:
_tile_overlayer_lowered:
.L_overlay_start_2:
0x5b1: {  	(tag) =	ssettag $0x2  }
0x5b2: {  	s0 =	rddreg [dreg:$0x0];
	s2 =	stileid.u32  }
0x5b3: {  	s1 =	rddreg [dreg:$0x1];
	p0 =	sne.s32 s2, $0x0  }
0x5b4: {  	s3 =	rddreg [dreg:$0x2];
	[bflag:$0x3] =	sbarrier.arrive $0xFFFF;
	s2 =	simm.s32 @!p0 $0x1C05  }
0x5b5: {  	[timem:s3], [sflag:s2] =	dma.local @!p0 [hbm:s0], s1  }
0x5b6: {  	s0 =	simm.s32 @!p0 $0x5  }
0x5b7: {  	_ =	swait.ge @!p0 [sflag:s0], s1  }
0x5b8: {  	s1 =	ssub.s32 @!p0 $0x0, s1;
	[sflag:s0] =	ssyncset.done @!p0 $0x0  }
0x5b9: {  	[sflag:s0] =	ssyncadd.s32 @!p0 s1  }
0x5ba: {  	[bflag:$0x3] =	sbarrier.arrive $0xFFFF  }
0x5bb: {  	_ =	shalt  }

</sc_bundles>
